<compile_context>
chip_gen: v7x
topology: tpu7x:2x2x1
jax: 0.10.2.dev20260603
libtpu: 0.0.44.dev20260713+nightly
codegen_flags: <defaults>
</compile_context>

<pallas_src>
import functools

import jax
import jax.numpy as jnp
from jax import lax
from jax.experimental import pallas as pl
from jax.experimental.pallas import tpu as pltpu
from jax.experimental.pallas import tpu_sc as plsc

_N = 10000
_E = 320000
_D = 128
_L = 5
_G = 256
_EPS = 1e-5

_NC = 2
_NS = 16
_NW = _NC * _NS
_K = 80
_EC = _E // (_NW * _K)
_NPAD = 10240
_RPT = _NPAD // _NS
_XC = _NPAD // (_NW * _K)

_R = 1000
_NB = _N // _R

_mesh = plsc.VectorSubcoreMesh(core_axis_name="c", subcore_axis_name="s")



def _make_edge_scatter(w):

    @functools.partial(
        pl.kernel,
        mesh=_mesh,
        out_type=jax.ShapeDtypeStruct((_NC, _NPAD, w), jnp.float32),
        scratch_types=[
            pltpu.VMEM((_EC, _K), jnp.int32),
            pltpu.VMEM((_EC, _K), jnp.int32),
            pltpu.VMEM((_K, w), jnp.float32),
            pltpu.VMEM_SHARED((_NPAD, w), jnp.float32),
            pltpu.SemaphoreType.DMA,
        ],
    )
    def k(table_hbm, src_hbm, dst_hbm, zeros_hbm, out_hbm,
          src_v, dst_v, rows_v, acc_sh, sem):
        c = lax.axis_index("c")
        s = lax.axis_index("s")
        wid = c * _NS + s
        row0 = pl.multiple_of(s * _RPT, 8)
        pltpu.sync_copy(zeros_hbm, acc_sh.at[pl.ds(row0, _RPT)])
        pltpu.sync_copy(src_hbm.at[wid], src_v)
        pltpu.sync_copy(dst_hbm.at[wid], dst_v)
        plsc.subcore_barrier()

        def body(j, carry):
            pltpu.async_copy(table_hbm.at[src_v.at[j]], rows_v, sem).wait()
            pltpu.sync_copy(rows_v, acc_sh.at[dst_v.at[j]], add=True)
            return carry

        lax.fori_loop(0, _EC, body, 0)
        plsc.subcore_barrier()
        pltpu.sync_copy(acc_sh.at[pl.ds(row0, _RPT)],
                        out_hbm.at[c, pl.ds(row0, _RPT)])

    return k


_edge_scatter = _make_edge_scatter(_D)


@functools.partial(
    pl.kernel,
    mesh=_mesh,
    out_type=jax.ShapeDtypeStruct((_NPAD, _D), jnp.float32),
    scratch_types=[
        pltpu.VMEM((_XC, _K), jnp.int32),
        pltpu.VMEM((_K, _D), jnp.float32),
        pltpu.SemaphoreType.DMA,
    ],
)
def _embed_gather(table_hbm, idx_hbm, out_hbm, idx_v, rows_v, sem):
    c = lax.axis_index("c")
    s = lax.axis_index("s")
    wid = c * _NS + s
    pltpu.sync_copy(idx_hbm.at[wid], idx_v)

    def body(j, carry):
        pltpu.async_copy(table_hbm.at[idx_v.at[j]], rows_v, sem).wait()
        base = pl.multiple_of(wid * (_XC * _K) + j * _K, 8)
        pltpu.sync_copy(rows_v, out_hbm.at[pl.ds(base, _K)])
        return carry

    lax.fori_loop(0, _XC, body, 0)



def _dense_a(p_ref, h_ref, cnt_ref, et_ref, cb_ref,
             w1_ref, b1_ref, w2_ref, b2_ref, ho_ref, stats_ref, acc_ref):
    i = pl.program_id(0)
    cnt = cnt_ref[0] + cnt_ref[1]
    a = (p_ref[0] + p_ref[1] + h_ref[...] + cb_ref[...]
         + jnp.dot(cnt, et_ref[...], preferred_element_type=jnp.float32,
                   precision=lax.Precision.HIGHEST))
    hm = jnp.maximum(
        jnp.dot(a, w1_ref[...], preferred_element_type=jnp.float32)
        + b1_ref[...], 0.0)
    ho = (jnp.dot(hm, w2_ref[...], preferred_element_type=jnp.float32)
          + b2_ref[...])
    ho_ref[...] = ho

    @pl.when(i == 0)
    def _():
        acc_ref[...] = jnp.zeros_like(acc_ref)

    acc_ref[0:1, :] = acc_ref[0:1, :] + jnp.sum(ho, axis=0, keepdims=True)

    @pl.when(i == _NB - 1)
    def _():
        stats_ref[...] = acc_ref[...]


def _dense_a_call(p, h, cnt, et, cb, w1, b1, w2, b2):
    blk = lambda r, c: pl.BlockSpec((r, c), lambda i: (i, 0))
    cst = lambda r, c: pl.BlockSpec((r, c), lambda i: (0, 0))
    return pl.pallas_call(
        _dense_a,
        grid=(_NB,),
        in_specs=[
            pl.BlockSpec((2, _R, _D), lambda i: (0, i, 0)),
            blk(_R, _D),
            pl.BlockSpec((2, _R, _D), lambda i: (0, i, 0)),
            cst(_D, _D), cst(1, _D),
            cst(_D, 2 * _D), cst(1, 2 * _D), cst(2 * _D, _D), cst(1, _D),
        ],
        out_specs=[blk(_R, _D), cst(8, _D)],
        out_shape=[
            jax.ShapeDtypeStruct((_N, _D), jnp.float32),
            jax.ShapeDtypeStruct((8, _D), jnp.float32),
        ],
        scratch_shapes=[pltpu.VMEM((8, _D), jnp.float32)],
    )(p, h, cnt, et, cb, w1, b1, w2, b2)


def _dense_v(ho_ref, stats_ref, vstats_ref, acc_ref):
    i = pl.program_id(0)
    mean = stats_ref[0:1, :] / _N
    dev = ho_ref[...] - mean

    @pl.when(i == 0)
    def _():
        acc_ref[...] = jnp.zeros_like(acc_ref)

    acc_ref[0:1, :] = acc_ref[0:1, :] + jnp.sum(dev * dev, axis=0,
                                                keepdims=True)

    @pl.when(i == _NB - 1)
    def _():
        vstats_ref[...] = acc_ref[...]


def _dense_v_call(ho, stats):
    return pl.pallas_call(
        _dense_v,
        grid=(_NB,),
        in_specs=[
            pl.BlockSpec((_R, _D), lambda i: (i, 0)),
            pl.BlockSpec((8, _D), lambda i: (0, 0)),
        ],
        out_specs=pl.BlockSpec((8, _D), lambda i: (0, 0)),
        out_shape=jax.ShapeDtypeStruct((8, _D), jnp.float32),
        scratch_shapes=[pltpu.VMEM((8, _D), jnp.float32)],
    )(ho, stats)


def _dense_b(last, ho_ref, stats_ref, vstats_ref, g_ref, b_ref, out_ref):
    mean = stats_ref[0:1, :] / _N
    var = vstats_ref[0:1, :] / _N
    inv = lax.rsqrt(var + _EPS)
    y = (ho_ref[...] - mean) * inv * g_ref[...] + b_ref[...]
    if not last:
        y = jnp.maximum(y, 0.0)
    out_ref[...] = y


def _dense_b_call(last, ho, stats, vstats, g, b):
    return pl.pallas_call(
        functools.partial(_dense_b, last),
        grid=(_NB,),
        in_specs=[
            pl.BlockSpec((_R, _D), lambda i: (i, 0)),
            pl.BlockSpec((8, _D), lambda i: (0, 0)),
            pl.BlockSpec((8, _D), lambda i: (0, 0)),
            pl.BlockSpec((1, _D), lambda i: (0, 0)),
            pl.BlockSpec((1, _D), lambda i: (0, 0)),
        ],
        out_specs=pl.BlockSpec((_R, _D), lambda i: (i, 0)),
        out_shape=jax.ShapeDtypeStruct((_N, _D), jnp.float32),
    )(ho, stats, vstats, g, b)


def _pool(h_ref, batch_ref, pw_ref, pb_ref, out_ref, acc_ref):
    i = pl.program_id(0)

    @pl.when(i == 0)
    def _():
        acc_ref[...] = jnp.zeros_like(acc_ref)

    seg = lax.broadcasted_iota(jnp.int32, (_R, _G), 1)
    onehot = (batch_ref[...] == seg).astype(jnp.float32)
    acc_ref[...] = acc_ref[...] + lax.dot_general(
        onehot, h_ref[...], (((0,), (0,)), ((), ())),
        preferred_element_type=jnp.float32,
        precision=lax.Precision.HIGHEST)

    @pl.when(i == _NB - 1)
    def _():
        out_ref[...] = (jnp.dot(acc_ref[...], pw_ref[...],
                                preferred_element_type=jnp.float32)
                        + pb_ref[...])


def _pool_call(h, batch2, pwpad, pb):
    return pl.pallas_call(
        _pool,
        grid=(_NB,),
        in_specs=[
            pl.BlockSpec((_R, _D), lambda i: (i, 0)),
            pl.BlockSpec((_R, 1), lambda i: (i, 0)),
            pl.BlockSpec((_D, _D), lambda i: (0, 0)),
            pl.BlockSpec((1, _D), lambda i: (0, 0)),
        ],
        out_specs=pl.BlockSpec((_G, _D), lambda i: (0, 0)),
        out_shape=jax.ShapeDtypeStruct((_G, _D), jnp.float32),
        scratch_shapes=[pltpu.VMEM((_G, _D), jnp.float32)],
    )(h, batch2, pwpad, pb)



def kernel(x, edge_index, edge_attr, batch, x_emb1, x_emb2, edge_emb1,
           edge_emb2, W1, b1, W2, b2, bn_g, bn_b, pred_W, pred_b):
    f32 = jnp.float32
    src = edge_index[0].astype(jnp.int32).reshape(_NW, _EC, _K)
    dst = edge_index[1].astype(jnp.int32).reshape(_NW, _EC, _K)
    ecombo = (edge_attr[:, 0] * 3 + edge_attr[:, 1]).astype(jnp.int32)
    ecombo = ecombo.reshape(_NW, _EC, _K)
    xc = (x[:, 0] * 3 + x[:, 1]).astype(jnp.int32)
    xc = jnp.concatenate([xc, jnp.zeros((_NPAD - _N,), jnp.int32)])
    xc = xc.reshape(_NW, _XC, _K)
    t_node = (x_emb1[:, None, :] + x_emb2[None, :, :]).reshape(-1, _D)
    t_node = t_node.astype(f32)
    eye_tab = jnp.eye(32, _D, dtype=f32)
    tcb = jnp.arange(18) // 3
    rcb = jnp.arange(18) % 3
    et = edge_emb1[:, tcb, :] + edge_emb2[:, rcb, :]
    et = jnp.concatenate(
        [et, jnp.zeros((_L, _D - 18, _D), f32)], axis=1)
    cb = (edge_emb1[:, 4, :] + edge_emb2[:, 0, :]).reshape(_L, 1, _D)
    zeros_d = jnp.zeros((_RPT, _D), f32)

    cnt = _edge_scatter(eye_tab, ecombo, dst, zeros_d)
    h = _embed_gather(t_node, xc)

    for l in range(_L):
        p = _edge_scatter(h, src, dst, zeros_d)
        ho, stats = _dense_a_call(
            p, h, cnt, et[l], cb[l],
            W1[l], b1[l].reshape(1, -1), W2[l], b2[l].reshape(1, -1))
        vstats = _dense_v_call(ho, stats)
        h = _dense_b_call(l == _L - 1, ho, stats, vstats,
                          bn_g[l].reshape(1, -1), bn_b[l].reshape(1, -1))

    pwpad = jnp.pad(pred_W.astype(f32), ((0, 0), (0, _D - pred_W.shape[1])))
    pbb = jnp.broadcast_to(pred_b.reshape(1, -1), (1, _D)).astype(f32)
    out = _pool_call(h, batch.astype(jnp.int32).reshape(-1, 1), pwpad, pbb)
    return out[:, :pred_W.shape[1]]

# --- scband reference (transcript-rebuilt; emitter-appended) ---
"""Pipeline reference for scband-gnn-graphpred-31593779429494 (READ-ONLY COPY).

The authoritative reference and input builder live on the scoring server;
editing this copy changes nothing except your own understanding.
"""

import jax, jax.numpy as jnp
import numpy as np

NUM_LAYER = 5
EMB_DIM = 128
NUM_TASKS = 1
NUM_GRAPHS = 256
N_NODES = 10000
N_EDGES = 320000
NUM_ATOM_TYPE = 120
NUM_CHIRALITY = 3
NUM_BOND_TYPE = 6
NUM_BOND_DIR = 3
EPS = 1e-5


def setup_inputs(seed: int = 0) -> dict:
    key = jax.random.key(seed)
    ks = jax.random.split(key, 12)
    s = 0.05
    x = jax.random.randint(ks[0], (N_NODES, 2), 0, 3)
    edge_index = jax.random.randint(ks[1], (2, N_EDGES), 0, N_NODES)
    edge_attr = jax.random.randint(ks[2], (N_EDGES, 2), 0, 3)
    batch = jnp.sort(jax.random.randint(ks[3], (N_NODES,), 0, NUM_GRAPHS))
    x_emb1 = jax.random.normal(ks[4], (NUM_ATOM_TYPE, EMB_DIM)) * s
    x_emb2 = jax.random.normal(ks[5], (NUM_CHIRALITY, EMB_DIM)) * s
    edge_emb1 = jax.random.normal(ks[6], (NUM_LAYER, NUM_BOND_TYPE, EMB_DIM)) * s
    edge_emb2 = jax.random.normal(ks[7], (NUM_LAYER, NUM_BOND_DIR, EMB_DIM)) * s
    W1 = jax.random.normal(ks[8], (NUM_LAYER, EMB_DIM, 2 * EMB_DIM)) * s
    b1 = jnp.zeros((NUM_LAYER, 2 * EMB_DIM))
    W2 = jax.random.normal(ks[9], (NUM_LAYER, 2 * EMB_DIM, EMB_DIM)) * s
    b2 = jnp.zeros((NUM_LAYER, EMB_DIM))
    bn_g = jnp.ones((NUM_LAYER, EMB_DIM))
    bn_b = jnp.zeros((NUM_LAYER, EMB_DIM))
    pred_W = jax.random.normal(ks[10], (EMB_DIM, NUM_TASKS)) * s
    pred_b = jnp.zeros((NUM_TASKS,))
    return {"x": x, "edge_index": edge_index, "edge_attr": edge_attr, "batch": batch,
            "x_emb1": x_emb1, "x_emb2": x_emb2, "edge_emb1": edge_emb1, "edge_emb2": edge_emb2,
            "W1": W1, "b1": b1, "W2": W2, "b2": b2, "bn_g": bn_g, "bn_b": bn_b,
            "pred_W": pred_W, "pred_b": pred_b}


def _gnn_forward(x, edge_index, edge_attr, batch, x_emb1, x_emb2, edge_emb1, edge_emb2,
                 W1, b1, W2, b2, bn_g, bn_b, pred_W, pred_b):
    # node input embeddings: atom type + chirality
    h = x_emb1[x[:, 0]] + x_emb2[x[:, 1]]
    N = h.shape[0]
    # add self loops (GINConv from chem pretrain-gnns); self-loop bond type = 4, direction = 0
    sl = jnp.arange(N, dtype=edge_index.dtype)
    ei = jnp.concatenate([edge_index, jnp.stack([sl, sl])], axis=1)
    sl_attr = jnp.zeros((N, 2), dtype=edge_attr.dtype).at[:, 0].set(4)
    ea = jnp.concatenate([edge_attr, sl_attr], axis=0)
    src = ei[0]
    dst = ei[1]
    for l in range(NUM_LAYER):
        e_emb = edge_emb1[l][ea[:, 0]] + edge_emb2[l][ea[:, 1]]
        msg = h[src] + e_emb                       # gather (memory-bound)
        agg = jax.ops.segment_sum(msg, dst, num_segments=N)  # scatter-add
        hm = jnp.maximum(agg @ W1[l] + b1[l], 0.0)
        ho = hm @ W2[l] + b2[l]
        # BatchNorm1d in training mode (batch statistics)
        mean = ho.mean(axis=0)
        var = ho.var(axis=0)
        ho = (ho - mean) / jnp.sqrt(var + EPS) * bn_g[l] + bn_b[l]
        if l < NUM_LAYER - 1:
            ho = jnp.maximum(ho, 0.0)
        h = ho
    # JK = last, global add pooling over graphs in the batch
    graph_rep = jax.ops.segment_sum(h, batch, num_segments=NUM_GRAPHS)
    out = graph_rep @ pred_W + pred_b
    return out


def reference(x, edge_index, edge_attr, batch, x_emb1, x_emb2, edge_emb1, edge_emb2,
              W1, b1, W2, b2, bn_g, bn_b, pred_W, pred_b):
    return _gnn_forward(x, edge_index, edge_attr, batch, x_emb1, x_emb2, edge_emb1, edge_emb2,
                        W1, b1, W2, b2, bn_g, bn_b, pred_W, pred_b)

if __name__ == "__main__":
    import jax
    _d = setup_inputs()
    print(jax.jit(kernel)(*tuple(_d.values())))

</pallas_src>

<mosaic_0001>
#map = affine_map<(d0, d1) -> (0, 0)>
#map1 = affine_map<(d0, d1) -> (0, 0, 0)>
module attributes {stable_mosaic.version = 14 : i64} {
  func.func @k(%arg0: i32, %arg1: i32, %arg2: memref<10000x128xf32, #tpu.memory_space<hbm>>, %arg3: memref<32x125x80xi32, #tpu.memory_space<hbm>>, %arg4: memref<32x125x80xi32, #tpu.memory_space<hbm>>, %arg5: memref<640x128xf32, #tpu.memory_space<hbm>>, %arg6: memref<2x10240x128xf32, #tpu.memory_space<hbm>>, %arg7: memref<125x80xi32, #tpu.memory_space<vmem>>, %arg8: memref<125x80xi32, #tpu.memory_space<vmem>>, %arg9: memref<80x128xf32, #tpu.memory_space<vmem>>, %arg10: memref<10240x128xf32, #tpu.memory_space<vmem_shared>>, %arg11: memref<!tpu.dma_semaphore, #tpu.memory_space<semaphore_mem>>) attributes {dimension_semantics = [#tpu.dimension_semantics<core_parallel>, #tpu.dimension_semantics<subcore_parallel>], iteration_bounds = array<i64: 2, 16>, scalar_prefetch = 0 : i64, scratch_operands = 5 : i64, tpu.core_type = #tpu.core_type<sc_vector_subcore>, window_params = [{transform_indices = #map}, {transform_indices = #map1}, {transform_indices = #map1}, {transform_indices = #map}, {transform_indices = #map1}]} {
    %mul3A = arith.constant 16 : i32
    %mul3A_0 = arith.muli %arg0, %mul3A : i32
    %add3A = arith.addi %mul3A_0, %arg1 : i32
    %mul3A_1 = arith.constant 640 : i32
    %mul3A_2 = arith.muli %arg1, %mul3A_1 : i32
    %multiple_of3A = tpu.assume_multiple %mul3A_2, 8 : i32
    "tpu.region"() ({
      %run_scoped3A = tpu.sem_alloc : memref<!tpu.dma_semaphore, #tpu.memory_space<semaphore_mem>>
      %dma_start3A = arith.constant 0 : i32
      %dma_start3A_9 = tpu.memref_slice %arg10[%multiple_of3A, %dma_start3A] : memref<10240x128xf32, #tpu.memory_space<vmem_shared>> -> memref<640x128xf32, #tpu.memory_space<vmem_shared>>
      tpu.enqueue_dma source(%arg5 : memref<640x128xf32, #tpu.memory_space<hbm>>) target(%dma_start3A_9 : memref<640x128xf32, #tpu.memory_space<vmem_shared>>) target_semaphore(%run_scoped3A : memref<!tpu.dma_semaphore, #tpu.memory_space<semaphore_mem>>)
      %dma_wait3A = arith.constant 0 : i32
      %dma_wait3A_10 = tpu.memref_slice %arg10[%multiple_of3A, %dma_wait3A] : memref<10240x128xf32, #tpu.memory_space<vmem_shared>> -> memref<640x128xf32, #tpu.memory_space<vmem_shared>>
      tpu.wait_dma2 semaphore(%run_scoped3A : memref<!tpu.dma_semaphore, #tpu.memory_space<semaphore_mem>>) src(%arg5 : memref<640x128xf32, #tpu.memory_space<hbm>>) dst(%dma_wait3A_10 : memref<640x128xf32, #tpu.memory_space<vmem_shared>>)
      tpu.yield
    }) : () -> ()
    "tpu.region"() ({
      %run_scoped3A = tpu.sem_alloc : memref<!tpu.dma_semaphore, #tpu.memory_space<semaphore_mem>>
      %dma_start3A = arith.constant 0 : i32
      %dma_start3A_9 = arith.constant 0 : i32
      %dma_start3A_10 = tpu.memref_slice %arg3[%add3A, %dma_start3A, %dma_start3A_9] : memref<32x125x80xi32, #tpu.memory_space<hbm>> -> memref<1x125x80xi32, #tpu.memory_space<hbm>>
      %dma_start3A_11 = tpu.memref_squeeze %dma_start3A_10 : memref<1x125x80xi32, #tpu.memory_space<hbm>> -> memref<125x80xi32, #tpu.memory_space<hbm>>
      %dma_start3A_12 = arith.constant 0 : i32
      %dma_start3A_13 = arith.constant 0 : i32
      %dma_start3A_14 = tpu.memref_slice %arg3[%add3A, %dma_start3A_12, %dma_start3A_13] : memref<32x125x80xi32, #tpu.memory_space<hbm>> -> memref<1x125x80xi32, #tpu.memory_space<hbm>>
      %dma_start3A_15 = tpu.memref_squeeze %dma_start3A_14 : memref<1x125x80xi32, #tpu.memory_space<hbm>> -> memref<125x80xi32, #tpu.memory_space<hbm>>
      tpu.enqueue_dma source(%dma_start3A_15 : memref<125x80xi32, #tpu.memory_space<hbm>>) target(%arg7 : memref<125x80xi32, #tpu.memory_space<vmem>>) target_semaphore(%run_scoped3A : memref<!tpu.dma_semaphore, #tpu.memory_space<semaphore_mem>>)
      %dma_wait3A = arith.constant 0 : i32
      %dma_wait3A_16 = arith.constant 0 : i32
      %dma_wait3A_17 = tpu.memref_slice %arg3[%add3A, %dma_wait3A, %dma_wait3A_16] : memref<32x125x80xi32, #tpu.memory_space<hbm>> -> memref<1x125x80xi32, #tpu.memory_space<hbm>>
      %dma_wait3A_18 = tpu.memref_squeeze %dma_wait3A_17 : memref<1x125x80xi32, #tpu.memory_space<hbm>> -> memref<125x80xi32, #tpu.memory_space<hbm>>
      %dma_wait3A_19 = arith.constant 0 : i32
      %dma_wait3A_20 = arith.constant 0 : i32
      %dma_wait3A_21 = tpu.memref_slice %arg3[%add3A, %dma_wait3A_19, %dma_wait3A_20] : memref<32x125x80xi32, #tpu.memory_space<hbm>> -> memref<1x125x80xi32, #tpu.memory_space<hbm>>
      %dma_wait3A_22 = tpu.memref_squeeze %dma_wait3A_21 : memref<1x125x80xi32, #tpu.memory_space<hbm>> -> memref<125x80xi32, #tpu.memory_space<hbm>>
      tpu.wait_dma2 semaphore(%run_scoped3A : memref<!tpu.dma_semaphore, #tpu.memory_space<semaphore_mem>>) src(%dma_wait3A_22 : memref<125x80xi32, #tpu.memory_space<hbm>>) dst(%arg7 : memref<125x80xi32, #tpu.memory_space<vmem>>)
      tpu.yield
    }) : () -> ()
    "tpu.region"() ({
      %run_scoped3A = tpu.sem_alloc : memref<!tpu.dma_semaphore, #tpu.memory_space<semaphore_mem>>
      %dma_start3A = arith.constant 0 : i32
      %dma_start3A_9 = arith.constant 0 : i32
      %dma_start3A_10 = tpu.memref_slice %arg4[%add3A, %dma_start3A, %dma_start3A_9] : memref<32x125x80xi32, #tpu.memory_space<hbm>> -> memref<1x125x80xi32, #tpu.memory_space<hbm>>
      %dma_start3A_11 = tpu.memref_squeeze %dma_start3A_10 : memref<1x125x80xi32, #tpu.memory_space<hbm>> -> memref<125x80xi32, #tpu.memory_space<hbm>>
      %dma_start3A_12 = arith.constant 0 : i32
      %dma_start3A_13 = arith.constant 0 : i32
      %dma_start3A_14 = tpu.memref_slice %arg4[%add3A, %dma_start3A_12, %dma_start3A_13] : memref<32x125x80xi32, #tpu.memory_space<hbm>> -> memref<1x125x80xi32, #tpu.memory_space<hbm>>
      %dma_start3A_15 = tpu.memref_squeeze %dma_start3A_14 : memref<1x125x80xi32, #tpu.memory_space<hbm>> -> memref<125x80xi32, #tpu.memory_space<hbm>>
      tpu.enqueue_dma source(%dma_start3A_15 : memref<125x80xi32, #tpu.memory_space<hbm>>) target(%arg8 : memref<125x80xi32, #tpu.memory_space<vmem>>) target_semaphore(%run_scoped3A : memref<!tpu.dma_semaphore, #tpu.memory_space<semaphore_mem>>)
      %dma_wait3A = arith.constant 0 : i32
      %dma_wait3A_16 = arith.constant 0 : i32
      %dma_wait3A_17 = tpu.memref_slice %arg4[%add3A, %dma_wait3A, %dma_wait3A_16] : memref<32x125x80xi32, #tpu.memory_space<hbm>> -> memref<1x125x80xi32, #tpu.memory_space<hbm>>
      %dma_wait3A_18 = tpu.memref_squeeze %dma_wait3A_17 : memref<1x125x80xi32, #tpu.memory_space<hbm>> -> memref<125x80xi32, #tpu.memory_space<hbm>>
      %dma_wait3A_19 = arith.constant 0 : i32
      %dma_wait3A_20 = arith.constant 0 : i32
      %dma_wait3A_21 = tpu.memref_slice %arg4[%add3A, %dma_wait3A_19, %dma_wait3A_20] : memref<32x125x80xi32, #tpu.memory_space<hbm>> -> memref<1x125x80xi32, #tpu.memory_space<hbm>>
      %dma_wait3A_22 = tpu.memref_squeeze %dma_wait3A_21 : memref<1x125x80xi32, #tpu.memory_space<hbm>> -> memref<125x80xi32, #tpu.memory_space<hbm>>
      tpu.wait_dma2 semaphore(%run_scoped3A : memref<!tpu.dma_semaphore, #tpu.memory_space<semaphore_mem>>) src(%dma_wait3A_22 : memref<125x80xi32, #tpu.memory_space<hbm>>) dst(%arg8 : memref<125x80xi32, #tpu.memory_space<vmem>>)
      tpu.yield
    }) : () -> ()
    %barrier3A = arith.constant 0 : index
    tpu.barrier barrier_id(%barrier3A)
    %scan3A = arith.constant 0 : i32
    %scan3A_3 = arith.constant 0 : i32
    %scan3A_4 = arith.constant 125 : i32
    %scan3A_5 = arith.addi %scan3A_3, %scan3A_4 : i32
    %scan3A_6 = arith.constant 1 : i32
    scf.for %scan3A_9 = %scan3A_3 to %scan3A_5 step %scan3A_6  : i32 {
      %dma_start3A = arith.constant 0 : i32
      %dma_start3A_10 = tpu.memref_slice %arg7[%scan3A_9, %dma_start3A] : memref<125x80xi32, #tpu.memory_space<vmem>> -> memref<1x80xi32, #tpu.memory_space<vmem>>
      %dma_start3A_11 = tpu.memref_squeeze %dma_start3A_10 : memref<1x80xi32, #tpu.memory_space<vmem>> -> memref<80xi32, #tpu.memory_space<vmem>>
      %dma_start3A_12 = arith.constant 0 : i32
      %dma_start3A_13 = arith.constant 0 : i32
      %dma_start3A_14 = tpu.memref_slice %arg2[%dma_start3A_12, %dma_start3A_13] : memref<10000x128xf32, #tpu.memory_space<hbm>> -> memref<10000x128xf32, #tpu.memory_space<hbm>>
      tpu.enqueue_indirect_dma source(%dma_start3A_14 : memref<10000x128xf32, #tpu.memory_space<hbm>>) target(%arg9 : memref<80x128xf32, #tpu.memory_space<vmem>>) offsets(%dma_start3A_11 : memref<80xi32, #tpu.memory_space<vmem>>) semaphore(%arg11 : memref<!tpu.dma_semaphore, #tpu.memory_space<semaphore_mem>>)
      %dma_wait3A = arith.constant 0 : i32
      %dma_wait3A_15 = tpu.memref_slice %arg7[%scan3A_9, %dma_wait3A] : memref<125x80xi32, #tpu.memory_space<vmem>> -> memref<1x80xi32, #tpu.memory_space<vmem>>
      %dma_wait3A_16 = tpu.memref_squeeze %dma_wait3A_15 : memref<1x80xi32, #tpu.memory_space<vmem>> -> memref<80xi32, #tpu.memory_space<vmem>>
      %dma_wait3A_17 = arith.constant 0 : i32
      %dma_wait3A_18 = arith.constant 0 : i32
      %dma_wait3A_19 = tpu.memref_slice %arg2[%dma_wait3A_17, %dma_wait3A_18] : memref<10000x128xf32, #tpu.memory_space<hbm>> -> memref<10000x128xf32, #tpu.memory_space<hbm>>
      tpu.wait_indirect_dma semaphore(%arg11 : memref<!tpu.dma_semaphore, #tpu.memory_space<semaphore_mem>>) src(%dma_wait3A_19 : memref<10000x128xf32, #tpu.memory_space<hbm>>) dst(%arg9 : memref<80x128xf32, #tpu.memory_space<vmem>>)
      "tpu.region"() ({
        %run_scoped3A = tpu.sem_alloc : memref<!tpu.dma_semaphore, #tpu.memory_space<semaphore_mem>>
        %dma_start3A_20 = arith.constant 0 : i32
        %dma_start3A_21 = tpu.memref_slice %arg8[%scan3A_9, %dma_start3A_20] : memref<125x80xi32, #tpu.memory_space<vmem>> -> memref<1x80xi32, #tpu.memory_space<vmem>>
        %dma_start3A_22 = tpu.memref_squeeze %dma_start3A_21 : memref<1x80xi32, #tpu.memory_space<vmem>> -> memref<80xi32, #tpu.memory_space<vmem>>
        %dma_start3A_23 = arith.constant 0 : i32
        %dma_start3A_24 = arith.constant 0 : i32
        %dma_start3A_25 = tpu.memref_slice %arg10[%dma_start3A_23, %dma_start3A_24] : memref<10240x128xf32, #tpu.memory_space<vmem_shared>> -> memref<10240x128xf32, #tpu.memory_space<vmem_shared>>
        tpu.enqueue_indirect_dma source(%arg9 : memref<80x128xf32, #tpu.memory_space<vmem>>) target(%dma_start3A_25 : memref<10240x128xf32, #tpu.memory_space<vmem_shared>>) offsets(%dma_start3A_22 : memref<80xi32, #tpu.memory_space<vmem>>) semaphore(%run_scoped3A : memref<!tpu.dma_semaphore, #tpu.memory_space<semaphore_mem>>) {add = true}
        %dma_wait3A_26 = arith.constant 0 : i32
        %dma_wait3A_27 = tpu.memref_slice %arg8[%scan3A_9, %dma_wait3A_26] : memref<125x80xi32, #tpu.memory_space<vmem>> -> memref<1x80xi32, #tpu.memory_space<vmem>>
        %dma_wait3A_28 = tpu.memref_squeeze %dma_wait3A_27 : memref<1x80xi32, #tpu.memory_space<vmem>> -> memref<80xi32, #tpu.memory_space<vmem>>
        %dma_wait3A_29 = arith.constant 0 : i32
        %dma_wait3A_30 = arith.constant 0 : i32
        %dma_wait3A_31 = tpu.memref_slice %arg10[%dma_wait3A_29, %dma_wait3A_30] : memref<10240x128xf32, #tpu.memory_space<vmem_shared>> -> memref<10240x128xf32, #tpu.memory_space<vmem_shared>>
        tpu.wait_indirect_dma semaphore(%run_scoped3A : memref<!tpu.dma_semaphore, #tpu.memory_space<semaphore_mem>>) src(%arg9 : memref<80x128xf32, #tpu.memory_space<vmem>>) dst(%dma_wait3A_31 : memref<10240x128xf32, #tpu.memory_space<vmem_shared>>)
        tpu.yield
      }) : () -> ()
    }
    %scan3A_7 = arith.constant 125 : i32
    %barrier3A_8 = arith.constant 0 : index
    tpu.barrier barrier_id(%barrier3A_8)
    "tpu.region"() ({
      %run_scoped3A = tpu.sem_alloc : memref<!tpu.dma_semaphore, #tpu.memory_space<semaphore_mem>>
      %dma_start3A = arith.constant 0 : i32
      %dma_start3A_9 = tpu.memref_slice %arg6[%arg0, %multiple_of3A, %dma_start3A] : memref<2x10240x128xf32, #tpu.memory_space<hbm>> -> memref<1x640x128xf32, #tpu.memory_space<hbm>>
      %dma_start3A_10 = tpu.memref_squeeze %dma_start3A_9 : memref<1x640x128xf32, #tpu.memory_space<hbm>> -> memref<640x128xf32, #tpu.memory_space<hbm>>
      %dma_start3A_11 = arith.constant 0 : i32
      %dma_start3A_12 = tpu.memref_slice %arg10[%multiple_of3A, %dma_start3A_11] : memref<10240x128xf32, #tpu.memory_space<vmem_shared>> -> memref<640x128xf32, #tpu.memory_space<vmem_shared>>
      tpu.enqueue_dma source(%dma_start3A_12 : memref<640x128xf32, #tpu.memory_space<vmem_shared>>) target(%dma_start3A_10 : memref<640x128xf32, #tpu.memory_space<hbm>>) target_semaphore(%run_scoped3A : memref<!tpu.dma_semaphore, #tpu.memory_space<semaphore_mem>>)
      %dma_wait3A = arith.constant 0 : i32
      %dma_wait3A_13 = tpu.memref_slice %arg6[%arg0, %multiple_of3A, %dma_wait3A] : memref<2x10240x128xf32, #tpu.memory_space<hbm>> -> memref<1x640x128xf32, #tpu.memory_space<hbm>>
      %dma_wait3A_14 = tpu.memref_squeeze %dma_wait3A_13 : memref<1x640x128xf32, #tpu.memory_space<hbm>> -> memref<640x128xf32, #tpu.memory_space<hbm>>
      %dma_wait3A_15 = arith.constant 0 : i32
      %dma_wait3A_16 = tpu.memref_slice %arg10[%multiple_of3A, %dma_wait3A_15] : memref<10240x128xf32, #tpu.memory_space<vmem_shared>> -> memref<640x128xf32, #tpu.memory_space<vmem_shared>>
      tpu.wait_dma2 semaphore(%run_scoped3A : memref<!tpu.dma_semaphore, #tpu.memory_space<semaphore_mem>>) src(%dma_wait3A_16 : memref<640x128xf32, #tpu.memory_space<vmem_shared>>) dst(%dma_wait3A_14 : memref<640x128xf32, #tpu.memory_space<hbm>>)
      tpu.yield
    }) : () -> ()
    return
  }
}

#map = affine_map<(d0, d1) -> (0, 0)>
#map1 = affine_map<(d0, d1) -> (0, 0, 0)>
module attributes {stable_mosaic.version = 14 : i64} {
  func.func @_embed_gather(%arg0: i32, %arg1: i32, %arg2: memref<360x128xf32, #tpu.memory_space<hbm>>, %arg3: memref<32x4x80xi32, #tpu.memory_space<hbm>>, %arg4: memref<10240x128xf32, #tpu.memory_space<hbm>>, %arg5: memref<4x80xi32, #tpu.memory_space<vmem>>, %arg6: memref<80x128xf32, #tpu.memory_space<vmem>>, %arg7: memref<!tpu.dma_semaphore, #tpu.memory_space<semaphore_mem>>) attributes {dimension_semantics = [#tpu.dimension_semantics<core_parallel>, #tpu.dimension_semantics<subcore_parallel>], iteration_bounds = array<i64: 2, 16>, scalar_prefetch = 0 : i64, scratch_operands = 3 : i64, tpu.core_type = #tpu.core_type<sc_vector_subcore>, window_params = [{transform_indices = #map}, {transform_indices = #map1}, {transform_indices = #map}]} {
    %mul3A = arith.constant 16 : i32
    %mul3A_0 = arith.muli %arg0, %mul3A : i32
    %add3A = arith.addi %mul3A_0, %arg1 : i32
    "tpu.region"() ({
      %run_scoped3A = tpu.sem_alloc : memref<!tpu.dma_semaphore, #tpu.memory_space<semaphore_mem>>
      %dma_start3A = arith.constant 0 : i32
      %dma_start3A_6 = arith.constant 0 : i32
      %dma_start3A_7 = tpu.memref_slice %arg3[%add3A, %dma_start3A, %dma_start3A_6] : memref<32x4x80xi32, #tpu.memory_space<hbm>> -> memref<1x4x80xi32, #tpu.memory_space<hbm>>
      %dma_start3A_8 = tpu.memref_squeeze %dma_start3A_7 : memref<1x4x80xi32, #tpu.memory_space<hbm>> -> memref<4x80xi32, #tpu.memory_space<hbm>>
      %dma_start3A_9 = arith.constant 0 : i32
      %dma_start3A_10 = arith.constant 0 : i32
      %dma_start3A_11 = tpu.memref_slice %arg3[%add3A, %dma_start3A_9, %dma_start3A_10] : memref<32x4x80xi32, #tpu.memory_space<hbm>> -> memref<1x4x80xi32, #tpu.memory_space<hbm>>
      %dma_start3A_12 = tpu.memref_squeeze %dma_start3A_11 : memref<1x4x80xi32, #tpu.memory_space<hbm>> -> memref<4x80xi32, #tpu.memory_space<hbm>>
      tpu.enqueue_dma source(%dma_start3A_12 : memref<4x80xi32, #tpu.memory_space<hbm>>) target(%arg5 : memref<4x80xi32, #tpu.memory_space<vmem>>) target_semaphore(%run_scoped3A : memref<!tpu.dma_semaphore, #tpu.memory_space<semaphore_mem>>)
      %dma_wait3A = arith.constant 0 : i32
      %dma_wait3A_13 = arith.constant 0 : i32
      %dma_wait3A_14 = tpu.memref_slice %arg3[%add3A, %dma_wait3A, %dma_wait3A_13] : memref<32x4x80xi32, #tpu.memory_space<hbm>> -> memref<1x4x80xi32, #tpu.memory_space<hbm>>
      %dma_wait3A_15 = tpu.memref_squeeze %dma_wait3A_14 : memref<1x4x80xi32, #tpu.memory_space<hbm>> -> memref<4x80xi32, #tpu.memory_space<hbm>>
      %dma_wait3A_16 = arith.constant 0 : i32
      %dma_wait3A_17 = arith.constant 0 : i32
      %dma_wait3A_18 = tpu.memref_slice %arg3[%add3A, %dma_wait3A_16, %dma_wait3A_17] : memref<32x4x80xi32, #tpu.memory_space<hbm>> -> memref<1x4x80xi32, #tpu.memory_space<hbm>>
      %dma_wait3A_19 = tpu.memref_squeeze %dma_wait3A_18 : memref<1x4x80xi32, #tpu.memory_space<hbm>> -> memref<4x80xi32, #tpu.memory_space<hbm>>
      tpu.wait_dma2 semaphore(%run_scoped3A : memref<!tpu.dma_semaphore, #tpu.memory_space<semaphore_mem>>) src(%dma_wait3A_19 : memref<4x80xi32, #tpu.memory_space<hbm>>) dst(%arg5 : memref<4x80xi32, #tpu.memory_space<vmem>>)
      tpu.yield
    }) : () -> ()
    %scan3A = arith.constant 0 : i32
    %scan3A_1 = arith.constant 0 : i32
    %scan3A_2 = arith.constant 4 : i32
    %scan3A_3 = arith.addi %scan3A_1, %scan3A_2 : i32
    %scan3A_4 = arith.constant 1 : i32
    scf.for %scan3A_6 = %scan3A_1 to %scan3A_3 step %scan3A_4  : i32 {
      %dma_start3A = arith.constant 0 : i32
      %dma_start3A_7 = tpu.memref_slice %arg5[%scan3A_6, %dma_start3A] : memref<4x80xi32, #tpu.memory_space<vmem>> -> memref<1x80xi32, #tpu.memory_space<vmem>>
      %dma_start3A_8 = tpu.memref_squeeze %dma_start3A_7 : memref<1x80xi32, #tpu.memory_space<vmem>> -> memref<80xi32, #tpu.memory_space<vmem>>
      %dma_start3A_9 = arith.constant 0 : i32
      %dma_start3A_10 = arith.constant 0 : i32
      %dma_start3A_11 = tpu.memref_slice %arg2[%dma_start3A_9, %dma_start3A_10] : memref<360x128xf32, #tpu.memory_space<hbm>> -> memref<360x128xf32, #tpu.memory_space<hbm>>
      tpu.enqueue_indirect_dma source(%dma_start3A_11 : memref<360x128xf32, #tpu.memory_space<hbm>>) target(%arg6 : memref<80x128xf32, #tpu.memory_space<vmem>>) offsets(%dma_start3A_8 : memref<80xi32, #tpu.memory_space<vmem>>) semaphore(%arg7 : memref<!tpu.dma_semaphore, #tpu.memory_space<semaphore_mem>>)
      %dma_wait3A = arith.constant 0 : i32
      %dma_wait3A_12 = tpu.memref_slice %arg5[%scan3A_6, %dma_wait3A] : memref<4x80xi32, #tpu.memory_space<vmem>> -> memref<1x80xi32, #tpu.memory_space<vmem>>
      %dma_wait3A_13 = tpu.memref_squeeze %dma_wait3A_12 : memref<1x80xi32, #tpu.memory_space<vmem>> -> memref<80xi32, #tpu.memory_space<vmem>>
      %dma_wait3A_14 = arith.constant 0 : i32
      %dma_wait3A_15 = arith.constant 0 : i32
      %dma_wait3A_16 = tpu.memref_slice %arg2[%dma_wait3A_14, %dma_wait3A_15] : memref<360x128xf32, #tpu.memory_space<hbm>> -> memref<360x128xf32, #tpu.memory_space<hbm>>
      tpu.wait_indirect_dma semaphore(%arg7 : memref<!tpu.dma_semaphore, #tpu.memory_space<semaphore_mem>>) src(%dma_wait3A_16 : memref<360x128xf32, #tpu.memory_space<hbm>>) dst(%arg6 : memref<80x128xf32, #tpu.memory_space<vmem>>)
      %mul3A_17 = arith.constant 320 : i32
      %mul3A_18 = arith.muli %add3A, %mul3A_17 : i32
      %mul3A_19 = arith.constant 80 : i32
      %mul3A_20 = arith.muli %scan3A_6, %mul3A_19 : i32
      %add3A_21 = arith.addi %mul3A_18, %mul3A_20 : i32
      %multiple_of3A = tpu.assume_multiple %add3A_21, 8 : i32
      "tpu.region"() ({
        %run_scoped3A = tpu.sem_alloc : memref<!tpu.dma_semaphore, #tpu.memory_space<semaphore_mem>>
        %dma_start3A_22 = arith.constant 0 : i32
        %dma_start3A_23 = tpu.memref_slice %arg4[%multiple_of3A, %dma_start3A_22] : memref<10240x128xf32, #tpu.memory_space<hbm>> -> memref<80x128xf32, #tpu.memory_space<hbm>>
        %dma_start3A_24 = arith.constant 0 : i32
        %dma_start3A_25 = tpu.memref_slice %arg4[%multiple_of3A, %dma_start3A_24] : memref<10240x128xf32, #tpu.memory_space<hbm>> -> memref<80x128xf32, #tpu.memory_space<hbm>>
        tpu.enqueue_dma source(%arg6 : memref<80x128xf32, #tpu.memory_space<vmem>>) target(%dma_start3A_25 : memref<80x128xf32, #tpu.memory_space<hbm>>) target_semaphore(%run_scoped3A : memref<!tpu.dma_semaphore, #tpu.memory_space<semaphore_mem>>)
        %dma_wait3A_26 = arith.constant 0 : i32
        %dma_wait3A_27 = tpu.memref_slice %arg4[%multiple_of3A, %dma_wait3A_26] : memref<10240x128xf32, #tpu.memory_space<hbm>> -> memref<80x128xf32, #tpu.memory_space<hbm>>
        %dma_wait3A_28 = arith.constant 0 : i32
        %dma_wait3A_29 = tpu.memref_slice %arg4[%multiple_of3A, %dma_wait3A_28] : memref<10240x128xf32, #tpu.memory_space<hbm>> -> memref<80x128xf32, #tpu.memory_space<hbm>>
        tpu.wait_dma2 semaphore(%run_scoped3A : memref<!tpu.dma_semaphore, #tpu.memory_space<semaphore_mem>>) src(%arg6 : memref<80x128xf32, #tpu.memory_space<vmem>>) dst(%dma_wait3A_29 : memref<80x128xf32, #tpu.memory_space<hbm>>)
        tpu.yield
      }) : () -> ()
    }
    %scan3A_5 = arith.constant 4 : i32
    return
  }
}

#map = affine_map<(d0, d1) -> (0, 0)>
#map1 = affine_map<(d0, d1) -> (0, 0, 0)>
module attributes {stable_mosaic.version = 14 : i64} {
  func.func @k(%arg0: i32, %arg1: i32, %arg2: memref<32x128xf32, #tpu.memory_space<hbm>>, %arg3: memref<32x125x80xi32, #tpu.memory_space<hbm>>, %arg4: memref<32x125x80xi32, #tpu.memory_space<hbm>>, %arg5: memref<640x128xf32, #tpu.memory_space<hbm>>, %arg6: memref<2x10240x128xf32, #tpu.memory_space<hbm>>, %arg7: memref<125x80xi32, #tpu.memory_space<vmem>>, %arg8: memref<125x80xi32, #tpu.memory_space<vmem>>, %arg9: memref<80x128xf32, #tpu.memory_space<vmem>>, %arg10: memref<10240x128xf32, #tpu.memory_space<vmem_shared>>, %arg11: memref<!tpu.dma_semaphore, #tpu.memory_space<semaphore_mem>>) attributes {dimension_semantics = [#tpu.dimension_semantics<core_parallel>, #tpu.dimension_semantics<subcore_parallel>], iteration_bounds = array<i64: 2, 16>, scalar_prefetch = 0 : i64, scratch_operands = 5 : i64, tpu.core_type = #tpu.core_type<sc_vector_subcore>, window_params = [{transform_indices = #map}, {transform_indices = #map1}, {transform_indices = #map1}, {transform_indices = #map}, {transform_indices = #map1}]} {
    %mul3A = arith.constant 16 : i32
    %mul3A_0 = arith.muli %arg0, %mul3A : i32
    %add3A = arith.addi %mul3A_0, %arg1 : i32
    %mul3A_1 = arith.constant 640 : i32
    %mul3A_2 = arith.muli %arg1, %mul3A_1 : i32
    %multiple_of3A = tpu.assume_multiple %mul3A_2, 8 : i32
    "tpu.region"() ({
      %run_scoped3A = tpu.sem_alloc : memref<!tpu.dma_semaphore, #tpu.memory_space<semaphore_mem>>
      %dma_start3A = arith.constant 0 : i32
      %dma_start3A_9 = tpu.memref_slice %arg10[%multiple_of3A, %dma_start3A] : memref<10240x128xf32, #tpu.memory_space<vmem_shared>> -> memref<640x128xf32, #tpu.memory_space<vmem_shared>>
      tpu.enqueue_dma source(%arg5 : memref<640x128xf32, #tpu.memory_space<hbm>>) target(%dma_start3A_9 : memref<640x128xf32, #tpu.memory_space<vmem_shared>>) target_semaphore(%run_scoped3A : memref<!tpu.dma_semaphore, #tpu.memory_space<semaphore_mem>>)
      %dma_wait3A = arith.constant 0 : i32
      %dma_wait3A_10 = tpu.memref_slice %arg10[%multiple_of3A, %dma_wait3A] : memref<10240x128xf32, #tpu.memory_space<vmem_shared>> -> memref<640x128xf32, #tpu.memory_space<vmem_shared>>
      tpu.wait_dma2 semaphore(%run_scoped3A : memref<!tpu.dma_semaphore, #tpu.memory_space<semaphore_mem>>) src(%arg5 : memref<640x128xf32, #tpu.memory_space<hbm>>) dst(%dma_wait3A_10 : memref<640x128xf32, #tpu.memory_space<vmem_shared>>)
      tpu.yield
    }) : () -> ()
    "tpu.region"() ({
      %run_scoped3A = tpu.sem_alloc : memref<!tpu.dma_semaphore, #tpu.memory_space<semaphore_mem>>
      %dma_start3A = arith.constant 0 : i32
      %dma_start3A_9 = arith.constant 0 : i32
      %dma_start3A_10 = tpu.memref_slice %arg3[%add3A, %dma_start3A, %dma_start3A_9] : memref<32x125x80xi32, #tpu.memory_space<hbm>> -> memref<1x125x80xi32, #tpu.memory_space<hbm>>
      %dma_start3A_11 = tpu.memref_squeeze %dma_start3A_10 : memref<1x125x80xi32, #tpu.memory_space<hbm>> -> memref<125x80xi32, #tpu.memory_space<hbm>>
      %dma_start3A_12 = arith.constant 0 : i32
      %dma_start3A_13 = arith.constant 0 : i32
      %dma_start3A_14 = tpu.memref_slice %arg3[%add3A, %dma_start3A_12, %dma_start3A_13] : memref<32x125x80xi32, #tpu.memory_space<hbm>> -> memref<1x125x80xi32, #tpu.memory_space<hbm>>
      %dma_start3A_15 = tpu.memref_squeeze %dma_start3A_14 : memref<1x125x80xi32, #tpu.memory_space<hbm>> -> memref<125x80xi32, #tpu.memory_space<hbm>>
      tpu.enqueue_dma source(%dma_start3A_15 : memref<125x80xi32, #tpu.memory_space<hbm>>) target(%arg7 : memref<125x80xi32, #tpu.memory_space<vmem>>) target_semaphore(%run_scoped3A : memref<!tpu.dma_semaphore, #tpu.memory_space<semaphore_mem>>)
      %dma_wait3A = arith.constant 0 : i32
      %dma_wait3A_16 = arith.constant 0 : i32
      %dma_wait3A_17 = tpu.memref_slice %arg3[%add3A, %dma_wait3A, %dma_wait3A_16] : memref<32x125x80xi32, #tpu.memory_space<hbm>> -> memref<1x125x80xi32, #tpu.memory_space<hbm>>
      %dma_wait3A_18 = tpu.memref_squeeze %dma_wait3A_17 : memref<1x125x80xi32, #tpu.memory_space<hbm>> -> memref<125x80xi32, #tpu.memory_space<hbm>>
      %dma_wait3A_19 = arith.constant 0 : i32
      %dma_wait3A_20 = arith.constant 0 : i32
      %dma_wait3A_21 = tpu.memref_slice %arg3[%add3A, %dma_wait3A_19, %dma_wait3A_20] : memref<32x125x80xi32, #tpu.memory_space<hbm>> -> memref<1x125x80xi32, #tpu.memory_space<hbm>>
      %dma_wait3A_22 = tpu.memref_squeeze %dma_wait3A_21 : memref<1x125x80xi32, #tpu.memory_space<hbm>> -> memref<125x80xi32, #tpu.memory_space<hbm>>
      tpu.wait_dma2 semaphore(%run_scoped3A : memref<!tpu.dma_semaphore, #tpu.memory_space<semaphore_mem>>) src(%dma_wait3A_22 : memref<125x80xi32, #tpu.memory_space<hbm>>) dst(%arg7 : memref<125x80xi32, #tpu.memory_space<vmem>>)
      tpu.yield
    }) : () -> ()
    "tpu.region"() ({
      %run_scoped3A = tpu.sem_alloc : memref<!tpu.dma_semaphore, #tpu.memory_space<semaphore_mem>>
      %dma_start3A = arith.constant 0 : i32
      %dma_start3A_9 = arith.constant 0 : i32
      %dma_start3A_10 = tpu.memref_slice %arg4[%add3A, %dma_start3A, %dma_start3A_9] : memref<32x125x80xi32, #tpu.memory_space<hbm>> -> memref<1x125x80xi32, #tpu.memory_space<hbm>>
      %dma_start3A_11 = tpu.memref_squeeze %dma_start3A_10 : memref<1x125x80xi32, #tpu.memory_space<hbm>> -> memref<125x80xi32, #tpu.memory_space<hbm>>
      %dma_start3A_12 = arith.constant 0 : i32
      %dma_start3A_13 = arith.constant 0 : i32
      %dma_start3A_14 = tpu.memref_slice %arg4[%add3A, %dma_start3A_12, %dma_start3A_13] : memref<32x125x80xi32, #tpu.memory_space<hbm>> -> memref<1x125x80xi32, #tpu.memory_space<hbm>>
      %dma_start3A_15 = tpu.memref_squeeze %dma_start3A_14 : memref<1x125x80xi32, #tpu.memory_space<hbm>> -> memref<125x80xi32, #tpu.memory_space<hbm>>
      tpu.enqueue_dma source(%dma_start3A_15 : memref<125x80xi32, #tpu.memory_space<hbm>>) target(%arg8 : memref<125x80xi32, #tpu.memory_space<vmem>>) target_semaphore(%run_scoped3A : memref<!tpu.dma_semaphore, #tpu.memory_space<semaphore_mem>>)
      %dma_wait3A = arith.constant 0 : i32
      %dma_wait3A_16 = arith.constant 0 : i32
      %dma_wait3A_17 = tpu.memref_slice %arg4[%add3A, %dma_wait3A, %dma_wait3A_16] : memref<32x125x80xi32, #tpu.memory_space<hbm>> -> memref<1x125x80xi32, #tpu.memory_space<hbm>>
      %dma_wait3A_18 = tpu.memref_squeeze %dma_wait3A_17 : memref<1x125x80xi32, #tpu.memory_space<hbm>> -> memref<125x80xi32, #tpu.memory_space<hbm>>
      %dma_wait3A_19 = arith.constant 0 : i32
      %dma_wait3A_20 = arith.constant 0 : i32
      %dma_wait3A_21 = tpu.memref_slice %arg4[%add3A, %dma_wait3A_19, %dma_wait3A_20] : memref<32x125x80xi32, #tpu.memory_space<hbm>> -> memref<1x125x80xi32, #tpu.memory_space<hbm>>
      %dma_wait3A_22 = tpu.memref_squeeze %dma_wait3A_21 : memref<1x125x80xi32, #tpu.memory_space<hbm>> -> memref<125x80xi32, #tpu.memory_space<hbm>>
      tpu.wait_dma2 semaphore(%run_scoped3A : memref<!tpu.dma_semaphore, #tpu.memory_space<semaphore_mem>>) src(%dma_wait3A_22 : memref<125x80xi32, #tpu.memory_space<hbm>>) dst(%arg8 : memref<125x80xi32, #tpu.memory_space<vmem>>)
      tpu.yield
    }) : () -> ()
    %barrier3A = arith.constant 0 : index
    tpu.barrier barrier_id(%barrier3A)
    %scan3A = arith.constant 0 : i32
    %scan3A_3 = arith.constant 0 : i32
    %scan3A_4 = arith.constant 125 : i32
    %scan3A_5 = arith.addi %scan3A_3, %scan3A_4 : i32
    %scan3A_6 = arith.constant 1 : i32
    scf.for %scan3A_9 = %scan3A_3 to %scan3A_5 step %scan3A_6  : i32 {
      %dma_start3A = arith.constant 0 : i32
      %dma_start3A_10 = tpu.memref_slice %arg7[%scan3A_9, %dma_start3A] : memref<125x80xi32, #tpu.memory_space<vmem>> -> memref<1x80xi32, #tpu.memory_space<vmem>>
      %dma_start3A_11 = tpu.memref_squeeze %dma_start3A_10 : memref<1x80xi32, #tpu.memory_space<vmem>> -> memref<80xi32, #tpu.memory_space<vmem>>
      %dma_start3A_12 = arith.constant 0 : i32
      %dma_start3A_13 = arith.constant 0 : i32
      %dma_start3A_14 = tpu.memref_slice %arg2[%dma_start3A_12, %dma_start3A_13] : memref<32x128xf32, #tpu.memory_space<hbm>> -> memref<32x128xf32, #tpu.memory_space<hbm>>
      tpu.enqueue_indirect_dma source(%dma_start3A_14 : memref<32x128xf32, #tpu.memory_space<hbm>>) target(%arg9 : memref<80x128xf32, #tpu.memory_space<vmem>>) offsets(%dma_start3A_11 : memref<80xi32, #tpu.memory_space<vmem>>) semaphore(%arg11 : memref<!tpu.dma_semaphore, #tpu.memory_space<semaphore_mem>>)
      %dma_wait3A = arith.constant 0 : i32
      %dma_wait3A_15 = tpu.memref_slice %arg7[%scan3A_9, %dma_wait3A] : memref<125x80xi32, #tpu.memory_space<vmem>> -> memref<1x80xi32, #tpu.memory_space<vmem>>
      %dma_wait3A_16 = tpu.memref_squeeze %dma_wait3A_15 : memref<1x80xi32, #tpu.memory_space<vmem>> -> memref<80xi32, #tpu.memory_space<vmem>>
      %dma_wait3A_17 = arith.constant 0 : i32
      %dma_wait3A_18 = arith.constant 0 : i32
      %dma_wait3A_19 = tpu.memref_slice %arg2[%dma_wait3A_17, %dma_wait3A_18] : memref<32x128xf32, #tpu.memory_space<hbm>> -> memref<32x128xf32, #tpu.memory_space<hbm>>
      tpu.wait_indirect_dma semaphore(%arg11 : memref<!tpu.dma_semaphore, #tpu.memory_space<semaphore_mem>>) src(%dma_wait3A_19 : memref<32x128xf32, #tpu.memory_space<hbm>>) dst(%arg9 : memref<80x128xf32, #tpu.memory_space<vmem>>)
      "tpu.region"() ({
        %run_scoped3A = tpu.sem_alloc : memref<!tpu.dma_semaphore, #tpu.memory_space<semaphore_mem>>
        %dma_start3A_20 = arith.constant 0 : i32
        %dma_start3A_21 = tpu.memref_slice %arg8[%scan3A_9, %dma_start3A_20] : memref<125x80xi32, #tpu.memory_space<vmem>> -> memref<1x80xi32, #tpu.memory_space<vmem>>
        %dma_start3A_22 = tpu.memref_squeeze %dma_start3A_21 : memref<1x80xi32, #tpu.memory_space<vmem>> -> memref<80xi32, #tpu.memory_space<vmem>>
        %dma_start3A_23 = arith.constant 0 : i32
        %dma_start3A_24 = arith.constant 0 : i32
        %dma_start3A_25 = tpu.memref_slice %arg10[%dma_start3A_23, %dma_start3A_24] : memref<10240x128xf32, #tpu.memory_space<vmem_shared>> -> memref<10240x128xf32, #tpu.memory_space<vmem_shared>>
        tpu.enqueue_indirect_dma source(%arg9 : memref<80x128xf32, #tpu.memory_space<vmem>>) target(%dma_start3A_25 : memref<10240x128xf32, #tpu.memory_space<vmem_shared>>) offsets(%dma_start3A_22 : memref<80xi32, #tpu.memory_space<vmem>>) semaphore(%run_scoped3A : memref<!tpu.dma_semaphore, #tpu.memory_space<semaphore_mem>>) {add = true}
        %dma_wait3A_26 = arith.constant 0 : i32
        %dma_wait3A_27 = tpu.memref_slice %arg8[%scan3A_9, %dma_wait3A_26] : memref<125x80xi32, #tpu.memory_space<vmem>> -> memref<1x80xi32, #tpu.memory_space<vmem>>
        %dma_wait3A_28 = tpu.memref_squeeze %dma_wait3A_27 : memref<1x80xi32, #tpu.memory_space<vmem>> -> memref<80xi32, #tpu.memory_space<vmem>>
        %dma_wait3A_29 = arith.constant 0 : i32
        %dma_wait3A_30 = arith.constant 0 : i32
        %dma_wait3A_31 = tpu.memref_slice %arg10[%dma_wait3A_29, %dma_wait3A_30] : memref<10240x128xf32, #tpu.memory_space<vmem_shared>> -> memref<10240x128xf32, #tpu.memory_space<vmem_shared>>
        tpu.wait_indirect_dma semaphore(%run_scoped3A : memref<!tpu.dma_semaphore, #tpu.memory_space<semaphore_mem>>) src(%arg9 : memref<80x128xf32, #tpu.memory_space<vmem>>) dst(%dma_wait3A_31 : memref<10240x128xf32, #tpu.memory_space<vmem_shared>>)
        tpu.yield
      }) : () -> ()
    }
    %scan3A_7 = arith.constant 125 : i32
    %barrier3A_8 = arith.constant 0 : index
    tpu.barrier barrier_id(%barrier3A_8)
    "tpu.region"() ({
      %run_scoped3A = tpu.sem_alloc : memref<!tpu.dma_semaphore, #tpu.memory_space<semaphore_mem>>
      %dma_start3A = arith.constant 0 : i32
      %dma_start3A_9 = tpu.memref_slice %arg6[%arg0, %multiple_of3A, %dma_start3A] : memref<2x10240x128xf32, #tpu.memory_space<hbm>> -> memref<1x640x128xf32, #tpu.memory_space<hbm>>
      %dma_start3A_10 = tpu.memref_squeeze %dma_start3A_9 : memref<1x640x128xf32, #tpu.memory_space<hbm>> -> memref<640x128xf32, #tpu.memory_space<hbm>>
      %dma_start3A_11 = arith.constant 0 : i32
      %dma_start3A_12 = tpu.memref_slice %arg10[%multiple_of3A, %dma_start3A_11] : memref<10240x128xf32, #tpu.memory_space<vmem_shared>> -> memref<640x128xf32, #tpu.memory_space<vmem_shared>>
      tpu.enqueue_dma source(%dma_start3A_12 : memref<640x128xf32, #tpu.memory_space<vmem_shared>>) target(%dma_start3A_10 : memref<640x128xf32, #tpu.memory_space<hbm>>) target_semaphore(%run_scoped3A : memref<!tpu.dma_semaphore, #tpu.memory_space<semaphore_mem>>)
      %dma_wait3A = arith.constant 0 : i32
      %dma_wait3A_13 = tpu.memref_slice %arg6[%arg0, %multiple_of3A, %dma_wait3A] : memref<2x10240x128xf32, #tpu.memory_space<hbm>> -> memref<1x640x128xf32, #tpu.memory_space<hbm>>
      %dma_wait3A_14 = tpu.memref_squeeze %dma_wait3A_13 : memref<1x640x128xf32, #tpu.memory_space<hbm>> -> memref<640x128xf32, #tpu.memory_space<hbm>>
      %dma_wait3A_15 = arith.constant 0 : i32
      %dma_wait3A_16 = tpu.memref_slice %arg10[%multiple_of3A, %dma_wait3A_15] : memref<10240x128xf32, #tpu.memory_space<vmem_shared>> -> memref<640x128xf32, #tpu.memory_space<vmem_shared>>
      tpu.wait_dma2 semaphore(%run_scoped3A : memref<!tpu.dma_semaphore, #tpu.memory_space<semaphore_mem>>) src(%dma_wait3A_16 : memref<640x128xf32, #tpu.memory_space<vmem_shared>>) dst(%dma_wait3A_14 : memref<640x128xf32, #tpu.memory_space<hbm>>)
      tpu.yield
    }) : () -> ()
    return
  }
}

#map = affine_map<(d0, d1) -> (0, 0)>
#map1 = affine_map<(d0, d1) -> (0, 0, 0)>
module attributes {stable_mosaic.version = 14 : i64} {
  func.func @k(%arg0: i32, %arg1: i32, %arg2: memref<10240x128xf32, #tpu.memory_space<hbm>>, %arg3: memref<32x125x80xi32, #tpu.memory_space<hbm>>, %arg4: memref<32x125x80xi32, #tpu.memory_space<hbm>>, %arg5: memref<640x128xf32, #tpu.memory_space<hbm>>, %arg6: memref<2x10240x128xf32, #tpu.memory_space<hbm>>, %arg7: memref<125x80xi32, #tpu.memory_space<vmem>>, %arg8: memref<125x80xi32, #tpu.memory_space<vmem>>, %arg9: memref<80x128xf32, #tpu.memory_space<vmem>>, %arg10: memref<10240x128xf32, #tpu.memory_space<vmem_shared>>, %arg11: memref<!tpu.dma_semaphore, #tpu.memory_space<semaphore_mem>>) attributes {dimension_semantics = [#tpu.dimension_semantics<core_parallel>, #tpu.dimension_semantics<subcore_parallel>], iteration_bounds = array<i64: 2, 16>, scalar_prefetch = 0 : i64, scratch_operands = 5 : i64, tpu.core_type = #tpu.core_type<sc_vector_subcore>, window_params = [{transform_indices = #map}, {transform_indices = #map1}, {transform_indices = #map1}, {transform_indices = #map}, {transform_indices = #map1}]} {
    %mul3A = arith.constant 16 : i32
    %mul3A_0 = arith.muli %arg0, %mul3A : i32
    %add3A = arith.addi %mul3A_0, %arg1 : i32
    %mul3A_1 = arith.constant 640 : i32
    %mul3A_2 = arith.muli %arg1, %mul3A_1 : i32
    %multiple_of3A = tpu.assume_multiple %mul3A_2, 8 : i32
    "tpu.region"() ({
      %run_scoped3A = tpu.sem_alloc : memref<!tpu.dma_semaphore, #tpu.memory_space<semaphore_mem>>
      %dma_start3A = arith.constant 0 : i32
      %dma_start3A_9 = tpu.memref_slice %arg10[%multiple_of3A, %dma_start3A] : memref<10240x128xf32, #tpu.memory_space<vmem_shared>> -> memref<640x128xf32, #tpu.memory_space<vmem_shared>>
      tpu.enqueue_dma source(%arg5 : memref<640x128xf32, #tpu.memory_space<hbm>>) target(%dma_start3A_9 : memref<640x128xf32, #tpu.memory_space<vmem_shared>>) target_semaphore(%run_scoped3A : memref<!tpu.dma_semaphore, #tpu.memory_space<semaphore_mem>>)
      %dma_wait3A = arith.constant 0 : i32
      %dma_wait3A_10 = tpu.memref_slice %arg10[%multiple_of3A, %dma_wait3A] : memref<10240x128xf32, #tpu.memory_space<vmem_shared>> -> memref<640x128xf32, #tpu.memory_space<vmem_shared>>
      tpu.wait_dma2 semaphore(%run_scoped3A : memref<!tpu.dma_semaphore, #tpu.memory_space<semaphore_mem>>) src(%arg5 : memref<640x128xf32, #tpu.memory_space<hbm>>) dst(%dma_wait3A_10 : memref<640x128xf32, #tpu.memory_space<vmem_shared>>)
      tpu.yield
    }) : () -> ()
    "tpu.region"() ({
      %run_scoped3A = tpu.sem_alloc : memref<!tpu.dma_semaphore, #tpu.memory_space<semaphore_mem>>
      %dma_start3A = arith.constant 0 : i32
      %dma_start3A_9 = arith.constant 0 : i32
      %dma_start3A_10 = tpu.memref_slice %arg3[%add3A, %dma_start3A, %dma_start3A_9] : memref<32x125x80xi32, #tpu.memory_space<hbm>> -> memref<1x125x80xi32, #tpu.memory_space<hbm>>
      %dma_start3A_11 = tpu.memref_squeeze %dma_start3A_10 : memref<1x125x80xi32, #tpu.memory_space<hbm>> -> memref<125x80xi32, #tpu.memory_space<hbm>>
      %dma_start3A_12 = arith.constant 0 : i32
      %dma_start3A_13 = arith.constant 0 : i32
      %dma_start3A_14 = tpu.memref_slice %arg3[%add3A, %dma_start3A_12, %dma_start3A_13] : memref<32x125x80xi32, #tpu.memory_space<hbm>> -> memref<1x125x80xi32, #tpu.memory_space<hbm>>
      %dma_start3A_15 = tpu.memref_squeeze %dma_start3A_14 : memref<1x125x80xi32, #tpu.memory_space<hbm>> -> memref<125x80xi32, #tpu.memory_space<hbm>>
      tpu.enqueue_dma source(%dma_start3A_15 : memref<125x80xi32, #tpu.memory_space<hbm>>) target(%arg7 : memref<125x80xi32, #tpu.memory_space<vmem>>) target_semaphore(%run_scoped3A : memref<!tpu.dma_semaphore, #tpu.memory_space<semaphore_mem>>)
      %dma_wait3A = arith.constant 0 : i32
      %dma_wait3A_16 = arith.constant 0 : i32
      %dma_wait3A_17 = tpu.memref_slice %arg3[%add3A, %dma_wait3A, %dma_wait3A_16] : memref<32x125x80xi32, #tpu.memory_space<hbm>> -> memref<1x125x80xi32, #tpu.memory_space<hbm>>
      %dma_wait3A_18 = tpu.memref_squeeze %dma_wait3A_17 : memref<1x125x80xi32, #tpu.memory_space<hbm>> -> memref<125x80xi32, #tpu.memory_space<hbm>>
      %dma_wait3A_19 = arith.constant 0 : i32
      %dma_wait3A_20 = arith.constant 0 : i32
      %dma_wait3A_21 = tpu.memref_slice %arg3[%add3A, %dma_wait3A_19, %dma_wait3A_20] : memref<32x125x80xi32, #tpu.memory_space<hbm>> -> memref<1x125x80xi32, #tpu.memory_space<hbm>>
      %dma_wait3A_22 = tpu.memref_squeeze %dma_wait3A_21 : memref<1x125x80xi32, #tpu.memory_space<hbm>> -> memref<125x80xi32, #tpu.memory_space<hbm>>
      tpu.wait_dma2 semaphore(%run_scoped3A : memref<!tpu.dma_semaphore, #tpu.memory_space<semaphore_mem>>) src(%dma_wait3A_22 : memref<125x80xi32, #tpu.memory_space<hbm>>) dst(%arg7 : memref<125x80xi32, #tpu.memory_space<vmem>>)
      tpu.yield
    }) : () -> ()
    "tpu.region"() ({
      %run_scoped3A = tpu.sem_alloc : memref<!tpu.dma_semaphore, #tpu.memory_space<semaphore_mem>>
      %dma_start3A = arith.constant 0 : i32
      %dma_start3A_9 = arith.constant 0 : i32
      %dma_start3A_10 = tpu.memref_slice %arg4[%add3A, %dma_start3A, %dma_start3A_9] : memref<32x125x80xi32, #tpu.memory_space<hbm>> -> memref<1x125x80xi32, #tpu.memory_space<hbm>>
      %dma_start3A_11 = tpu.memref_squeeze %dma_start3A_10 : memref<1x125x80xi32, #tpu.memory_space<hbm>> -> memref<125x80xi32, #tpu.memory_space<hbm>>
      %dma_start3A_12 = arith.constant 0 : i32
      %dma_start3A_13 = arith.constant 0 : i32
      %dma_start3A_14 = tpu.memref_slice %arg4[%add3A, %dma_start3A_12, %dma_start3A_13] : memref<32x125x80xi32, #tpu.memory_space<hbm>> -> memref<1x125x80xi32, #tpu.memory_space<hbm>>
      %dma_start3A_15 = tpu.memref_squeeze %dma_start3A_14 : memref<1x125x80xi32, #tpu.memory_space<hbm>> -> memref<125x80xi32, #tpu.memory_space<hbm>>
      tpu.enqueue_dma source(%dma_start3A_15 : memref<125x80xi32, #tpu.memory_space<hbm>>) target(%arg8 : memref<125x80xi32, #tpu.memory_space<vmem>>) target_semaphore(%run_scoped3A : memref<!tpu.dma_semaphore, #tpu.memory_space<semaphore_mem>>)
      %dma_wait3A = arith.constant 0 : i32
      %dma_wait3A_16 = arith.constant 0 : i32
      %dma_wait3A_17 = tpu.memref_slice %arg4[%add3A, %dma_wait3A, %dma_wait3A_16] : memref<32x125x80xi32, #tpu.memory_space<hbm>> -> memref<1x125x80xi32, #tpu.memory_space<hbm>>
      %dma_wait3A_18 = tpu.memref_squeeze %dma_wait3A_17 : memref<1x125x80xi32, #tpu.memory_space<hbm>> -> memref<125x80xi32, #tpu.memory_space<hbm>>
      %dma_wait3A_19 = arith.constant 0 : i32
      %dma_wait3A_20 = arith.constant 0 : i32
      %dma_wait3A_21 = tpu.memref_slice %arg4[%add3A, %dma_wait3A_19, %dma_wait3A_20] : memref<32x125x80xi32, #tpu.memory_space<hbm>> -> memref<1x125x80xi32, #tpu.memory_space<hbm>>
      %dma_wait3A_22 = tpu.memref_squeeze %dma_wait3A_21 : memref<1x125x80xi32, #tpu.memory_space<hbm>> -> memref<125x80xi32, #tpu.memory_space<hbm>>
      tpu.wait_dma2 semaphore(%run_scoped3A : memref<!tpu.dma_semaphore, #tpu.memory_space<semaphore_mem>>) src(%dma_wait3A_22 : memref<125x80xi32, #tpu.memory_space<hbm>>) dst(%arg8 : memref<125x80xi32, #tpu.memory_space<vmem>>)
      tpu.yield
    }) : () -> ()
    %barrier3A = arith.constant 0 : index
    tpu.barrier barrier_id(%barrier3A)
    %scan3A = arith.constant 0 : i32
    %scan3A_3 = arith.constant 0 : i32
    %scan3A_4 = arith.constant 125 : i32
    %scan3A_5 = arith.addi %scan3A_3, %scan3A_4 : i32
    %scan3A_6 = arith.constant 1 : i32
    scf.for %scan3A_9 = %scan3A_3 to %scan3A_5 step %scan3A_6  : i32 {
      %dma_start3A = arith.constant 0 : i32
      %dma_start3A_10 = tpu.memref_slice %arg7[%scan3A_9, %dma_start3A] : memref<125x80xi32, #tpu.memory_space<vmem>> -> memref<1x80xi32, #tpu.memory_space<vmem>>
      %dma_start3A_11 = tpu.memref_squeeze %dma_start3A_10 : memref<1x80xi32, #tpu.memory_space<vmem>> -> memref<80xi32, #tpu.memory_space<vmem>>
      %dma_start3A_12 = arith.constant 0 : i32
      %dma_start3A_13 = arith.constant 0 : i32
      %dma_start3A_14 = tpu.memref_slice %arg2[%dma_start3A_12, %dma_start3A_13] : memref<10240x128xf32, #tpu.memory_space<hbm>> -> memref<10240x128xf32, #tpu.memory_space<hbm>>
      tpu.enqueue_indirect_dma source(%dma_start3A_14 : memref<10240x128xf32, #tpu.memory_space<hbm>>) target(%arg9 : memref<80x128xf32, #tpu.memory_space<vmem>>) offsets(%dma_start3A_11 : memref<80xi32, #tpu.memory_space<vmem>>) semaphore(%arg11 : memref<!tpu.dma_semaphore, #tpu.memory_space<semaphore_mem>>)
      %dma_wait3A = arith.constant 0 : i32
      %dma_wait3A_15 = tpu.memref_slice %arg7[%scan3A_9, %dma_wait3A] : memref<125x80xi32, #tpu.memory_space<vmem>> -> memref<1x80xi32, #tpu.memory_space<vmem>>
      %dma_wait3A_16 = tpu.memref_squeeze %dma_wait3A_15 : memref<1x80xi32, #tpu.memory_space<vmem>> -> memref<80xi32, #tpu.memory_space<vmem>>
      %dma_wait3A_17 = arith.constant 0 : i32
      %dma_wait3A_18 = arith.constant 0 : i32
      %dma_wait3A_19 = tpu.memref_slice %arg2[%dma_wait3A_17, %dma_wait3A_18] : memref<10240x128xf32, #tpu.memory_space<hbm>> -> memref<10240x128xf32, #tpu.memory_space<hbm>>
      tpu.wait_indirect_dma semaphore(%arg11 : memref<!tpu.dma_semaphore, #tpu.memory_space<semaphore_mem>>) src(%dma_wait3A_19 : memref<10240x128xf32, #tpu.memory_space<hbm>>) dst(%arg9 : memref<80x128xf32, #tpu.memory_space<vmem>>)
      "tpu.region"() ({
        %run_scoped3A = tpu.sem_alloc : memref<!tpu.dma_semaphore, #tpu.memory_space<semaphore_mem>>
        %dma_start3A_20 = arith.constant 0 : i32
        %dma_start3A_21 = tpu.memref_slice %arg8[%scan3A_9, %dma_start3A_20] : memref<125x80xi32, #tpu.memory_space<vmem>> -> memref<1x80xi32, #tpu.memory_space<vmem>>
        %dma_start3A_22 = tpu.memref_squeeze %dma_start3A_21 : memref<1x80xi32, #tpu.memory_space<vmem>> -> memref<80xi32, #tpu.memory_space<vmem>>
        %dma_start3A_23 = arith.constant 0 : i32
        %dma_start3A_24 = arith.constant 0 : i32
        %dma_start3A_25 = tpu.memref_slice %arg10[%dma_start3A_23, %dma_start3A_24] : memref<10240x128xf32, #tpu.memory_space<vmem_shared>> -> memref<10240x128xf32, #tpu.memory_space<vmem_shared>>
        tpu.enqueue_indirect_dma source(%arg9 : memref<80x128xf32, #tpu.memory_space<vmem>>) target(%dma_start3A_25 : memref<10240x128xf32, #tpu.memory_space<vmem_shared>>) offsets(%dma_start3A_22 : memref<80xi32, #tpu.memory_space<vmem>>) semaphore(%run_scoped3A : memref<!tpu.dma_semaphore, #tpu.memory_space<semaphore_mem>>) {add = true}
        %dma_wait3A_26 = arith.constant 0 : i32
        %dma_wait3A_27 = tpu.memref_slice %arg8[%scan3A_9, %dma_wait3A_26] : memref<125x80xi32, #tpu.memory_space<vmem>> -> memref<1x80xi32, #tpu.memory_space<vmem>>
        %dma_wait3A_28 = tpu.memref_squeeze %dma_wait3A_27 : memref<1x80xi32, #tpu.memory_space<vmem>> -> memref<80xi32, #tpu.memory_space<vmem>>
        %dma_wait3A_29 = arith.constant 0 : i32
        %dma_wait3A_30 = arith.constant 0 : i32
        %dma_wait3A_31 = tpu.memref_slice %arg10[%dma_wait3A_29, %dma_wait3A_30] : memref<10240x128xf32, #tpu.memory_space<vmem_shared>> -> memref<10240x128xf32, #tpu.memory_space<vmem_shared>>
        tpu.wait_indirect_dma semaphore(%run_scoped3A : memref<!tpu.dma_semaphore, #tpu.memory_space<semaphore_mem>>) src(%arg9 : memref<80x128xf32, #tpu.memory_space<vmem>>) dst(%dma_wait3A_31 : memref<10240x128xf32, #tpu.memory_space<vmem_shared>>)
        tpu.yield
      }) : () -> ()
    }
    %scan3A_7 = arith.constant 125 : i32
    %barrier3A_8 = arith.constant 0 : index
    tpu.barrier barrier_id(%barrier3A_8)
    "tpu.region"() ({
      %run_scoped3A = tpu.sem_alloc : memref<!tpu.dma_semaphore, #tpu.memory_space<semaphore_mem>>
      %dma_start3A = arith.constant 0 : i32
      %dma_start3A_9 = tpu.memref_slice %arg6[%arg0, %multiple_of3A, %dma_start3A] : memref<2x10240x128xf32, #tpu.memory_space<hbm>> -> memref<1x640x128xf32, #tpu.memory_space<hbm>>
      %dma_start3A_10 = tpu.memref_squeeze %dma_start3A_9 : memref<1x640x128xf32, #tpu.memory_space<hbm>> -> memref<640x128xf32, #tpu.memory_space<hbm>>
      %dma_start3A_11 = arith.constant 0 : i32
      %dma_start3A_12 = tpu.memref_slice %arg10[%multiple_of3A, %dma_start3A_11] : memref<10240x128xf32, #tpu.memory_space<vmem_shared>> -> memref<640x128xf32, #tpu.memory_space<vmem_shared>>
      tpu.enqueue_dma source(%dma_start3A_12 : memref<640x128xf32, #tpu.memory_space<vmem_shared>>) target(%dma_start3A_10 : memref<640x128xf32, #tpu.memory_space<hbm>>) target_semaphore(%run_scoped3A : memref<!tpu.dma_semaphore, #tpu.memory_space<semaphore_mem>>)
      %dma_wait3A = arith.constant 0 : i32
      %dma_wait3A_13 = tpu.memref_slice %arg6[%arg0, %multiple_of3A, %dma_wait3A] : memref<2x10240x128xf32, #tpu.memory_space<hbm>> -> memref<1x640x128xf32, #tpu.memory_space<hbm>>
      %dma_wait3A_14 = tpu.memref_squeeze %dma_wait3A_13 : memref<1x640x128xf32, #tpu.memory_space<hbm>> -> memref<640x128xf32, #tpu.memory_space<hbm>>
      %dma_wait3A_15 = arith.constant 0 : i32
      %dma_wait3A_16 = tpu.memref_slice %arg10[%multiple_of3A, %dma_wait3A_15] : memref<10240x128xf32, #tpu.memory_space<vmem_shared>> -> memref<640x128xf32, #tpu.memory_space<vmem_shared>>
      tpu.wait_dma2 semaphore(%run_scoped3A : memref<!tpu.dma_semaphore, #tpu.memory_space<semaphore_mem>>) src(%dma_wait3A_16 : memref<640x128xf32, #tpu.memory_space<vmem_shared>>) dst(%dma_wait3A_14 : memref<640x128xf32, #tpu.memory_space<hbm>>)
      tpu.yield
    }) : () -> ()
    return
  }
}

#map = affine_map<(d0, d1) -> (0, 0)>
#map1 = affine_map<(d0, d1) -> (0, 0, 0)>
module attributes {stable_mosaic.version = 14 : i64} {
  func.func @k(%arg0: i32, %arg1: i32, %arg2: memref<10000x128xf32, #tpu.memory_space<hbm>>, %arg3: memref<32x125x80xi32, #tpu.memory_space<hbm>>, %arg4: memref<32x125x80xi32, #tpu.memory_space<hbm>>, %arg5: memref<640x128xf32, #tpu.memory_space<hbm>>, %arg6: memref<2x10240x128xf32, #tpu.memory_space<hbm>>, %arg7: memref<125x80xi32, #tpu.memory_space<vmem>>, %arg8: memref<125x80xi32, #tpu.memory_space<vmem>>, %arg9: memref<80x128xf32, #tpu.memory_space<vmem>>, %arg10: memref<10240x128xf32, #tpu.memory_space<vmem_shared>>, %arg11: memref<!tpu.dma_semaphore, #tpu.memory_space<semaphore_mem>>) attributes {dimension_semantics = [#tpu.dimension_semantics<core_parallel>, #tpu.dimension_semantics<subcore_parallel>], iteration_bounds = array<i64: 2, 16>, scalar_prefetch = 0 : i64, scratch_operands = 5 : i64, tpu.core_type = #tpu.core_type<sc_vector_subcore>, window_params = [{transform_indices = #map}, {transform_indices = #map1}, {transform_indices = #map1}, {transform_indices = #map}, {transform_indices = #map1}]} {
    %mul3A = arith.constant 16 : i32
    %mul3A_0 = arith.muli %arg0, %mul3A : i32
    %add3A = arith.addi %mul3A_0, %arg1 : i32
    %mul3A_1 = arith.constant 640 : i32
    %mul3A_2 = arith.muli %arg1, %mul3A_1 : i32
    %multiple_of3A = tpu.assume_multiple %mul3A_2, 8 : i32
    "tpu.region"() ({
      %run_scoped3A = tpu.sem_alloc : memref<!tpu.dma_semaphore, #tpu.memory_space<semaphore_mem>>
      %dma_start3A = arith.constant 0 : i32
      %dma_start3A_9 = tpu.memref_slice %arg10[%multiple_of3A, %dma_start3A] : memref<10240x128xf32, #tpu.memory_space<vmem_shared>> -> memref<640x128xf32, #tpu.memory_space<vmem_shared>>
      tpu.enqueue_dma source(%arg5 : memref<640x128xf32, #tpu.memory_space<hbm>>) target(%dma_start3A_9 : memref<640x128xf32, #tpu.memory_space<vmem_shared>>) target_semaphore(%run_scoped3A : memref<!tpu.dma_semaphore, #tpu.memory_space<semaphore_mem>>)
      %dma_wait3A = arith.constant 0 : i32
      %dma_wait3A_10 = tpu.memref_slice %arg10[%multiple_of3A, %dma_wait3A] : memref<10240x128xf32, #tpu.memory_space<vmem_shared>> -> memref<640x128xf32, #tpu.memory_space<vmem_shared>>
      tpu.wait_dma2 semaphore(%run_scoped3A : memref<!tpu.dma_semaphore, #tpu.memory_space<semaphore_mem>>) src(%arg5 : memref<640x128xf32, #tpu.memory_space<hbm>>) dst(%dma_wait3A_10 : memref<640x128xf32, #tpu.memory_space<vmem_shared>>)
      tpu.yield
    }) : () -> ()
    "tpu.region"() ({
      %run_scoped3A = tpu.sem_alloc : memref<!tpu.dma_semaphore, #tpu.memory_space<semaphore_mem>>
      %dma_start3A = arith.constant 0 : i32
      %dma_start3A_9 = arith.constant 0 : i32
      %dma_start3A_10 = tpu.memref_slice %arg3[%add3A, %dma_start3A, %dma_start3A_9] : memref<32x125x80xi32, #tpu.memory_space<hbm>> -> memref<1x125x80xi32, #tpu.memory_space<hbm>>
      %dma_start3A_11 = tpu.memref_squeeze %dma_start3A_10 : memref<1x125x80xi32, #tpu.memory_space<hbm>> -> memref<125x80xi32, #tpu.memory_space<hbm>>
      %dma_start3A_12 = arith.constant 0 : i32
      %dma_start3A_13 = arith.constant 0 : i32
      %dma_start3A_14 = tpu.memref_slice %arg3[%add3A, %dma_start3A_12, %dma_start3A_13] : memref<32x125x80xi32, #tpu.memory_space<hbm>> -> memref<1x125x80xi32, #tpu.memory_space<hbm>>
      %dma_start3A_15 = tpu.memref_squeeze %dma_start3A_14 : memref<1x125x80xi32, #tpu.memory_space<hbm>> -> memref<125x80xi32, #tpu.memory_space<hbm>>
      tpu.enqueue_dma source(%dma_start3A_15 : memref<125x80xi32, #tpu.memory_space<hbm>>) target(%arg7 : memref<125x80xi32, #tpu.memory_space<vmem>>) target_semaphore(%run_scoped3A : memref<!tpu.dma_semaphore, #tpu.memory_space<semaphore_mem>>)
      %dma_wait3A = arith.constant 0 : i32
      %dma_wait3A_16 = arith.constant 0 : i32
      %dma_wait3A_17 = tpu.memref_slice %arg3[%add3A, %dma_wait3A, %dma_wait3A_16] : memref<32x125x80xi32, #tpu.memory_space<hbm>> -> memref<1x125x80xi32, #tpu.memory_space<hbm>>
      %dma_wait3A_18 = tpu.memref_squeeze %dma_wait3A_17 : memref<1x125x80xi32, #tpu.memory_space<hbm>> -> memref<125x80xi32, #tpu.memory_space<hbm>>
      %dma_wait3A_19 = arith.constant 0 : i32
      %dma_wait3A_20 = arith.constant 0 : i32
      %dma_wait3A_21 = tpu.memref_slice %arg3[%add3A, %dma_wait3A_19, %dma_wait3A_20] : memref<32x125x80xi32, #tpu.memory_space<hbm>> -> memref<1x125x80xi32, #tpu.memory_space<hbm>>
      %dma_wait3A_22 = tpu.memref_squeeze %dma_wait3A_21 : memref<1x125x80xi32, #tpu.memory_space<hbm>> -> memref<125x80xi32, #tpu.memory_space<hbm>>
      tpu.wait_dma2 semaphore(%run_scoped3A : memref<!tpu.dma_semaphore, #tpu.memory_space<semaphore_mem>>) src(%dma_wait3A_22 : memref<125x80xi32, #tpu.memory_space<hbm>>) dst(%arg7 : memref<125x80xi32, #tpu.memory_space<vmem>>)
      tpu.yield
    }) : () -> ()
    "tpu.region"() ({
      %run_scoped3A = tpu.sem_alloc : memref<!tpu.dma_semaphore, #tpu.memory_space<semaphore_mem>>
      %dma_start3A = arith.constant 0 : i32
      %dma_start3A_9 = arith.constant 0 : i32
      %dma_start3A_10 = tpu.memref_slice %arg4[%add3A, %dma_start3A, %dma_start3A_9] : memref<32x125x80xi32, #tpu.memory_space<hbm>> -> memref<1x125x80xi32, #tpu.memory_space<hbm>>
      %dma_start3A_11 = tpu.memref_squeeze %dma_start3A_10 : memref<1x125x80xi32, #tpu.memory_space<hbm>> -> memref<125x80xi32, #tpu.memory_space<hbm>>
      %dma_start3A_12 = arith.constant 0 : i32
      %dma_start3A_13 = arith.constant 0 : i32
      %dma_start3A_14 = tpu.memref_slice %arg4[%add3A, %dma_start3A_12, %dma_start3A_13] : memref<32x125x80xi32, #tpu.memory_space<hbm>> -> memref<1x125x80xi32, #tpu.memory_space<hbm>>
      %dma_start3A_15 = tpu.memref_squeeze %dma_start3A_14 : memref<1x125x80xi32, #tpu.memory_space<hbm>> -> memref<125x80xi32, #tpu.memory_space<hbm>>
      tpu.enqueue_dma source(%dma_start3A_15 : memref<125x80xi32, #tpu.memory_space<hbm>>) target(%arg8 : memref<125x80xi32, #tpu.memory_space<vmem>>) target_semaphore(%run_scoped3A : memref<!tpu.dma_semaphore, #tpu.memory_space<semaphore_mem>>)
      %dma_wait3A = arith.constant 0 : i32
      %dma_wait3A_16 = arith.constant 0 : i32
      %dma_wait3A_17 = tpu.memref_slice %arg4[%add3A, %dma_wait3A, %dma_wait3A_16] : memref<32x125x80xi32, #tpu.memory_space<hbm>> -> memref<1x125x80xi32, #tpu.memory_space<hbm>>
      %dma_wait3A_18 = tpu.memref_squeeze %dma_wait3A_17 : memref<1x125x80xi32, #tpu.memory_space<hbm>> -> memref<125x80xi32, #tpu.memory_space<hbm>>
      %dma_wait3A_19 = arith.constant 0 : i32
      %dma_wait3A_20 = arith.constant 0 : i32
      %dma_wait3A_21 = tpu.memref_slice %arg4[%add3A, %dma_wait3A_19, %dma_wait3A_20] : memref<32x125x80xi32, #tpu.memory_space<hbm>> -> memref<1x125x80xi32, #tpu.memory_space<hbm>>
      %dma_wait3A_22 = tpu.memref_squeeze %dma_wait3A_21 : memref<1x125x80xi32, #tpu.memory_space<hbm>> -> memref<125x80xi32, #tpu.memory_space<hbm>>
      tpu.wait_dma2 semaphore(%run_scoped3A : memref<!tpu.dma_semaphore, #tpu.memory_space<semaphore_mem>>) src(%dma_wait3A_22 : memref<125x80xi32, #tpu.memory_space<hbm>>) dst(%arg8 : memref<125x80xi32, #tpu.memory_space<vmem>>)
      tpu.yield
    }) : () -> ()
    %barrier3A = arith.constant 0 : index
    tpu.barrier barrier_id(%barrier3A)
    %scan3A = arith.constant 0 : i32
    %scan3A_3 = arith.constant 0 : i32
    %scan3A_4 = arith.constant 125 : i32
    %scan3A_5 = arith.addi %scan3A_3, %scan3A_4 : i32
    %scan3A_6 = arith.constant 1 : i32
    scf.for %scan3A_9 = %scan3A_3 to %scan3A_5 step %scan3A_6  : i32 {
      %dma_start3A = arith.constant 0 : i32
      %dma_start3A_10 = tpu.memref_slice %arg7[%scan3A_9, %dma_start3A] : memref<125x80xi32, #tpu.memory_space<vmem>> -> memref<1x80xi32, #tpu.memory_space<vmem>>
      %dma_start3A_11 = tpu.memref_squeeze %dma_start3A_10 : memref<1x80xi32, #tpu.memory_space<vmem>> -> memref<80xi32, #tpu.memory_space<vmem>>
      %dma_start3A_12 = arith.constant 0 : i32
      %dma_start3A_13 = arith.constant 0 : i32
      %dma_start3A_14 = tpu.memref_slice %arg2[%dma_start3A_12, %dma_start3A_13] : memref<10000x128xf32, #tpu.memory_space<hbm>> -> memref<10000x128xf32, #tpu.memory_space<hbm>>
      tpu.enqueue_indirect_dma source(%dma_start3A_14 : memref<10000x128xf32, #tpu.memory_space<hbm>>) target(%arg9 : memref<80x128xf32, #tpu.memory_space<vmem>>) offsets(%dma_start3A_11 : memref<80xi32, #tpu.memory_space<vmem>>) semaphore(%arg11 : memref<!tpu.dma_semaphore, #tpu.memory_space<semaphore_mem>>)
      %dma_wait3A = arith.constant 0 : i32
      %dma_wait3A_15 = tpu.memref_slice %arg7[%scan3A_9, %dma_wait3A] : memref<125x80xi32, #tpu.memory_space<vmem>> -> memref<1x80xi32, #tpu.memory_space<vmem>>
      %dma_wait3A_16 = tpu.memref_squeeze %dma_wait3A_15 : memref<1x80xi32, #tpu.memory_space<vmem>> -> memref<80xi32, #tpu.memory_space<vmem>>
      %dma_wait3A_17 = arith.constant 0 : i32
      %dma_wait3A_18 = arith.constant 0 : i32
      %dma_wait3A_19 = tpu.memref_slice %arg2[%dma_wait3A_17, %dma_wait3A_18] : memref<10000x128xf32, #tpu.memory_space<hbm>> -> memref<10000x128xf32, #tpu.memory_space<hbm>>
      tpu.wait_indirect_dma semaphore(%arg11 : memref<!tpu.dma_semaphore, #tpu.memory_space<semaphore_mem>>) src(%dma_wait3A_19 : memref<10000x128xf32, #tpu.memory_space<hbm>>) dst(%arg9 : memref<80x128xf32, #tpu.memory_space<vmem>>)
      "tpu.region"() ({
        %run_scoped3A = tpu.sem_alloc : memref<!tpu.dma_semaphore, #tpu.memory_space<semaphore_mem>>
        %dma_start3A_20 = arith.constant 0 : i32
        %dma_start3A_21 = tpu.memref_slice %arg8[%scan3A_9, %dma_start3A_20] : memref<125x80xi32, #tpu.memory_space<vmem>> -> memref<1x80xi32, #tpu.memory_space<vmem>>
        %dma_start3A_22 = tpu.memref_squeeze %dma_start3A_21 : memref<1x80xi32, #tpu.memory_space<vmem>> -> memref<80xi32, #tpu.memory_space<vmem>>
        %dma_start3A_23 = arith.constant 0 : i32
        %dma_start3A_24 = arith.constant 0 : i32
        %dma_start3A_25 = tpu.memref_slice %arg10[%dma_start3A_23, %dma_start3A_24] : memref<10240x128xf32, #tpu.memory_space<vmem_shared>> -> memref<10240x128xf32, #tpu.memory_space<vmem_shared>>
        tpu.enqueue_indirect_dma source(%arg9 : memref<80x128xf32, #tpu.memory_space<vmem>>) target(%dma_start3A_25 : memref<10240x128xf32, #tpu.memory_space<vmem_shared>>) offsets(%dma_start3A_22 : memref<80xi32, #tpu.memory_space<vmem>>) semaphore(%run_scoped3A : memref<!tpu.dma_semaphore, #tpu.memory_space<semaphore_mem>>) {add = true}
        %dma_wait3A_26 = arith.constant 0 : i32
        %dma_wait3A_27 = tpu.memref_slice %arg8[%scan3A_9, %dma_wait3A_26] : memref<125x80xi32, #tpu.memory_space<vmem>> -> memref<1x80xi32, #tpu.memory_space<vmem>>
        %dma_wait3A_28 = tpu.memref_squeeze %dma_wait3A_27 : memref<1x80xi32, #tpu.memory_space<vmem>> -> memref<80xi32, #tpu.memory_space<vmem>>
        %dma_wait3A_29 = arith.constant 0 : i32
        %dma_wait3A_30 = arith.constant 0 : i32
        %dma_wait3A_31 = tpu.memref_slice %arg10[%dma_wait3A_29, %dma_wait3A_30] : memref<10240x128xf32, #tpu.memory_space<vmem_shared>> -> memref<10240x128xf32, #tpu.memory_space<vmem_shared>>
        tpu.wait_indirect_dma semaphore(%run_scoped3A : memref<!tpu.dma_semaphore, #tpu.memory_space<semaphore_mem>>) src(%arg9 : memref<80x128xf32, #tpu.memory_space<vmem>>) dst(%dma_wait3A_31 : memref<10240x128xf32, #tpu.memory_space<vmem_shared>>)
        tpu.yield
      }) : () -> ()
    }
    %scan3A_7 = arith.constant 125 : i32
    %barrier3A_8 = arith.constant 0 : index
    tpu.barrier barrier_id(%barrier3A_8)
    "tpu.region"() ({
      %run_scoped3A = tpu.sem_alloc : memref<!tpu.dma_semaphore, #tpu.memory_space<semaphore_mem>>
      %dma_start3A = arith.constant 0 : i32
      %dma_start3A_9 = tpu.memref_slice %arg6[%arg0, %multiple_of3A, %dma_start3A] : memref<2x10240x128xf32, #tpu.memory_space<hbm>> -> memref<1x640x128xf32, #tpu.memory_space<hbm>>
      %dma_start3A_10 = tpu.memref_squeeze %dma_start3A_9 : memref<1x640x128xf32, #tpu.memory_space<hbm>> -> memref<640x128xf32, #tpu.memory_space<hbm>>
      %dma_start3A_11 = arith.constant 0 : i32
      %dma_start3A_12 = tpu.memref_slice %arg10[%multiple_of3A, %dma_start3A_11] : memref<10240x128xf32, #tpu.memory_space<vmem_shared>> -> memref<640x128xf32, #tpu.memory_space<vmem_shared>>
      tpu.enqueue_dma source(%dma_start3A_12 : memref<640x128xf32, #tpu.memory_space<vmem_shared>>) target(%dma_start3A_10 : memref<640x128xf32, #tpu.memory_space<hbm>>) target_semaphore(%run_scoped3A : memref<!tpu.dma_semaphore, #tpu.memory_space<semaphore_mem>>)
      %dma_wait3A = arith.constant 0 : i32
      %dma_wait3A_13 = tpu.memref_slice %arg6[%arg0, %multiple_of3A, %dma_wait3A] : memref<2x10240x128xf32, #tpu.memory_space<hbm>> -> memref<1x640x128xf32, #tpu.memory_space<hbm>>
      %dma_wait3A_14 = tpu.memref_squeeze %dma_wait3A_13 : memref<1x640x128xf32, #tpu.memory_space<hbm>> -> memref<640x128xf32, #tpu.memory_space<hbm>>
      %dma_wait3A_15 = arith.constant 0 : i32
      %dma_wait3A_16 = tpu.memref_slice %arg10[%multiple_of3A, %dma_wait3A_15] : memref<10240x128xf32, #tpu.memory_space<vmem_shared>> -> memref<640x128xf32, #tpu.memory_space<vmem_shared>>
      tpu.wait_dma2 semaphore(%run_scoped3A : memref<!tpu.dma_semaphore, #tpu.memory_space<semaphore_mem>>) src(%dma_wait3A_16 : memref<640x128xf32, #tpu.memory_space<vmem_shared>>) dst(%dma_wait3A_14 : memref<640x128xf32, #tpu.memory_space<hbm>>)
      tpu.yield
    }) : () -> ()
    return
  }
}

#map = affine_map<(d0, d1) -> (0, 0)>
#map1 = affine_map<(d0, d1) -> (0, 0, 0)>
module attributes {stable_mosaic.version = 14 : i64} {
  func.func @k(%arg0: i32, %arg1: i32, %arg2: memref<10000x128xf32, #tpu.memory_space<hbm>>, %arg3: memref<32x125x80xi32, #tpu.memory_space<hbm>>, %arg4: memref<32x125x80xi32, #tpu.memory_space<hbm>>, %arg5: memref<640x128xf32, #tpu.memory_space<hbm>>, %arg6: memref<2x10240x128xf32, #tpu.memory_space<hbm>>, %arg7: memref<125x80xi32, #tpu.memory_space<vmem>>, %arg8: memref<125x80xi32, #tpu.memory_space<vmem>>, %arg9: memref<80x128xf32, #tpu.memory_space<vmem>>, %arg10: memref<10240x128xf32, #tpu.memory_space<vmem_shared>>, %arg11: memref<!tpu.dma_semaphore, #tpu.memory_space<semaphore_mem>>) attributes {dimension_semantics = [#tpu.dimension_semantics<core_parallel>, #tpu.dimension_semantics<subcore_parallel>], iteration_bounds = array<i64: 2, 16>, scalar_prefetch = 0 : i64, scratch_operands = 5 : i64, tpu.core_type = #tpu.core_type<sc_vector_subcore>, window_params = [{transform_indices = #map}, {transform_indices = #map1}, {transform_indices = #map1}, {transform_indices = #map}, {transform_indices = #map1}]} {
    %mul3A = arith.constant 16 : i32
    %mul3A_0 = arith.muli %arg0, %mul3A : i32
    %add3A = arith.addi %mul3A_0, %arg1 : i32
    %mul3A_1 = arith.constant 640 : i32
    %mul3A_2 = arith.muli %arg1, %mul3A_1 : i32
    %multiple_of3A = tpu.assume_multiple %mul3A_2, 8 : i32
    "tpu.region"() ({
      %run_scoped3A = tpu.sem_alloc : memref<!tpu.dma_semaphore, #tpu.memory_space<semaphore_mem>>
      %dma_start3A = arith.constant 0 : i32
      %dma_start3A_9 = tpu.memref_slice %arg10[%multiple_of3A, %dma_start3A] : memref<10240x128xf32, #tpu.memory_space<vmem_shared>> -> memref<640x128xf32, #tpu.memory_space<vmem_shared>>
      tpu.enqueue_dma source(%arg5 : memref<640x128xf32, #tpu.memory_space<hbm>>) target(%dma_start3A_9 : memref<640x128xf32, #tpu.memory_space<vmem_shared>>) target_semaphore(%run_scoped3A : memref<!tpu.dma_semaphore, #tpu.memory_space<semaphore_mem>>)
      %dma_wait3A = arith.constant 0 : i32
      %dma_wait3A_10 = tpu.memref_slice %arg10[%multiple_of3A, %dma_wait3A] : memref<10240x128xf32, #tpu.memory_space<vmem_shared>> -> memref<640x128xf32, #tpu.memory_space<vmem_shared>>
      tpu.wait_dma2 semaphore(%run_scoped3A : memref<!tpu.dma_semaphore, #tpu.memory_space<semaphore_mem>>) src(%arg5 : memref<640x128xf32, #tpu.memory_space<hbm>>) dst(%dma_wait3A_10 : memref<640x128xf32, #tpu.memory_space<vmem_shared>>)
      tpu.yield
    }) : () -> ()
    "tpu.region"() ({
      %run_scoped3A = tpu.sem_alloc : memref<!tpu.dma_semaphore, #tpu.memory_space<semaphore_mem>>
      %dma_start3A = arith.constant 0 : i32
      %dma_start3A_9 = arith.constant 0 : i32
      %dma_start3A_10 = tpu.memref_slice %arg3[%add3A, %dma_start3A, %dma_start3A_9] : memref<32x125x80xi32, #tpu.memory_space<hbm>> -> memref<1x125x80xi32, #tpu.memory_space<hbm>>
      %dma_start3A_11 = tpu.memref_squeeze %dma_start3A_10 : memref<1x125x80xi32, #tpu.memory_space<hbm>> -> memref<125x80xi32, #tpu.memory_space<hbm>>
      %dma_start3A_12 = arith.constant 0 : i32
      %dma_start3A_13 = arith.constant 0 : i32
      %dma_start3A_14 = tpu.memref_slice %arg3[%add3A, %dma_start3A_12, %dma_start3A_13] : memref<32x125x80xi32, #tpu.memory_space<hbm>> -> memref<1x125x80xi32, #tpu.memory_space<hbm>>
      %dma_start3A_15 = tpu.memref_squeeze %dma_start3A_14 : memref<1x125x80xi32, #tpu.memory_space<hbm>> -> memref<125x80xi32, #tpu.memory_space<hbm>>
      tpu.enqueue_dma source(%dma_start3A_15 : memref<125x80xi32, #tpu.memory_space<hbm>>) target(%arg7 : memref<125x80xi32, #tpu.memory_space<vmem>>) target_semaphore(%run_scoped3A : memref<!tpu.dma_semaphore, #tpu.memory_space<semaphore_mem>>)
      %dma_wait3A = arith.constant 0 : i32
      %dma_wait3A_16 = arith.constant 0 : i32
      %dma_wait3A_17 = tpu.memref_slice %arg3[%add3A, %dma_wait3A, %dma_wait3A_16] : memref<32x125x80xi32, #tpu.memory_space<hbm>> -> memref<1x125x80xi32, #tpu.memory_space<hbm>>
      %dma_wait3A_18 = tpu.memref_squeeze %dma_wait3A_17 : memref<1x125x80xi32, #tpu.memory_space<hbm>> -> memref<125x80xi32, #tpu.memory_space<hbm>>
      %dma_wait3A_19 = arith.constant 0 : i32
      %dma_wait3A_20 = arith.constant 0 : i32
      %dma_wait3A_21 = tpu.memref_slice %arg3[%add3A, %dma_wait3A_19, %dma_wait3A_20] : memref<32x125x80xi32, #tpu.memory_space<hbm>> -> memref<1x125x80xi32, #tpu.memory_space<hbm>>
      %dma_wait3A_22 = tpu.memref_squeeze %dma_wait3A_21 : memref<1x125x80xi32, #tpu.memory_space<hbm>> -> memref<125x80xi32, #tpu.memory_space<hbm>>
      tpu.wait_dma2 semaphore(%run_scoped3A : memref<!tpu.dma_semaphore, #tpu.memory_space<semaphore_mem>>) src(%dma_wait3A_22 : memref<125x80xi32, #tpu.memory_space<hbm>>) dst(%arg7 : memref<125x80xi32, #tpu.memory_space<vmem>>)
      tpu.yield
    }) : () -> ()
    "tpu.region"() ({
      %run_scoped3A = tpu.sem_alloc : memref<!tpu.dma_semaphore, #tpu.memory_space<semaphore_mem>>
      %dma_start3A = arith.constant 0 : i32
      %dma_start3A_9 = arith.constant 0 : i32
      %dma_start3A_10 = tpu.memref_slice %arg4[%add3A, %dma_start3A, %dma_start3A_9] : memref<32x125x80xi32, #tpu.memory_space<hbm>> -> memref<1x125x80xi32, #tpu.memory_space<hbm>>
      %dma_start3A_11 = tpu.memref_squeeze %dma_start3A_10 : memref<1x125x80xi32, #tpu.memory_space<hbm>> -> memref<125x80xi32, #tpu.memory_space<hbm>>
      %dma_start3A_12 = arith.constant 0 : i32
      %dma_start3A_13 = arith.constant 0 : i32
      %dma_start3A_14 = tpu.memref_slice %arg4[%add3A, %dma_start3A_12, %dma_start3A_13] : memref<32x125x80xi32, #tpu.memory_space<hbm>> -> memref<1x125x80xi32, #tpu.memory_space<hbm>>
      %dma_start3A_15 = tpu.memref_squeeze %dma_start3A_14 : memref<1x125x80xi32, #tpu.memory_space<hbm>> -> memref<125x80xi32, #tpu.memory_space<hbm>>
      tpu.enqueue_dma source(%dma_start3A_15 : memref<125x80xi32, #tpu.memory_space<hbm>>) target(%arg8 : memref<125x80xi32, #tpu.memory_space<vmem>>) target_semaphore(%run_scoped3A : memref<!tpu.dma_semaphore, #tpu.memory_space<semaphore_mem>>)
      %dma_wait3A = arith.constant 0 : i32
      %dma_wait3A_16 = arith.constant 0 : i32
      %dma_wait3A_17 = tpu.memref_slice %arg4[%add3A, %dma_wait3A, %dma_wait3A_16] : memref<32x125x80xi32, #tpu.memory_space<hbm>> -> memref<1x125x80xi32, #tpu.memory_space<hbm>>
      %dma_wait3A_18 = tpu.memref_squeeze %dma_wait3A_17 : memref<1x125x80xi32, #tpu.memory_space<hbm>> -> memref<125x80xi32, #tpu.memory_space<hbm>>
      %dma_wait3A_19 = arith.constant 0 : i32
      %dma_wait3A_20 = arith.constant 0 : i32
      %dma_wait3A_21 = tpu.memref_slice %arg4[%add3A, %dma_wait3A_19, %dma_wait3A_20] : memref<32x125x80xi32, #tpu.memory_space<hbm>> -> memref<1x125x80xi32, #tpu.memory_space<hbm>>
      %dma_wait3A_22 = tpu.memref_squeeze %dma_wait3A_21 : memref<1x125x80xi32, #tpu.memory_space<hbm>> -> memref<125x80xi32, #tpu.memory_space<hbm>>
      tpu.wait_dma2 semaphore(%run_scoped3A : memref<!tpu.dma_semaphore, #tpu.memory_space<semaphore_mem>>) src(%dma_wait3A_22 : memref<125x80xi32, #tpu.memory_space<hbm>>) dst(%arg8 : memref<125x80xi32, #tpu.memory_space<vmem>>)
      tpu.yield
    }) : () -> ()
    %barrier3A = arith.constant 0 : index
    tpu.barrier barrier_id(%barrier3A)
    %scan3A = arith.constant 0 : i32
    %scan3A_3 = arith.constant 0 : i32
    %scan3A_4 = arith.constant 125 : i32
    %scan3A_5 = arith.addi %scan3A_3, %scan3A_4 : i32
    %scan3A_6 = arith.constant 1 : i32
    scf.for %scan3A_9 = %scan3A_3 to %scan3A_5 step %scan3A_6  : i32 {
      %dma_start3A = arith.constant 0 : i32
      %dma_start3A_10 = tpu.memref_slice %arg7[%scan3A_9, %dma_start3A] : memref<125x80xi32, #tpu.memory_space<vmem>> -> memref<1x80xi32, #tpu.memory_space<vmem>>
      %dma_start3A_11 = tpu.memref_squeeze %dma_start3A_10 : memref<1x80xi32, #tpu.memory_space<vmem>> -> memref<80xi32, #tpu.memory_space<vmem>>
      %dma_start3A_12 = arith.constant 0 : i32
      %dma_start3A_13 = arith.constant 0 : i32
      %dma_start3A_14 = tpu.memref_slice %arg2[%dma_start3A_12, %dma_start3A_13] : memref<10000x128xf32, #tpu.memory_space<hbm>> -> memref<10000x128xf32, #tpu.memory_space<hbm>>
      tpu.enqueue_indirect_dma source(%dma_start3A_14 : memref<10000x128xf32, #tpu.memory_space<hbm>>) target(%arg9 : memref<80x128xf32, #tpu.memory_space<vmem>>) offsets(%dma_start3A_11 : memref<80xi32, #tpu.memory_space<vmem>>) semaphore(%arg11 : memref<!tpu.dma_semaphore, #tpu.memory_space<semaphore_mem>>)
      %dma_wait3A = arith.constant 0 : i32
      %dma_wait3A_15 = tpu.memref_slice %arg7[%scan3A_9, %dma_wait3A] : memref<125x80xi32, #tpu.memory_space<vmem>> -> memref<1x80xi32, #tpu.memory_space<vmem>>
      %dma_wait3A_16 = tpu.memref_squeeze %dma_wait3A_15 : memref<1x80xi32, #tpu.memory_space<vmem>> -> memref<80xi32, #tpu.memory_space<vmem>>
      %dma_wait3A_17 = arith.constant 0 : i32
      %dma_wait3A_18 = arith.constant 0 : i32
      %dma_wait3A_19 = tpu.memref_slice %arg2[%dma_wait3A_17, %dma_wait3A_18] : memref<10000x128xf32, #tpu.memory_space<hbm>> -> memref<10000x128xf32, #tpu.memory_space<hbm>>
      tpu.wait_indirect_dma semaphore(%arg11 : memref<!tpu.dma_semaphore, #tpu.memory_space<semaphore_mem>>) src(%dma_wait3A_19 : memref<10000x128xf32, #tpu.memory_space<hbm>>) dst(%arg9 : memref<80x128xf32, #tpu.memory_space<vmem>>)
      "tpu.region"() ({
        %run_scoped3A = tpu.sem_alloc : memref<!tpu.dma_semaphore, #tpu.memory_space<semaphore_mem>>
        %dma_start3A_20 = arith.constant 0 : i32
        %dma_start3A_21 = tpu.memref_slice %arg8[%scan3A_9, %dma_start3A_20] : memref<125x80xi32, #tpu.memory_space<vmem>> -> memref<1x80xi32, #tpu.memory_space<vmem>>
        %dma_start3A_22 = tpu.memref_squeeze %dma_start3A_21 : memref<1x80xi32, #tpu.memory_space<vmem>> -> memref<80xi32, #tpu.memory_space<vmem>>
        %dma_start3A_23 = arith.constant 0 : i32
        %dma_start3A_24 = arith.constant 0 : i32
        %dma_start3A_25 = tpu.memref_slice %arg10[%dma_start3A_23, %dma_start3A_24] : memref<10240x128xf32, #tpu.memory_space<vmem_shared>> -> memref<10240x128xf32, #tpu.memory_space<vmem_shared>>
        tpu.enqueue_indirect_dma source(%arg9 : memref<80x128xf32, #tpu.memory_space<vmem>>) target(%dma_start3A_25 : memref<10240x128xf32, #tpu.memory_space<vmem_shared>>) offsets(%dma_start3A_22 : memref<80xi32, #tpu.memory_space<vmem>>) semaphore(%run_scoped3A : memref<!tpu.dma_semaphore, #tpu.memory_space<semaphore_mem>>) {add = true}
        %dma_wait3A_26 = arith.constant 0 : i32
        %dma_wait3A_27 = tpu.memref_slice %arg8[%scan3A_9, %dma_wait3A_26] : memref<125x80xi32, #tpu.memory_space<vmem>> -> memref<1x80xi32, #tpu.memory_space<vmem>>
        %dma_wait3A_28 = tpu.memref_squeeze %dma_wait3A_27 : memref<1x80xi32, #tpu.memory_space<vmem>> -> memref<80xi32, #tpu.memory_space<vmem>>
        %dma_wait3A_29 = arith.constant 0 : i32
        %dma_wait3A_30 = arith.constant 0 : i32
        %dma_wait3A_31 = tpu.memref_slice %arg10[%dma_wait3A_29, %dma_wait3A_30] : memref<10240x128xf32, #tpu.memory_space<vmem_shared>> -> memref<10240x128xf32, #tpu.memory_space<vmem_shared>>
        tpu.wait_indirect_dma semaphore(%run_scoped3A : memref<!tpu.dma_semaphore, #tpu.memory_space<semaphore_mem>>) src(%arg9 : memref<80x128xf32, #tpu.memory_space<vmem>>) dst(%dma_wait3A_31 : memref<10240x128xf32, #tpu.memory_space<vmem_shared>>)
        tpu.yield
      }) : () -> ()
    }
    %scan3A_7 = arith.constant 125 : i32
    %barrier3A_8 = arith.constant 0 : index
    tpu.barrier barrier_id(%barrier3A_8)
    "tpu.region"() ({
      %run_scoped3A = tpu.sem_alloc : memref<!tpu.dma_semaphore, #tpu.memory_space<semaphore_mem>>
      %dma_start3A = arith.constant 0 : i32
      %dma_start3A_9 = tpu.memref_slice %arg6[%arg0, %multiple_of3A, %dma_start3A] : memref<2x10240x128xf32, #tpu.memory_space<hbm>> -> memref<1x640x128xf32, #tpu.memory_space<hbm>>
      %dma_start3A_10 = tpu.memref_squeeze %dma_start3A_9 : memref<1x640x128xf32, #tpu.memory_space<hbm>> -> memref<640x128xf32, #tpu.memory_space<hbm>>
      %dma_start3A_11 = arith.constant 0 : i32
      %dma_start3A_12 = tpu.memref_slice %arg10[%multiple_of3A, %dma_start3A_11] : memref<10240x128xf32, #tpu.memory_space<vmem_shared>> -> memref<640x128xf32, #tpu.memory_space<vmem_shared>>
      tpu.enqueue_dma source(%dma_start3A_12 : memref<640x128xf32, #tpu.memory_space<vmem_shared>>) target(%dma_start3A_10 : memref<640x128xf32, #tpu.memory_space<hbm>>) target_semaphore(%run_scoped3A : memref<!tpu.dma_semaphore, #tpu.memory_space<semaphore_mem>>)
      %dma_wait3A = arith.constant 0 : i32
      %dma_wait3A_13 = tpu.memref_slice %arg6[%arg0, %multiple_of3A, %dma_wait3A] : memref<2x10240x128xf32, #tpu.memory_space<hbm>> -> memref<1x640x128xf32, #tpu.memory_space<hbm>>
      %dma_wait3A_14 = tpu.memref_squeeze %dma_wait3A_13 : memref<1x640x128xf32, #tpu.memory_space<hbm>> -> memref<640x128xf32, #tpu.memory_space<hbm>>
      %dma_wait3A_15 = arith.constant 0 : i32
      %dma_wait3A_16 = tpu.memref_slice %arg10[%multiple_of3A, %dma_wait3A_15] : memref<10240x128xf32, #tpu.memory_space<vmem_shared>> -> memref<640x128xf32, #tpu.memory_space<vmem_shared>>
      tpu.wait_dma2 semaphore(%run_scoped3A : memref<!tpu.dma_semaphore, #tpu.memory_space<semaphore_mem>>) src(%dma_wait3A_16 : memref<640x128xf32, #tpu.memory_space<vmem_shared>>) dst(%dma_wait3A_14 : memref<640x128xf32, #tpu.memory_space<hbm>>)
      tpu.yield
    }) : () -> ()
    return
  }
}

#map = affine_map<(d0, d1) -> (0, 0)>
#map1 = affine_map<(d0, d1) -> (0, 0, 0)>
module attributes {stable_mosaic.version = 14 : i64} {
  func.func @k(%arg0: i32, %arg1: i32, %arg2: memref<10000x128xf32, #tpu.memory_space<hbm>>, %arg3: memref<32x125x80xi32, #tpu.memory_space<hbm>>, %arg4: memref<32x125x80xi32, #tpu.memory_space<hbm>>, %arg5: memref<640x128xf32, #tpu.memory_space<hbm>>, %arg6: memref<2x10240x128xf32, #tpu.memory_space<hbm>>, %arg7: memref<125x80xi32, #tpu.memory_space<vmem>>, %arg8: memref<125x80xi32, #tpu.memory_space<vmem>>, %arg9: memref<80x128xf32, #tpu.memory_space<vmem>>, %arg10: memref<10240x128xf32, #tpu.memory_space<vmem_shared>>, %arg11: memref<!tpu.dma_semaphore, #tpu.memory_space<semaphore_mem>>) attributes {dimension_semantics = [#tpu.dimension_semantics<core_parallel>, #tpu.dimension_semantics<subcore_parallel>], iteration_bounds = array<i64: 2, 16>, scalar_prefetch = 0 : i64, scratch_operands = 5 : i64, tpu.core_type = #tpu.core_type<sc_vector_subcore>, window_params = [{transform_indices = #map}, {transform_indices = #map1}, {transform_indices = #map1}, {transform_indices = #map}, {transform_indices = #map1}]} {
    %mul3A = arith.constant 16 : i32
    %mul3A_0 = arith.muli %arg0, %mul3A : i32
    %add3A = arith.addi %mul3A_0, %arg1 : i32
    %mul3A_1 = arith.constant 640 : i32
    %mul3A_2 = arith.muli %arg1, %mul3A_1 : i32
    %multiple_of3A = tpu.assume_multiple %mul3A_2, 8 : i32
    "tpu.region"() ({
      %run_scoped3A = tpu.sem_alloc : memref<!tpu.dma_semaphore, #tpu.memory_space<semaphore_mem>>
      %dma_start3A = arith.constant 0 : i32
      %dma_start3A_9 = tpu.memref_slice %arg10[%multiple_of3A, %dma_start3A] : memref<10240x128xf32, #tpu.memory_space<vmem_shared>> -> memref<640x128xf32, #tpu.memory_space<vmem_shared>>
      tpu.enqueue_dma source(%arg5 : memref<640x128xf32, #tpu.memory_space<hbm>>) target(%dma_start3A_9 : memref<640x128xf32, #tpu.memory_space<vmem_shared>>) target_semaphore(%run_scoped3A : memref<!tpu.dma_semaphore, #tpu.memory_space<semaphore_mem>>)
      %dma_wait3A = arith.constant 0 : i32
      %dma_wait3A_10 = tpu.memref_slice %arg10[%multiple_of3A, %dma_wait3A] : memref<10240x128xf32, #tpu.memory_space<vmem_shared>> -> memref<640x128xf32, #tpu.memory_space<vmem_shared>>
      tpu.wait_dma2 semaphore(%run_scoped3A : memref<!tpu.dma_semaphore, #tpu.memory_space<semaphore_mem>>) src(%arg5 : memref<640x128xf32, #tpu.memory_space<hbm>>) dst(%dma_wait3A_10 : memref<640x128xf32, #tpu.memory_space<vmem_shared>>)
      tpu.yield
    }) : () -> ()
    "tpu.region"() ({
      %run_scoped3A = tpu.sem_alloc : memref<!tpu.dma_semaphore, #tpu.memory_space<semaphore_mem>>
      %dma_start3A = arith.constant 0 : i32
      %dma_start3A_9 = arith.constant 0 : i32
      %dma_start3A_10 = tpu.memref_slice %arg3[%add3A, %dma_start3A, %dma_start3A_9] : memref<32x125x80xi32, #tpu.memory_space<hbm>> -> memref<1x125x80xi32, #tpu.memory_space<hbm>>
      %dma_start3A_11 = tpu.memref_squeeze %dma_start3A_10 : memref<1x125x80xi32, #tpu.memory_space<hbm>> -> memref<125x80xi32, #tpu.memory_space<hbm>>
      %dma_start3A_12 = arith.constant 0 : i32
      %dma_start3A_13 = arith.constant 0 : i32
      %dma_start3A_14 = tpu.memref_slice %arg3[%add3A, %dma_start3A_12, %dma_start3A_13] : memref<32x125x80xi32, #tpu.memory_space<hbm>> -> memref<1x125x80xi32, #tpu.memory_space<hbm>>
      %dma_start3A_15 = tpu.memref_squeeze %dma_start3A_14 : memref<1x125x80xi32, #tpu.memory_space<hbm>> -> memref<125x80xi32, #tpu.memory_space<hbm>>
      tpu.enqueue_dma source(%dma_start3A_15 : memref<125x80xi32, #tpu.memory_space<hbm>>) target(%arg7 : memref<125x80xi32, #tpu.memory_space<vmem>>) target_semaphore(%run_scoped3A : memref<!tpu.dma_semaphore, #tpu.memory_space<semaphore_mem>>)
      %dma_wait3A = arith.constant 0 : i32
      %dma_wait3A_16 = arith.constant 0 : i32
      %dma_wait3A_17 = tpu.memref_slice %arg3[%add3A, %dma_wait3A, %dma_wait3A_16] : memref<32x125x80xi32, #tpu.memory_space<hbm>> -> memref<1x125x80xi32, #tpu.memory_space<hbm>>
      %dma_wait3A_18 = tpu.memref_squeeze %dma_wait3A_17 : memref<1x125x80xi32, #tpu.memory_space<hbm>> -> memref<125x80xi32, #tpu.memory_space<hbm>>
      %dma_wait3A_19 = arith.constant 0 : i32
      %dma_wait3A_20 = arith.constant 0 : i32
      %dma_wait3A_21 = tpu.memref_slice %arg3[%add3A, %dma_wait3A_19, %dma_wait3A_20] : memref<32x125x80xi32, #tpu.memory_space<hbm>> -> memref<1x125x80xi32, #tpu.memory_space<hbm>>
      %dma_wait3A_22 = tpu.memref_squeeze %dma_wait3A_21 : memref<1x125x80xi32, #tpu.memory_space<hbm>> -> memref<125x80xi32, #tpu.memory_space<hbm>>
      tpu.wait_dma2 semaphore(%run_scoped3A : memref<!tpu.dma_semaphore, #tpu.memory_space<semaphore_mem>>) src(%dma_wait3A_22 : memref<125x80xi32, #tpu.memory_space<hbm>>) dst(%arg7 : memref<125x80xi32, #tpu.memory_space<vmem>>)
      tpu.yield
    }) : () -> ()
    "tpu.region"() ({
      %run_scoped3A = tpu.sem_alloc : memref<!tpu.dma_semaphore, #tpu.memory_space<semaphore_mem>>
      %dma_start3A = arith.constant 0 : i32
      %dma_start3A_9 = arith.constant 0 : i32
      %dma_start3A_10 = tpu.memref_slice %arg4[%add3A, %dma_start3A, %dma_start3A_9] : memref<32x125x80xi32, #tpu.memory_space<hbm>> -> memref<1x125x80xi32, #tpu.memory_space<hbm>>
      %dma_start3A_11 = tpu.memref_squeeze %dma_start3A_10 : memref<1x125x80xi32, #tpu.memory_space<hbm>> -> memref<125x80xi32, #tpu.memory_space<hbm>>
      %dma_start3A_12 = arith.constant 0 : i32
      %dma_start3A_13 = arith.constant 0 : i32
      %dma_start3A_14 = tpu.memref_slice %arg4[%add3A, %dma_start3A_12, %dma_start3A_13] : memref<32x125x80xi32, #tpu.memory_space<hbm>> -> memref<1x125x80xi32, #tpu.memory_space<hbm>>
      %dma_start3A_15 = tpu.memref_squeeze %dma_start3A_14 : memref<1x125x80xi32, #tpu.memory_space<hbm>> -> memref<125x80xi32, #tpu.memory_space<hbm>>
      tpu.enqueue_dma source(%dma_start3A_15 : memref<125x80xi32, #tpu.memory_space<hbm>>) target(%arg8 : memref<125x80xi32, #tpu.memory_space<vmem>>) target_semaphore(%run_scoped3A : memref<!tpu.dma_semaphore, #tpu.memory_space<semaphore_mem>>)
      %dma_wait3A = arith.constant 0 : i32
      %dma_wait3A_16 = arith.constant 0 : i32
      %dma_wait3A_17 = tpu.memref_slice %arg4[%add3A, %dma_wait3A, %dma_wait3A_16] : memref<32x125x80xi32, #tpu.memory_space<hbm>> -> memref<1x125x80xi32, #tpu.memory_space<hbm>>
      %dma_wait3A_18 = tpu.memref_squeeze %dma_wait3A_17 : memref<1x125x80xi32, #tpu.memory_space<hbm>> -> memref<125x80xi32, #tpu.memory_space<hbm>>
      %dma_wait3A_19 = arith.constant 0 : i32
      %dma_wait3A_20 = arith.constant 0 : i32
      %dma_wait3A_21 = tpu.memref_slice %arg4[%add3A, %dma_wait3A_19, %dma_wait3A_20] : memref<32x125x80xi32, #tpu.memory_space<hbm>> -> memref<1x125x80xi32, #tpu.memory_space<hbm>>
      %dma_wait3A_22 = tpu.memref_squeeze %dma_wait3A_21 : memref<1x125x80xi32, #tpu.memory_space<hbm>> -> memref<125x80xi32, #tpu.memory_space<hbm>>
      tpu.wait_dma2 semaphore(%run_scoped3A : memref<!tpu.dma_semaphore, #tpu.memory_space<semaphore_mem>>) src(%dma_wait3A_22 : memref<125x80xi32, #tpu.memory_space<hbm>>) dst(%arg8 : memref<125x80xi32, #tpu.memory_space<vmem>>)
      tpu.yield
    }) : () -> ()
    %barrier3A = arith.constant 0 : index
    tpu.barrier barrier_id(%barrier3A)
    %scan3A = arith.constant 0 : i32
    %scan3A_3 = arith.constant 0 : i32
    %scan3A_4 = arith.constant 125 : i32
    %scan3A_5 = arith.addi %scan3A_3, %scan3A_4 : i32
    %scan3A_6 = arith.constant 1 : i32
    scf.for %scan3A_9 = %scan3A_3 to %scan3A_5 step %scan3A_6  : i32 {
      %dma_start3A = arith.constant 0 : i32
      %dma_start3A_10 = tpu.memref_slice %arg7[%scan3A_9, %dma_start3A] : memref<125x80xi32, #tpu.memory_space<vmem>> -> memref<1x80xi32, #tpu.memory_space<vmem>>
      %dma_start3A_11 = tpu.memref_squeeze %dma_start3A_10 : memref<1x80xi32, #tpu.memory_space<vmem>> -> memref<80xi32, #tpu.memory_space<vmem>>
      %dma_start3A_12 = arith.constant 0 : i32
      %dma_start3A_13 = arith.constant 0 : i32
      %dma_start3A_14 = tpu.memref_slice %arg2[%dma_start3A_12, %dma_start3A_13] : memref<10000x128xf32, #tpu.memory_space<hbm>> -> memref<10000x128xf32, #tpu.memory_space<hbm>>
      tpu.enqueue_indirect_dma source(%dma_start3A_14 : memref<10000x128xf32, #tpu.memory_space<hbm>>) target(%arg9 : memref<80x128xf32, #tpu.memory_space<vmem>>) offsets(%dma_start3A_11 : memref<80xi32, #tpu.memory_space<vmem>>) semaphore(%arg11 : memref<!tpu.dma_semaphore, #tpu.memory_space<semaphore_mem>>)
      %dma_wait3A = arith.constant 0 : i32
      %dma_wait3A_15 = tpu.memref_slice %arg7[%scan3A_9, %dma_wait3A] : memref<125x80xi32, #tpu.memory_space<vmem>> -> memref<1x80xi32, #tpu.memory_space<vmem>>
      %dma_wait3A_16 = tpu.memref_squeeze %dma_wait3A_15 : memref<1x80xi32, #tpu.memory_space<vmem>> -> memref<80xi32, #tpu.memory_space<vmem>>
      %dma_wait3A_17 = arith.constant 0 : i32
      %dma_wait3A_18 = arith.constant 0 : i32
      %dma_wait3A_19 = tpu.memref_slice %arg2[%dma_wait3A_17, %dma_wait3A_18] : memref<10000x128xf32, #tpu.memory_space<hbm>> -> memref<10000x128xf32, #tpu.memory_space<hbm>>
      tpu.wait_indirect_dma semaphore(%arg11 : memref<!tpu.dma_semaphore, #tpu.memory_space<semaphore_mem>>) src(%dma_wait3A_19 : memref<10000x128xf32, #tpu.memory_space<hbm>>) dst(%arg9 : memref<80x128xf32, #tpu.memory_space<vmem>>)
      "tpu.region"() ({
        %run_scoped3A = tpu.sem_alloc : memref<!tpu.dma_semaphore, #tpu.memory_space<semaphore_mem>>
        %dma_start3A_20 = arith.constant 0 : i32
        %dma_start3A_21 = tpu.memref_slice %arg8[%scan3A_9, %dma_start3A_20] : memref<125x80xi32, #tpu.memory_space<vmem>> -> memref<1x80xi32, #tpu.memory_space<vmem>>
        %dma_start3A_22 = tpu.memref_squeeze %dma_start3A_21 : memref<1x80xi32, #tpu.memory_space<vmem>> -> memref<80xi32, #tpu.memory_space<vmem>>
        %dma_start3A_23 = arith.constant 0 : i32
        %dma_start3A_24 = arith.constant 0 : i32
        %dma_start3A_25 = tpu.memref_slice %arg10[%dma_start3A_23, %dma_start3A_24] : memref<10240x128xf32, #tpu.memory_space<vmem_shared>> -> memref<10240x128xf32, #tpu.memory_space<vmem_shared>>
        tpu.enqueue_indirect_dma source(%arg9 : memref<80x128xf32, #tpu.memory_space<vmem>>) target(%dma_start3A_25 : memref<10240x128xf32, #tpu.memory_space<vmem_shared>>) offsets(%dma_start3A_22 : memref<80xi32, #tpu.memory_space<vmem>>) semaphore(%run_scoped3A : memref<!tpu.dma_semaphore, #tpu.memory_space<semaphore_mem>>) {add = true}
        %dma_wait3A_26 = arith.constant 0 : i32
        %dma_wait3A_27 = tpu.memref_slice %arg8[%scan3A_9, %dma_wait3A_26] : memref<125x80xi32, #tpu.memory_space<vmem>> -> memref<1x80xi32, #tpu.memory_space<vmem>>
        %dma_wait3A_28 = tpu.memref_squeeze %dma_wait3A_27 : memref<1x80xi32, #tpu.memory_space<vmem>> -> memref<80xi32, #tpu.memory_space<vmem>>
        %dma_wait3A_29 = arith.constant 0 : i32
        %dma_wait3A_30 = arith.constant 0 : i32
        %dma_wait3A_31 = tpu.memref_slice %arg10[%dma_wait3A_29, %dma_wait3A_30] : memref<10240x128xf32, #tpu.memory_space<vmem_shared>> -> memref<10240x128xf32, #tpu.memory_space<vmem_shared>>
        tpu.wait_indirect_dma semaphore(%run_scoped3A : memref<!tpu.dma_semaphore, #tpu.memory_space<semaphore_mem>>) src(%arg9 : memref<80x128xf32, #tpu.memory_space<vmem>>) dst(%dma_wait3A_31 : memref<10240x128xf32, #tpu.memory_space<vmem_shared>>)
        tpu.yield
      }) : () -> ()
    }
    %scan3A_7 = arith.constant 125 : i32
    %barrier3A_8 = arith.constant 0 : index
    tpu.barrier barrier_id(%barrier3A_8)
    "tpu.region"() ({
      %run_scoped3A = tpu.sem_alloc : memref<!tpu.dma_semaphore, #tpu.memory_space<semaphore_mem>>
      %dma_start3A = arith.constant 0 : i32
      %dma_start3A_9 = tpu.memref_slice %arg6[%arg0, %multiple_of3A, %dma_start3A] : memref<2x10240x128xf32, #tpu.memory_space<hbm>> -> memref<1x640x128xf32, #tpu.memory_space<hbm>>
      %dma_start3A_10 = tpu.memref_squeeze %dma_start3A_9 : memref<1x640x128xf32, #tpu.memory_space<hbm>> -> memref<640x128xf32, #tpu.memory_space<hbm>>
      %dma_start3A_11 = arith.constant 0 : i32
      %dma_start3A_12 = tpu.memref_slice %arg10[%multiple_of3A, %dma_start3A_11] : memref<10240x128xf32, #tpu.memory_space<vmem_shared>> -> memref<640x128xf32, #tpu.memory_space<vmem_shared>>
      tpu.enqueue_dma source(%dma_start3A_12 : memref<640x128xf32, #tpu.memory_space<vmem_shared>>) target(%dma_start3A_10 : memref<640x128xf32, #tpu.memory_space<hbm>>) target_semaphore(%run_scoped3A : memref<!tpu.dma_semaphore, #tpu.memory_space<semaphore_mem>>)
      %dma_wait3A = arith.constant 0 : i32
      %dma_wait3A_13 = tpu.memref_slice %arg6[%arg0, %multiple_of3A, %dma_wait3A] : memref<2x10240x128xf32, #tpu.memory_space<hbm>> -> memref<1x640x128xf32, #tpu.memory_space<hbm>>
      %dma_wait3A_14 = tpu.memref_squeeze %dma_wait3A_13 : memref<1x640x128xf32, #tpu.memory_space<hbm>> -> memref<640x128xf32, #tpu.memory_space<hbm>>
      %dma_wait3A_15 = arith.constant 0 : i32
      %dma_wait3A_16 = tpu.memref_slice %arg10[%multiple_of3A, %dma_wait3A_15] : memref<10240x128xf32, #tpu.memory_space<vmem_shared>> -> memref<640x128xf32, #tpu.memory_space<vmem_shared>>
      tpu.wait_dma2 semaphore(%run_scoped3A : memref<!tpu.dma_semaphore, #tpu.memory_space<semaphore_mem>>) src(%dma_wait3A_16 : memref<640x128xf32, #tpu.memory_space<vmem_shared>>) dst(%dma_wait3A_14 : memref<640x128xf32, #tpu.memory_space<hbm>>)
      tpu.yield
    }) : () -> ()
    return
  }
}

module attributes {stable_mosaic.version = 14 : i64} {
  func.func @_dense_a(%arg0: i32, %arg1: memref<2x1000x128xf32, #tpu.memory_space<vmem>>, %arg2: memref<1000x128xf32, #tpu.memory_space<vmem>>, %arg3: memref<2x1000x128xf32, #tpu.memory_space<vmem>>, %arg4: memref<128x128xf32, #tpu.memory_space<vmem>>, %arg5: memref<1x128xf32, #tpu.memory_space<vmem>>, %arg6: memref<128x256xf32, #tpu.memory_space<vmem>>, %arg7: memref<1x256xf32, #tpu.memory_space<vmem>>, %arg8: memref<256x128xf32, #tpu.memory_space<vmem>>, %arg9: memref<1x128xf32, #tpu.memory_space<vmem>>, %arg10: memref<1000x128xf32, #tpu.memory_space<vmem>>, %arg11: memref<8x128xf32, #tpu.memory_space<vmem>>, %arg12: memref<8x128xf32, #tpu.memory_space<vmem>>) attributes {dimension_semantics = [#tpu.dimension_semantics<arbitrary>], iteration_bounds = array<i64: 10>, scalar_prefetch = 0 : i64, scratch_operands = 1 : i64, tpu.core_type = #tpu.core_type<tc>, window_params = [{transform_indices = @transform_0, window_bounds = array<i64: 2, 1000, 128>}, {transform_indices = @transform_1, window_bounds = array<i64: 1000, 128>}, {transform_indices = @transform_2, window_bounds = array<i64: 2, 1000, 128>}, {pipeline_mode = #tpu.pipeline_mode<synchronous>, transform_indices = @transform_3, window_bounds = array<i64: 128, 128>}, {pipeline_mode = #tpu.pipeline_mode<synchronous>, transform_indices = @transform_4, window_bounds = array<i64: 1, 128>}, {pipeline_mode = #tpu.pipeline_mode<synchronous>, transform_indices = @transform_5, window_bounds = array<i64: 128, 256>}, {pipeline_mode = #tpu.pipeline_mode<synchronous>, transform_indices = @transform_6, window_bounds = array<i64: 1, 256>}, {pipeline_mode = #tpu.pipeline_mode<synchronous>, transform_indices = @transform_7, window_bounds = array<i64: 256, 128>}, {pipeline_mode = #tpu.pipeline_mode<synchronous>, transform_indices = @transform_8, window_bounds = array<i64: 1, 128>}, {transform_indices = @transform_9, window_bounds = array<i64: 1000, 128>}, {pipeline_mode = #tpu.pipeline_mode<synchronous>, transform_indices = @transform_10, window_bounds = array<i64: 8, 128>}]} {
    %get3A = arith.constant 0 : index
    %get3A_0 = arith.constant 0 : index
    %get3A_1 = arith.constant 0 : index
    %get3A_2 = vector.load %arg3[%get3A, %get3A_0, %get3A_1] : memref<2x1000x128xf32, #tpu.memory_space<vmem>>, vector<1x1000x128xf32>
    %get3A_3 = vector.shape_cast %get3A_2 : vector<1x1000x128xf32> to vector<1000x128xf32>
    %get3A_4 = arith.constant 1 : index
    %get3A_5 = arith.constant 0 : index
    %get3A_6 = arith.constant 0 : index
    %get3A_7 = vector.load %arg3[%get3A_4, %get3A_5, %get3A_6] : memref<2x1000x128xf32, #tpu.memory_space<vmem>>, vector<1x1000x128xf32>
    %get3A_8 = vector.shape_cast %get3A_7 : vector<1x1000x128xf32> to vector<1000x128xf32>
    %add3A = arith.addf %get3A_3, %get3A_8 : vector<1000x128xf32>
    %get3A_9 = arith.constant 0 : index
    %get3A_10 = arith.constant 0 : index
    %get3A_11 = arith.constant 0 : index
    %get3A_12 = vector.load %arg1[%get3A_9, %get3A_10, %get3A_11] : memref<2x1000x128xf32, #tpu.memory_space<vmem>>, vector<1x1000x128xf32>
    %get3A_13 = vector.shape_cast %get3A_12 : vector<1x1000x128xf32> to vector<1000x128xf32>
    %get3A_14 = arith.constant 1 : index
    %get3A_15 = arith.constant 0 : index
    %get3A_16 = arith.constant 0 : index
    %get3A_17 = vector.load %arg1[%get3A_14, %get3A_15, %get3A_16] : memref<2x1000x128xf32, #tpu.memory_space<vmem>>, vector<1x1000x128xf32>
    %get3A_18 = vector.shape_cast %get3A_17 : vector<1x1000x128xf32> to vector<1000x128xf32>
    %add3A_19 = arith.addf %get3A_13, %get3A_18 : vector<1000x128xf32>
    %get3A_20 = arith.constant 0 : index
    %get3A_21 = arith.constant 0 : index
    %get3A_22 = vector.load %arg2[%get3A_20, %get3A_21] : memref<1000x128xf32, #tpu.memory_space<vmem>>, vector<1000x128xf32>
    %add3A_23 = arith.addf %add3A_19, %get3A_22 : vector<1000x128xf32>
    %get3A_24 = arith.constant 0 : index
    %get3A_25 = arith.constant 0 : index
    %get3A_26 = vector.load %arg5[%get3A_24, %get3A_25] : memref<1x128xf32, #tpu.memory_space<vmem>>, vector<1x128xf32>
    %add3A_27 = vector.broadcast %get3A_26 : vector<1x128xf32> to vector<1000x128xf32>
    %add3A_28 = arith.addf %add3A_23, %add3A_27 : vector<1000x128xf32>
    %get3A_29 = arith.constant 0 : index
    %get3A_30 = arith.constant 0 : index
    %get3A_31 = vector.load %arg4[%get3A_29, %get3A_30] : memref<128x128xf32, #tpu.memory_space<vmem>>, vector<128x128xf32>
    %dot_general3A = arith.constant dense<0.000000e+00> : vector<1000x128xf32>
    %dot_general3A_32 = tpu.matmul %add3A, %get3A_31, %dot_general3A {dimension_numbers = #tpu.dot_dimension_numbers<[1], [0], [0], [1], [0, 0, 1, 1], [], []>, precision = #tpu.contract_precision<fp32>, transpose_lhs_hint = false} : vector<1000x128xf32>, vector<128x128xf32>, vector<1000x128xf32> -> vector<1000x128xf32>
    %add3A_33 = arith.addf %add3A_28, %dot_general3A_32 : vector<1000x128xf32>
    %get3A_34 = arith.constant 0 : index
    %get3A_35 = arith.constant 0 : index
    %get3A_36 = vector.load %arg6[%get3A_34, %get3A_35] : memref<128x256xf32, #tpu.memory_space<vmem>>, vector<128x256xf32>
    %dot_general3A_37 = arith.constant dense<0.000000e+00> : vector<1000x256xf32>
    %dot_general3A_38 = tpu.matmul %add3A_33, %get3A_36, %dot_general3A_37 {dimension_numbers = #tpu.dot_dimension_numbers<[1], [0], [0], [1], [0, 0, 1, 1], [], []>, transpose_lhs_hint = false} : vector<1000x128xf32>, vector<128x256xf32>, vector<1000x256xf32> -> vector<1000x256xf32>
    %get3A_39 = arith.constant 0 : index
    %get3A_40 = arith.constant 0 : index
    %get3A_41 = vector.load %arg7[%get3A_39, %get3A_40] : memref<1x256xf32, #tpu.memory_space<vmem>>, vector<1x256xf32>
    %add3A_42 = vector.broadcast %get3A_41 : vector<1x256xf32> to vector<1000x256xf32>
    %add3A_43 = arith.addf %dot_general3A_38, %add3A_42 : vector<1000x256xf32>
    %max3A = arith.constant 0.000000e+00 : f32
    %max3A_44 = vector.broadcast %max3A : f32 to vector<1000x256xf32>
    %max3A_45 = arith.maximumf %add3A_43, %max3A_44 : vector<1000x256xf32>
    %get3A_46 = arith.constant 0 : index
    %get3A_47 = arith.constant 0 : index
    %get3A_48 = vector.load %arg8[%get3A_46, %get3A_47] : memref<256x128xf32, #tpu.memory_space<vmem>>, vector<256x128xf32>
    %dot_general3A_49 = arith.constant dense<0.000000e+00> : vector<1000x128xf32>
    %dot_general3A_50 = tpu.matmul %max3A_45, %get3A_48, %dot_general3A_49 {dimension_numbers = #tpu.dot_dimension_numbers<[1], [0], [0], [1], [0, 0, 1, 1], [], []>, transpose_lhs_hint = false} : vector<1000x256xf32>, vector<256x128xf32>, vector<1000x128xf32> -> vector<1000x128xf32>
    %get3A_51 = arith.constant 0 : index
    %get3A_52 = arith.constant 0 : index
    %get3A_53 = vector.load %arg9[%get3A_51, %get3A_52] : memref<1x128xf32, #tpu.memory_space<vmem>>, vector<1x128xf32>
    %add3A_54 = vector.broadcast %get3A_53 : vector<1x128xf32> to vector<1000x128xf32>
    %add3A_55 = arith.addf %dot_general3A_50, %add3A_54 : vector<1000x128xf32>
    %swap3A = arith.constant 0 : index
    %swap3A_56 = arith.constant 0 : index
    %swap3A_57 = vector.load %arg10[%swap3A, %swap3A_56] : memref<1000x128xf32, #tpu.memory_space<vmem>>, vector<1000x128xf32>
    tpu.vector_store %arg10[%swap3A, %swap3A_56], %add3A_55 {strides = array<i32>} : memref<1000x128xf32, #tpu.memory_space<vmem>>, vector<1000x128xf32>,
    %eq3A = arith.constant 0 : i32
    %eq3A_58 = arith.cmpi eq, %arg0, %eq3A : i32
    %convert_element_type3A = arith.extui %eq3A_58 : i1 to i32
    %cond3A = arith.constant 0 : i32
    %cond3A_59 = arith.cmpi ne, %convert_element_type3A, %cond3A : i32
    scf.if %cond3A_59 {
      %broadcast_in_dim3A_73 = arith.constant 0.000000e+00 : f32
      %broadcast_in_dim3A_74 = vector.broadcast %broadcast_in_dim3A_73 : f32 to vector<8x128xf32>
      %swap3A_75 = arith.constant 0 : index
      %swap3A_76 = arith.constant 0 : index
      %swap3A_77 = vector.load %arg12[%swap3A_75, %swap3A_76] : memref<8x128xf32, #tpu.memory_space<vmem>>, vector<8x128xf32>
      tpu.vector_store %arg12[%swap3A_75, %swap3A_76], %broadcast_in_dim3A_74 {strides = array<i32>} : memref<8x128xf32, #tpu.memory_space<vmem>>, vector<8x128xf32>,
    } else {
    }
    %get3A_60 = arith.constant 0 : index
    %get3A_61 = arith.constant 0 : index
    %get3A_62 = vector.load %arg12[%get3A_60, %get3A_61] : memref<8x128xf32, #tpu.memory_space<vmem>>, vector<1x128xf32>
    %reduce_sum3A = arith.constant dense<0.000000e+00> : vector<128xf32>
    %reduce_sum3A_63 = vector.multi_reduction <add>, %add3A_55, %reduce_sum3A [0] : vector<1000x128xf32> to vector<128xf32>
    %broadcast_in_dim3A = vector.shape_cast %reduce_sum3A_63 : vector<128xf32> to vector<1x128xf32>
    %add3A_64 = arith.addf %get3A_62, %broadcast_in_dim3A : vector<1x128xf32>
    %swap3A_65 = arith.constant 0 : index
    %swap3A_66 = arith.constant 0 : index
    %swap3A_67 = vector.load %arg12[%swap3A_65, %swap3A_66] : memref<8x128xf32, #tpu.memory_space<vmem>>, vector<1x128xf32>
    tpu.vector_store %arg12[%swap3A_65, %swap3A_66], %add3A_64 {strides = array<i32>} : memref<8x128xf32, #tpu.memory_space<vmem>>, vector<1x128xf32>,
    %eq3A_68 = arith.constant 9 : i32
    %eq3A_69 = arith.cmpi eq, %arg0, %eq3A_68 : i32
    %convert_element_type3A_70 = arith.extui %eq3A_69 : i1 to i32
    %cond3A_71 = arith.constant 0 : i32
    %cond3A_72 = arith.cmpi ne, %convert_element_type3A_70, %cond3A_71 : i32
    scf.if %cond3A_72 {
      %get3A_73 = arith.constant 0 : index
      %get3A_74 = arith.constant 0 : index
      %get3A_75 = vector.load %arg12[%get3A_73, %get3A_74] : memref<8x128xf32, #tpu.memory_space<vmem>>, vector<8x128xf32>
      %swap3A_76 = arith.constant 0 : index
      %swap3A_77 = arith.constant 0 : index
      %swap3A_78 = vector.load %arg11[%swap3A_76, %swap3A_77] : memref<8x128xf32, #tpu.memory_space<vmem>>, vector<8x128xf32>
      tpu.vector_store %arg11[%swap3A_76, %swap3A_77], %get3A_75 {strides = array<i32>} : memref<8x128xf32, #tpu.memory_space<vmem>>, vector<8x128xf32>,
    } else {
    }
    return
  }
  func.func @transform_0(%arg0: i32) -> (i32, i32, i32) {
    %c0_i32 = arith.constant 0 : i32
    %c0_i32_0 = arith.constant 0 : i32
    %c0_i32_1 = arith.constant 0 : i32
    return %c0_i32, %arg0, %c0_i32_0 : i32, i32, i32
  }
  func.func @transform_1(%arg0: i32) -> (i32, i32) {
    %c0_i32 = arith.constant 0 : i32
    %c0_i32_0 = arith.constant 0 : i32
    return %arg0, %c0_i32 : i32, i32
  }
  func.func @transform_2(%arg0: i32) -> (i32, i32, i32) {
    %c0_i32 = arith.constant 0 : i32
    %c0_i32_0 = arith.constant 0 : i32
    %c0_i32_1 = arith.constant 0 : i32
    return %c0_i32, %arg0, %c0_i32_0 : i32, i32, i32
  }
  func.func @transform_3(%arg0: i32) -> (i32, i32) {
    %c0_i32 = arith.constant 0 : i32
    %c0_i32_0 = arith.constant 0 : i32
    %c0_i32_1 = arith.constant 0 : i32
    return %c0_i32, %c0_i32_0 : i32, i32
  }
  func.func @transform_4(%arg0: i32) -> (i32, i32) {
    %c0_i32 = arith.constant 0 : i32
    %c0_i32_0 = arith.constant 0 : i32
    %c0_i32_1 = arith.constant 0 : i32
    return %c0_i32, %c0_i32_0 : i32, i32
  }
  func.func @transform_5(%arg0: i32) -> (i32, i32) {
    %c0_i32 = arith.constant 0 : i32
    %c0_i32_0 = arith.constant 0 : i32
    %c0_i32_1 = arith.constant 0 : i32
    return %c0_i32, %c0_i32_0 : i32, i32
  }
  func.func @transform_6(%arg0: i32) -> (i32, i32) {
    %c0_i32 = arith.constant 0 : i32
    %c0_i32_0 = arith.constant 0 : i32
    %c0_i32_1 = arith.constant 0 : i32
    return %c0_i32, %c0_i32_0 : i32, i32
  }
  func.func @transform_7(%arg0: i32) -> (i32, i32) {
    %c0_i32 = arith.constant 0 : i32
    %c0_i32_0 = arith.constant 0 : i32
    %c0_i32_1 = arith.constant 0 : i32
    return %c0_i32, %c0_i32_0 : i32, i32
  }
  func.func @transform_8(%arg0: i32) -> (i32, i32) {
    %c0_i32 = arith.constant 0 : i32
    %c0_i32_0 = arith.constant 0 : i32
    %c0_i32_1 = arith.constant 0 : i32
    return %c0_i32, %c0_i32_0 : i32, i32
  }
  func.func @transform_9(%arg0: i32) -> (i32, i32) {
    %c0_i32 = arith.constant 0 : i32
    %c0_i32_0 = arith.constant 0 : i32
    return %arg0, %c0_i32 : i32, i32
  }
  func.func @transform_10(%arg0: i32) -> (i32, i32) {
    %c0_i32 = arith.constant 0 : i32
    %c0_i32_0 = arith.constant 0 : i32
    %c0_i32_1 = arith.constant 0 : i32
    return %c0_i32, %c0_i32_0 : i32, i32
  }
}

module attributes {stable_mosaic.version = 14 : i64} {
  func.func @_dense_v(%arg0: i32, %arg1: memref<1000x128xf32, #tpu.memory_space<vmem>>, %arg2: memref<8x128xf32, #tpu.memory_space<vmem>>, %arg3: memref<8x128xf32, #tpu.memory_space<vmem>>, %arg4: memref<8x128xf32, #tpu.memory_space<vmem>>) attributes {dimension_semantics = [#tpu.dimension_semantics<arbitrary>], iteration_bounds = array<i64: 10>, scalar_prefetch = 0 : i64, scratch_operands = 1 : i64, tpu.core_type = #tpu.core_type<tc>, window_params = [{transform_indices = @transform_0, window_bounds = array<i64: 1000, 128>}, {pipeline_mode = #tpu.pipeline_mode<synchronous>, transform_indices = @transform_1, window_bounds = array<i64: 8, 128>}, {pipeline_mode = #tpu.pipeline_mode<synchronous>, transform_indices = @transform_2, window_bounds = array<i64: 8, 128>}]} {
    %get3A = arith.constant 0 : index
    %get3A_0 = arith.constant 0 : index
    %get3A_1 = vector.load %arg2[%get3A, %get3A_0] : memref<8x128xf32, #tpu.memory_space<vmem>>, vector<1x128xf32>
    %div3A = arith.constant 1.000000e+04 : f32
    %div3A_2 = vector.broadcast %div3A : f32 to vector<1x128xf32>
    %div3A_3 = arith.divf %get3A_1, %div3A_2 : vector<1x128xf32>
    %get3A_4 = arith.constant 0 : index
    %get3A_5 = arith.constant 0 : index
    %get3A_6 = vector.load %arg1[%get3A_4, %get3A_5] : memref<1000x128xf32, #tpu.memory_space<vmem>>, vector<1000x128xf32>
    %sub3A = vector.broadcast %div3A_3 : vector<1x128xf32> to vector<1000x128xf32>
    %sub3A_7 = arith.subf %get3A_6, %sub3A : vector<1000x128xf32>
    %eq3A = arith.constant 0 : i32
    %eq3A_8 = arith.cmpi eq, %arg0, %eq3A : i32
    %convert_element_type3A = arith.extui %eq3A_8 : i1 to i32
    %cond3A = arith.constant 0 : i32
    %cond3A_9 = arith.cmpi ne, %convert_element_type3A, %cond3A : i32
    scf.if %cond3A_9 {
      %broadcast_in_dim3A_21 = arith.constant 0.000000e+00 : f32
      %broadcast_in_dim3A_22 = vector.broadcast %broadcast_in_dim3A_21 : f32 to vector<8x128xf32>
      %swap3A_23 = arith.constant 0 : index
      %swap3A_24 = arith.constant 0 : index
      %swap3A_25 = vector.load %arg4[%swap3A_23, %swap3A_24] : memref<8x128xf32, #tpu.memory_space<vmem>>, vector<8x128xf32>
      tpu.vector_store %arg4[%swap3A_23, %swap3A_24], %broadcast_in_dim3A_22 {strides = array<i32>} : memref<8x128xf32, #tpu.memory_space<vmem>>, vector<8x128xf32>,
    } else {
    }
    %get3A_10 = arith.constant 0 : index
    %get3A_11 = arith.constant 0 : index
    %get3A_12 = vector.load %arg4[%get3A_10, %get3A_11] : memref<8x128xf32, #tpu.memory_space<vmem>>, vector<1x128xf32>
    %mul3A = arith.mulf %sub3A_7, %sub3A_7 : vector<1000x128xf32>
    %reduce_sum3A = arith.constant dense<0.000000e+00> : vector<128xf32>
    %reduce_sum3A_13 = vector.multi_reduction <add>, %mul3A, %reduce_sum3A [0] : vector<1000x128xf32> to vector<128xf32>
    %broadcast_in_dim3A = vector.shape_cast %reduce_sum3A_13 : vector<128xf32> to vector<1x128xf32>
    %add3A = arith.addf %get3A_12, %broadcast_in_dim3A : vector<1x128xf32>
    %swap3A = arith.constant 0 : index
    %swap3A_14 = arith.constant 0 : index
    %swap3A_15 = vector.load %arg4[%swap3A, %swap3A_14] : memref<8x128xf32, #tpu.memory_space<vmem>>, vector<1x128xf32>
    tpu.vector_store %arg4[%swap3A, %swap3A_14], %add3A {strides = array<i32>} : memref<8x128xf32, #tpu.memory_space<vmem>>, vector<1x128xf32>,
    %eq3A_16 = arith.constant 9 : i32
    %eq3A_17 = arith.cmpi eq, %arg0, %eq3A_16 : i32
    %convert_element_type3A_18 = arith.extui %eq3A_17 : i1 to i32
    %cond3A_19 = arith.constant 0 : i32
    %cond3A_20 = arith.cmpi ne, %convert_element_type3A_18, %cond3A_19 : i32
    scf.if %cond3A_20 {
      %get3A_21 = arith.constant 0 : index
      %get3A_22 = arith.constant 0 : index
      %get3A_23 = vector.load %arg4[%get3A_21, %get3A_22] : memref<8x128xf32, #tpu.memory_space<vmem>>, vector<8x128xf32>
      %swap3A_24 = arith.constant 0 : index
      %swap3A_25 = arith.constant 0 : index
      %swap3A_26 = vector.load %arg3[%swap3A_24, %swap3A_25] : memref<8x128xf32, #tpu.memory_space<vmem>>, vector<8x128xf32>
      tpu.vector_store %arg3[%swap3A_24, %swap3A_25], %get3A_23 {strides = array<i32>} : memref<8x128xf32, #tpu.memory_space<vmem>>, vector<8x128xf32>,
    } else {
    }
    return
  }
  func.func @transform_0(%arg0: i32) -> (i32, i32) {
    %c0_i32 = arith.constant 0 : i32
    %c0_i32_0 = arith.constant 0 : i32
    return %arg0, %c0_i32 : i32, i32
  }
  func.func @transform_1(%arg0: i32) -> (i32, i32) {
    %c0_i32 = arith.constant 0 : i32
    %c0_i32_0 = arith.constant 0 : i32
    %c0_i32_1 = arith.constant 0 : i32
    return %c0_i32, %c0_i32_0 : i32, i32
  }
  func.func @transform_2(%arg0: i32) -> (i32, i32) {
    %c0_i32 = arith.constant 0 : i32
    %c0_i32_0 = arith.constant 0 : i32
    %c0_i32_1 = arith.constant 0 : i32
    return %c0_i32, %c0_i32_0 : i32, i32
  }
}

module attributes {stable_mosaic.version = 14 : i64} {
  func.func @_dense_b(%arg0: i32, %arg1: memref<1000x128xf32, #tpu.memory_space<vmem>>, %arg2: memref<8x128xf32, #tpu.memory_space<vmem>>, %arg3: memref<8x128xf32, #tpu.memory_space<vmem>>, %arg4: memref<1x128xf32, #tpu.memory_space<vmem>>, %arg5: memref<1x128xf32, #tpu.memory_space<vmem>>, %arg6: memref<1000x128xf32, #tpu.memory_space<vmem>>) attributes {dimension_semantics = [#tpu.dimension_semantics<arbitrary>], iteration_bounds = array<i64: 10>, scalar_prefetch = 0 : i64, scratch_operands = 0 : i64, tpu.core_type = #tpu.core_type<tc>, window_params = [{transform_indices = @transform_0, window_bounds = array<i64: 1000, 128>}, {pipeline_mode = #tpu.pipeline_mode<synchronous>, transform_indices = @transform_1, window_bounds = array<i64: 8, 128>}, {pipeline_mode = #tpu.pipeline_mode<synchronous>, transform_indices = @transform_2, window_bounds = array<i64: 8, 128>}, {pipeline_mode = #tpu.pipeline_mode<synchronous>, transform_indices = @transform_3, window_bounds = array<i64: 1, 128>}, {pipeline_mode = #tpu.pipeline_mode<synchronous>, transform_indices = @transform_4, window_bounds = array<i64: 1, 128>}, {transform_indices = @transform_5, window_bounds = array<i64: 1000, 128>}]} {
    %get3A = arith.constant 0 : index
    %get3A_0 = arith.constant 0 : index
    %get3A_1 = vector.load %arg2[%get3A, %get3A_0] : memref<8x128xf32, #tpu.memory_space<vmem>>, vector<1x128xf32>
    %div3A = arith.constant 1.000000e+04 : f32
    %div3A_2 = vector.broadcast %div3A : f32 to vector<1x128xf32>
    %div3A_3 = arith.divf %get3A_1, %div3A_2 : vector<1x128xf32>
    %get3A_4 = arith.constant 0 : index
    %get3A_5 = arith.constant 0 : index
    %get3A_6 = vector.load %arg3[%get3A_4, %get3A_5] : memref<8x128xf32, #tpu.memory_space<vmem>>, vector<1x128xf32>
    %div3A_7 = arith.constant 1.000000e+04 : f32
    %div3A_8 = vector.broadcast %div3A_7 : f32 to vector<1x128xf32>
    %div3A_9 = arith.divf %get3A_6, %div3A_8 : vector<1x128xf32>
    %add3A = arith.constant 9.99999974E-6 : f32
    %add3A_10 = vector.broadcast %add3A : f32 to vector<1x128xf32>
    %add3A_11 = arith.addf %div3A_9, %add3A_10 : vector<1x128xf32>
    %rsqrt3A = math.rsqrt %add3A_11 : vector<1x128xf32>
    %get3A_12 = arith.constant 0 : index
    %get3A_13 = arith.constant 0 : index
    %get3A_14 = vector.load %arg1[%get3A_12, %get3A_13] : memref<1000x128xf32, #tpu.memory_space<vmem>>, vector<1000x128xf32>
    %sub3A = vector.broadcast %div3A_3 : vector<1x128xf32> to vector<1000x128xf32>
    %sub3A_15 = arith.subf %get3A_14, %sub3A : vector<1000x128xf32>
    %mul3A = vector.broadcast %rsqrt3A : vector<1x128xf32> to vector<1000x128xf32>
    %mul3A_16 = arith.mulf %sub3A_15, %mul3A : vector<1000x128xf32>
    %get3A_17 = arith.constant 0 : index
    %get3A_18 = arith.constant 0 : index
    %get3A_19 = vector.load %arg4[%get3A_17, %get3A_18] : memref<1x128xf32, #tpu.memory_space<vmem>>, vector<1x128xf32>
    %mul3A_20 = vector.broadcast %get3A_19 : vector<1x128xf32> to vector<1000x128xf32>
    %mul3A_21 = arith.mulf %mul3A_16, %mul3A_20 : vector<1000x128xf32>
    %get3A_22 = arith.constant 0 : index
    %get3A_23 = arith.constant 0 : index
    %get3A_24 = vector.load %arg5[%get3A_22, %get3A_23] : memref<1x128xf32, #tpu.memory_space<vmem>>, vector<1x128xf32>
    %add3A_25 = vector.broadcast %get3A_24 : vector<1x128xf32> to vector<1000x128xf32>
    %add3A_26 = arith.addf %mul3A_21, %add3A_25 : vector<1000x128xf32>
    %max3A = arith.constant 0.000000e+00 : f32
    %max3A_27 = vector.broadcast %max3A : f32 to vector<1000x128xf32>
    %max3A_28 = arith.maximumf %add3A_26, %max3A_27 : vector<1000x128xf32>
    %swap3A = arith.constant 0 : index
    %swap3A_29 = arith.constant 0 : index
    %swap3A_30 = vector.load %arg6[%swap3A, %swap3A_29] : memref<1000x128xf32, #tpu.memory_space<vmem>>, vector<1000x128xf32>
    tpu.vector_store %arg6[%swap3A, %swap3A_29], %max3A_28 {strides = array<i32>} : memref<1000x128xf32, #tpu.memory_space<vmem>>, vector<1000x128xf32>,
    return
  }
  func.func @transform_0(%arg0: i32) -> (i32, i32) {
    %c0_i32 = arith.constant 0 : i32
    %c0_i32_0 = arith.constant 0 : i32
    return %arg0, %c0_i32 : i32, i32
  }
  func.func @transform_1(%arg0: i32) -> (i32, i32) {
    %c0_i32 = arith.constant 0 : i32
    %c0_i32_0 = arith.constant 0 : i32
    %c0_i32_1 = arith.constant 0 : i32
    return %c0_i32, %c0_i32_0 : i32, i32
  }
  func.func @transform_2(%arg0: i32) -> (i32, i32) {
    %c0_i32 = arith.constant 0 : i32
    %c0_i32_0 = arith.constant 0 : i32
    %c0_i32_1 = arith.constant 0 : i32
    return %c0_i32, %c0_i32_0 : i32, i32
  }
  func.func @transform_3(%arg0: i32) -> (i32, i32) {
    %c0_i32 = arith.constant 0 : i32
    %c0_i32_0 = arith.constant 0 : i32
    %c0_i32_1 = arith.constant 0 : i32
    return %c0_i32, %c0_i32_0 : i32, i32
  }
  func.func @transform_4(%arg0: i32) -> (i32, i32) {
    %c0_i32 = arith.constant 0 : i32
    %c0_i32_0 = arith.constant 0 : i32
    %c0_i32_1 = arith.constant 0 : i32
    return %c0_i32, %c0_i32_0 : i32, i32
  }
  func.func @transform_5(%arg0: i32) -> (i32, i32) {
    %c0_i32 = arith.constant 0 : i32
    %c0_i32_0 = arith.constant 0 : i32
    return %arg0, %c0_i32 : i32, i32
  }
}

module attributes {stable_mosaic.version = 14 : i64} {
  func.func @_dense_a(%arg0: i32, %arg1: memref<2x1000x128xf32, #tpu.memory_space<vmem>>, %arg2: memref<1000x128xf32, #tpu.memory_space<vmem>>, %arg3: memref<2x1000x128xf32, #tpu.memory_space<vmem>>, %arg4: memref<128x128xf32, #tpu.memory_space<vmem>>, %arg5: memref<1x128xf32, #tpu.memory_space<vmem>>, %arg6: memref<128x256xf32, #tpu.memory_space<vmem>>, %arg7: memref<1x256xf32, #tpu.memory_space<vmem>>, %arg8: memref<256x128xf32, #tpu.memory_space<vmem>>, %arg9: memref<1x128xf32, #tpu.memory_space<vmem>>, %arg10: memref<1000x128xf32, #tpu.memory_space<vmem>>, %arg11: memref<8x128xf32, #tpu.memory_space<vmem>>, %arg12: memref<8x128xf32, #tpu.memory_space<vmem>>) attributes {dimension_semantics = [#tpu.dimension_semantics<arbitrary>], iteration_bounds = array<i64: 10>, scalar_prefetch = 0 : i64, scratch_operands = 1 : i64, tpu.core_type = #tpu.core_type<tc>, window_params = [{transform_indices = @transform_0, window_bounds = array<i64: 2, 1000, 128>}, {transform_indices = @transform_1, window_bounds = array<i64: 1000, 128>}, {transform_indices = @transform_2, window_bounds = array<i64: 2, 1000, 128>}, {pipeline_mode = #tpu.pipeline_mode<synchronous>, transform_indices = @transform_3, window_bounds = array<i64: 128, 128>}, {pipeline_mode = #tpu.pipeline_mode<synchronous>, transform_indices = @transform_4, window_bounds = array<i64: 1, 128>}, {pipeline_mode = #tpu.pipeline_mode<synchronous>, transform_indices = @transform_5, window_bounds = array<i64: 128, 256>}, {pipeline_mode = #tpu.pipeline_mode<synchronous>, transform_indices = @transform_6, window_bounds = array<i64: 1, 256>}, {pipeline_mode = #tpu.pipeline_mode<synchronous>, transform_indices = @transform_7, window_bounds = array<i64: 256, 128>}, {pipeline_mode = #tpu.pipeline_mode<synchronous>, transform_indices = @transform_8, window_bounds = array<i64: 1, 128>}, {transform_indices = @transform_9, window_bounds = array<i64: 1000, 128>}, {pipeline_mode = #tpu.pipeline_mode<synchronous>, transform_indices = @transform_10, window_bounds = array<i64: 8, 128>}]} {
    %get3A = arith.constant 0 : index
    %get3A_0 = arith.constant 0 : index
    %get3A_1 = arith.constant 0 : index
    %get3A_2 = vector.load %arg3[%get3A, %get3A_0, %get3A_1] : memref<2x1000x128xf32, #tpu.memory_space<vmem>>, vector<1x1000x128xf32>
    %get3A_3 = vector.shape_cast %get3A_2 : vector<1x1000x128xf32> to vector<1000x128xf32>
    %get3A_4 = arith.constant 1 : index
    %get3A_5 = arith.constant 0 : index
    %get3A_6 = arith.constant 0 : index
    %get3A_7 = vector.load %arg3[%get3A_4, %get3A_5, %get3A_6] : memref<2x1000x128xf32, #tpu.memory_space<vmem>>, vector<1x1000x128xf32>
    %get3A_8 = vector.shape_cast %get3A_7 : vector<1x1000x128xf32> to vector<1000x128xf32>
    %add3A = arith.addf %get3A_3, %get3A_8 : vector<1000x128xf32>
    %get3A_9 = arith.constant 0 : index
    %get3A_10 = arith.constant 0 : index
    %get3A_11 = arith.constant 0 : index
    %get3A_12 = vector.load %arg1[%get3A_9, %get3A_10, %get3A_11] : memref<2x1000x128xf32, #tpu.memory_space<vmem>>, vector<1x1000x128xf32>
    %get3A_13 = vector.shape_cast %get3A_12 : vector<1x1000x128xf32> to vector<1000x128xf32>
    %get3A_14 = arith.constant 1 : index
    %get3A_15 = arith.constant 0 : index
    %get3A_16 = arith.constant 0 : index
    %get3A_17 = vector.load %arg1[%get3A_14, %get3A_15, %get3A_16] : memref<2x1000x128xf32, #tpu.memory_space<vmem>>, vector<1x1000x128xf32>
    %get3A_18 = vector.shape_cast %get3A_17 : vector<1x1000x128xf32> to vector<1000x128xf32>
    %add3A_19 = arith.addf %get3A_13, %get3A_18 : vector<1000x128xf32>
    %get3A_20 = arith.constant 0 : index
    %get3A_21 = arith.constant 0 : index
    %get3A_22 = vector.load %arg2[%get3A_20, %get3A_21] : memref<1000x128xf32, #tpu.memory_space<vmem>>, vector<1000x128xf32>
    %add3A_23 = arith.addf %add3A_19, %get3A_22 : vector<1000x128xf32>
    %get3A_24 = arith.constant 0 : index
    %get3A_25 = arith.constant 0 : index
    %get3A_26 = vector.load %arg5[%get3A_24, %get3A_25] : memref<1x128xf32, #tpu.memory_space<vmem>>, vector<1x128xf32>
    %add3A_27 = vector.broadcast %get3A_26 : vector<1x128xf32> to vector<1000x128xf32>
    %add3A_28 = arith.addf %add3A_23, %add3A_27 : vector<1000x128xf32>
    %get3A_29 = arith.constant 0 : index
    %get3A_30 = arith.constant 0 : index
    %get3A_31 = vector.load %arg4[%get3A_29, %get3A_30] : memref<128x128xf32, #tpu.memory_space<vmem>>, vector<128x128xf32>
    %dot_general3A = arith.constant dense<0.000000e+00> : vector<1000x128xf32>
    %dot_general3A_32 = tpu.matmul %add3A, %get3A_31, %dot_general3A {dimension_numbers = #tpu.dot_dimension_numbers<[1], [0], [0], [1], [0, 0, 1, 1], [], []>, precision = #tpu.contract_precision<fp32>, transpose_lhs_hint = false} : vector<1000x128xf32>, vector<128x128xf32>, vector<1000x128xf32> -> vector<1000x128xf32>
    %add3A_33 = arith.addf %add3A_28, %dot_general3A_32 : vector<1000x128xf32>
    %get3A_34 = arith.constant 0 : index
    %get3A_35 = arith.constant 0 : index
    %get3A_36 = vector.load %arg6[%get3A_34, %get3A_35] : memref<128x256xf32, #tpu.memory_space<vmem>>, vector<128x256xf32>
    %dot_general3A_37 = arith.constant dense<0.000000e+00> : vector<1000x256xf32>
    %dot_general3A_38 = tpu.matmul %add3A_33, %get3A_36, %dot_general3A_37 {dimension_numbers = #tpu.dot_dimension_numbers<[1], [0], [0], [1], [0, 0, 1, 1], [], []>, transpose_lhs_hint = false} : vector<1000x128xf32>, vector<128x256xf32>, vector<1000x256xf32> -> vector<1000x256xf32>
    %get3A_39 = arith.constant 0 : index
    %get3A_40 = arith.constant 0 : index
    %get3A_41 = vector.load %arg7[%get3A_39, %get3A_40] : memref<1x256xf32, #tpu.memory_space<vmem>>, vector<1x256xf32>
    %add3A_42 = vector.broadcast %get3A_41 : vector<1x256xf32> to vector<1000x256xf32>
    %add3A_43 = arith.addf %dot_general3A_38, %add3A_42 : vector<1000x256xf32>
    %max3A = arith.constant 0.000000e+00 : f32
    %max3A_44 = vector.broadcast %max3A : f32 to vector<1000x256xf32>
    %max3A_45 = arith.maximumf %add3A_43, %max3A_44 : vector<1000x256xf32>
    %get3A_46 = arith.constant 0 : index
    %get3A_47 = arith.constant 0 : index
    %get3A_48 = vector.load %arg8[%get3A_46, %get3A_47] : memref<256x128xf32, #tpu.memory_space<vmem>>, vector<256x128xf32>
    %dot_general3A_49 = arith.constant dense<0.000000e+00> : vector<1000x128xf32>
    %dot_general3A_50 = tpu.matmul %max3A_45, %get3A_48, %dot_general3A_49 {dimension_numbers = #tpu.dot_dimension_numbers<[1], [0], [0], [1], [0, 0, 1, 1], [], []>, transpose_lhs_hint = false} : vector<1000x256xf32>, vector<256x128xf32>, vector<1000x128xf32> -> vector<1000x128xf32>
    %get3A_51 = arith.constant 0 : index
    %get3A_52 = arith.constant 0 : index
    %get3A_53 = vector.load %arg9[%get3A_51, %get3A_52] : memref<1x128xf32, #tpu.memory_space<vmem>>, vector<1x128xf32>
    %add3A_54 = vector.broadcast %get3A_53 : vector<1x128xf32> to vector<1000x128xf32>
    %add3A_55 = arith.addf %dot_general3A_50, %add3A_54 : vector<1000x128xf32>
    %swap3A = arith.constant 0 : index
    %swap3A_56 = arith.constant 0 : index
    %swap3A_57 = vector.load %arg10[%swap3A, %swap3A_56] : memref<1000x128xf32, #tpu.memory_space<vmem>>, vector<1000x128xf32>
    tpu.vector_store %arg10[%swap3A, %swap3A_56], %add3A_55 {strides = array<i32>} : memref<1000x128xf32, #tpu.memory_space<vmem>>, vector<1000x128xf32>,
    %eq3A = arith.constant 0 : i32
    %eq3A_58 = arith.cmpi eq, %arg0, %eq3A : i32
    %convert_element_type3A = arith.extui %eq3A_58 : i1 to i32
    %cond3A = arith.constant 0 : i32
    %cond3A_59 = arith.cmpi ne, %convert_element_type3A, %cond3A : i32
    scf.if %cond3A_59 {
      %broadcast_in_dim3A_73 = arith.constant 0.000000e+00 : f32
      %broadcast_in_dim3A_74 = vector.broadcast %broadcast_in_dim3A_73 : f32 to vector<8x128xf32>
      %swap3A_75 = arith.constant 0 : index
      %swap3A_76 = arith.constant 0 : index
      %swap3A_77 = vector.load %arg12[%swap3A_75, %swap3A_76] : memref<8x128xf32, #tpu.memory_space<vmem>>, vector<8x128xf32>
      tpu.vector_store %arg12[%swap3A_75, %swap3A_76], %broadcast_in_dim3A_74 {strides = array<i32>} : memref<8x128xf32, #tpu.memory_space<vmem>>, vector<8x128xf32>,
    } else {
    }
    %get3A_60 = arith.constant 0 : index
    %get3A_61 = arith.constant 0 : index
    %get3A_62 = vector.load %arg12[%get3A_60, %get3A_61] : memref<8x128xf32, #tpu.memory_space<vmem>>, vector<1x128xf32>
    %reduce_sum3A = arith.constant dense<0.000000e+00> : vector<128xf32>
    %reduce_sum3A_63 = vector.multi_reduction <add>, %add3A_55, %reduce_sum3A [0] : vector<1000x128xf32> to vector<128xf32>
    %broadcast_in_dim3A = vector.shape_cast %reduce_sum3A_63 : vector<128xf32> to vector<1x128xf32>
    %add3A_64 = arith.addf %get3A_62, %broadcast_in_dim3A : vector<1x128xf32>
    %swap3A_65 = arith.constant 0 : index
    %swap3A_66 = arith.constant 0 : index
    %swap3A_67 = vector.load %arg12[%swap3A_65, %swap3A_66] : memref<8x128xf32, #tpu.memory_space<vmem>>, vector<1x128xf32>
    tpu.vector_store %arg12[%swap3A_65, %swap3A_66], %add3A_64 {strides = array<i32>} : memref<8x128xf32, #tpu.memory_space<vmem>>, vector<1x128xf32>,
    %eq3A_68 = arith.constant 9 : i32
    %eq3A_69 = arith.cmpi eq, %arg0, %eq3A_68 : i32
    %convert_element_type3A_70 = arith.extui %eq3A_69 : i1 to i32
    %cond3A_71 = arith.constant 0 : i32
    %cond3A_72 = arith.cmpi ne, %convert_element_type3A_70, %cond3A_71 : i32
    scf.if %cond3A_72 {
      %get3A_73 = arith.constant 0 : index
      %get3A_74 = arith.constant 0 : index
      %get3A_75 = vector.load %arg12[%get3A_73, %get3A_74] : memref<8x128xf32, #tpu.memory_space<vmem>>, vector<8x128xf32>
      %swap3A_76 = arith.constant 0 : index
      %swap3A_77 = arith.constant 0 : index
      %swap3A_78 = vector.load %arg11[%swap3A_76, %swap3A_77] : memref<8x128xf32, #tpu.memory_space<vmem>>, vector<8x128xf32>
      tpu.vector_store %arg11[%swap3A_76, %swap3A_77], %get3A_75 {strides = array<i32>} : memref<8x128xf32, #tpu.memory_space<vmem>>, vector<8x128xf32>,
    } else {
    }
    return
  }
  func.func @transform_0(%arg0: i32) -> (i32, i32, i32) {
    %c0_i32 = arith.constant 0 : i32
    %c0_i32_0 = arith.constant 0 : i32
    %c0_i32_1 = arith.constant 0 : i32
    return %c0_i32, %arg0, %c0_i32_0 : i32, i32, i32
  }
  func.func @transform_1(%arg0: i32) -> (i32, i32) {
    %c0_i32 = arith.constant 0 : i32
    %c0_i32_0 = arith.constant 0 : i32
    return %arg0, %c0_i32 : i32, i32
  }
  func.func @transform_2(%arg0: i32) -> (i32, i32, i32) {
    %c0_i32 = arith.constant 0 : i32
    %c0_i32_0 = arith.constant 0 : i32
    %c0_i32_1 = arith.constant 0 : i32
    return %c0_i32, %arg0, %c0_i32_0 : i32, i32, i32
  }
  func.func @transform_3(%arg0: i32) -> (i32, i32) {
    %c0_i32 = arith.constant 0 : i32
    %c0_i32_0 = arith.constant 0 : i32
    %c0_i32_1 = arith.constant 0 : i32
    return %c0_i32, %c0_i32_0 : i32, i32
  }
  func.func @transform_4(%arg0: i32) -> (i32, i32) {
    %c0_i32 = arith.constant 0 : i32
    %c0_i32_0 = arith.constant 0 : i32
    %c0_i32_1 = arith.constant 0 : i32
    return %c0_i32, %c0_i32_0 : i32, i32
  }
  func.func @transform_5(%arg0: i32) -> (i32, i32) {
    %c0_i32 = arith.constant 0 : i32
    %c0_i32_0 = arith.constant 0 : i32
    %c0_i32_1 = arith.constant 0 : i32
    return %c0_i32, %c0_i32_0 : i32, i32
  }
  func.func @transform_6(%arg0: i32) -> (i32, i32) {
    %c0_i32 = arith.constant 0 : i32
    %c0_i32_0 = arith.constant 0 : i32
    %c0_i32_1 = arith.constant 0 : i32
    return %c0_i32, %c0_i32_0 : i32, i32
  }
  func.func @transform_7(%arg0: i32) -> (i32, i32) {
    %c0_i32 = arith.constant 0 : i32
    %c0_i32_0 = arith.constant 0 : i32
    %c0_i32_1 = arith.constant 0 : i32
    return %c0_i32, %c0_i32_0 : i32, i32
  }
  func.func @transform_8(%arg0: i32) -> (i32, i32) {
    %c0_i32 = arith.constant 0 : i32
    %c0_i32_0 = arith.constant 0 : i32
    %c0_i32_1 = arith.constant 0 : i32
    return %c0_i32, %c0_i32_0 : i32, i32
  }
  func.func @transform_9(%arg0: i32) -> (i32, i32) {
    %c0_i32 = arith.constant 0 : i32
    %c0_i32_0 = arith.constant 0 : i32
    return %arg0, %c0_i32 : i32, i32
  }
  func.func @transform_10(%arg0: i32) -> (i32, i32) {
    %c0_i32 = arith.constant 0 : i32
    %c0_i32_0 = arith.constant 0 : i32
    %c0_i32_1 = arith.constant 0 : i32
    return %c0_i32, %c0_i32_0 : i32, i32
  }
}

module attributes {stable_mosaic.version = 14 : i64} {
  func.func @_dense_b(%arg0: i32, %arg1: memref<1000x128xf32, #tpu.memory_space<vmem>>, %arg2: memref<8x128xf32, #tpu.memory_space<vmem>>, %arg3: memref<8x128xf32, #tpu.memory_space<vmem>>, %arg4: memref<1x128xf32, #tpu.memory_space<vmem>>, %arg5: memref<1x128xf32, #tpu.memory_space<vmem>>, %arg6: memref<1000x128xf32, #tpu.memory_space<vmem>>) attributes {dimension_semantics = [#tpu.dimension_semantics<arbitrary>], iteration_bounds = array<i64: 10>, scalar_prefetch = 0 : i64, scratch_operands = 0 : i64, tpu.core_type = #tpu.core_type<tc>, window_params = [{transform_indices = @transform_0, window_bounds = array<i64: 1000, 128>}, {pipeline_mode = #tpu.pipeline_mode<synchronous>, transform_indices = @transform_1, window_bounds = array<i64: 8, 128>}, {pipeline_mode = #tpu.pipeline_mode<synchronous>, transform_indices = @transform_2, window_bounds = array<i64: 8, 128>}, {pipeline_mode = #tpu.pipeline_mode<synchronous>, transform_indices = @transform_3, window_bounds = array<i64: 1, 128>}, {pipeline_mode = #tpu.pipeline_mode<synchronous>, transform_indices = @transform_4, window_bounds = array<i64: 1, 128>}, {transform_indices = @transform_5, window_bounds = array<i64: 1000, 128>}]} {
    %get3A = arith.constant 0 : index
    %get3A_0 = arith.constant 0 : index
    %get3A_1 = vector.load %arg2[%get3A, %get3A_0] : memref<8x128xf32, #tpu.memory_space<vmem>>, vector<1x128xf32>
    %div3A = arith.constant 1.000000e+04 : f32
    %div3A_2 = vector.broadcast %div3A : f32 to vector<1x128xf32>
    %div3A_3 = arith.divf %get3A_1, %div3A_2 : vector<1x128xf32>
    %get3A_4 = arith.constant 0 : index
    %get3A_5 = arith.constant 0 : index
    %get3A_6 = vector.load %arg3[%get3A_4, %get3A_5] : memref<8x128xf32, #tpu.memory_space<vmem>>, vector<1x128xf32>
    %div3A_7 = arith.constant 1.000000e+04 : f32
    %div3A_8 = vector.broadcast %div3A_7 : f32 to vector<1x128xf32>
    %div3A_9 = arith.divf %get3A_6, %div3A_8 : vector<1x128xf32>
    %add3A = arith.constant 9.99999974E-6 : f32
    %add3A_10 = vector.broadcast %add3A : f32 to vector<1x128xf32>
    %add3A_11 = arith.addf %div3A_9, %add3A_10 : vector<1x128xf32>
    %rsqrt3A = math.rsqrt %add3A_11 : vector<1x128xf32>
    %get3A_12 = arith.constant 0 : index
    %get3A_13 = arith.constant 0 : index
    %get3A_14 = vector.load %arg1[%get3A_12, %get3A_13] : memref<1000x128xf32, #tpu.memory_space<vmem>>, vector<1000x128xf32>
    %sub3A = vector.broadcast %div3A_3 : vector<1x128xf32> to vector<1000x128xf32>
    %sub3A_15 = arith.subf %get3A_14, %sub3A : vector<1000x128xf32>
    %mul3A = vector.broadcast %rsqrt3A : vector<1x128xf32> to vector<1000x128xf32>
    %mul3A_16 = arith.mulf %sub3A_15, %mul3A : vector<1000x128xf32>
    %get3A_17 = arith.constant 0 : index
    %get3A_18 = arith.constant 0 : index
    %get3A_19 = vector.load %arg4[%get3A_17, %get3A_18] : memref<1x128xf32, #tpu.memory_space<vmem>>, vector<1x128xf32>
    %mul3A_20 = vector.broadcast %get3A_19 : vector<1x128xf32> to vector<1000x128xf32>
    %mul3A_21 = arith.mulf %mul3A_16, %mul3A_20 : vector<1000x128xf32>
    %get3A_22 = arith.constant 0 : index
    %get3A_23 = arith.constant 0 : index
    %get3A_24 = vector.load %arg5[%get3A_22, %get3A_23] : memref<1x128xf32, #tpu.memory_space<vmem>>, vector<1x128xf32>
    %add3A_25 = vector.broadcast %get3A_24 : vector<1x128xf32> to vector<1000x128xf32>
    %add3A_26 = arith.addf %mul3A_21, %add3A_25 : vector<1000x128xf32>
    %swap3A = arith.constant 0 : index
    %swap3A_27 = arith.constant 0 : index
    %swap3A_28 = vector.load %arg6[%swap3A, %swap3A_27] : memref<1000x128xf32, #tpu.memory_space<vmem>>, vector<1000x128xf32>
    tpu.vector_store %arg6[%swap3A, %swap3A_27], %add3A_26 {strides = array<i32>} : memref<1000x128xf32, #tpu.memory_space<vmem>>, vector<1000x128xf32>,
    return
  }
  func.func @transform_0(%arg0: i32) -> (i32, i32) {
    %c0_i32 = arith.constant 0 : i32
    %c0_i32_0 = arith.constant 0 : i32
    return %arg0, %c0_i32 : i32, i32
  }
  func.func @transform_1(%arg0: i32) -> (i32, i32) {
    %c0_i32 = arith.constant 0 : i32
    %c0_i32_0 = arith.constant 0 : i32
    %c0_i32_1 = arith.constant 0 : i32
    return %c0_i32, %c0_i32_0 : i32, i32
  }
  func.func @transform_2(%arg0: i32) -> (i32, i32) {
    %c0_i32 = arith.constant 0 : i32
    %c0_i32_0 = arith.constant 0 : i32
    %c0_i32_1 = arith.constant 0 : i32
    return %c0_i32, %c0_i32_0 : i32, i32
  }
  func.func @transform_3(%arg0: i32) -> (i32, i32) {
    %c0_i32 = arith.constant 0 : i32
    %c0_i32_0 = arith.constant 0 : i32
    %c0_i32_1 = arith.constant 0 : i32
    return %c0_i32, %c0_i32_0 : i32, i32
  }
  func.func @transform_4(%arg0: i32) -> (i32, i32) {
    %c0_i32 = arith.constant 0 : i32
    %c0_i32_0 = arith.constant 0 : i32
    %c0_i32_1 = arith.constant 0 : i32
    return %c0_i32, %c0_i32_0 : i32, i32
  }
  func.func @transform_5(%arg0: i32) -> (i32, i32) {
    %c0_i32 = arith.constant 0 : i32
    %c0_i32_0 = arith.constant 0 : i32
    return %arg0, %c0_i32 : i32, i32
  }
}

module attributes {stable_mosaic.version = 14 : i64} {
  func.func @_pool(%arg0: i32, %arg1: memref<1000x128xf32, #tpu.memory_space<vmem>>, %arg2: memref<1000x1xi32, #tpu.memory_space<vmem>>, %arg3: memref<128x128xf32, #tpu.memory_space<vmem>>, %arg4: memref<1x128xf32, #tpu.memory_space<vmem>>, %arg5: memref<256x128xf32, #tpu.memory_space<vmem>>, %arg6: memref<256x128xf32, #tpu.memory_space<vmem>>) attributes {dimension_semantics = [#tpu.dimension_semantics<arbitrary>], iteration_bounds = array<i64: 10>, scalar_prefetch = 0 : i64, scratch_operands = 1 : i64, tpu.core_type = #tpu.core_type<tc>, window_params = [{transform_indices = @transform_0, window_bounds = array<i64: 1000, 128>}, {transform_indices = @transform_1, window_bounds = array<i64: 1000, 1>}, {pipeline_mode = #tpu.pipeline_mode<synchronous>, transform_indices = @transform_2, window_bounds = array<i64: 128, 128>}, {pipeline_mode = #tpu.pipeline_mode<synchronous>, transform_indices = @transform_3, window_bounds = array<i64: 1, 128>}, {pipeline_mode = #tpu.pipeline_mode<synchronous>, transform_indices = @transform_4, window_bounds = array<i64: 256, 128>}]} {
    %eq3A = arith.constant 0 : i32
    %eq3A_0 = arith.cmpi eq, %arg0, %eq3A : i32
    %convert_element_type3A = arith.extui %eq3A_0 : i1 to i32
    %cond3A = arith.constant 0 : i32
    %cond3A_1 = arith.cmpi ne, %convert_element_type3A, %cond3A : i32
    scf.if %cond3A_1 {
      %broadcast_in_dim3A = arith.constant 0.000000e+00 : f32
      %broadcast_in_dim3A_22 = vector.broadcast %broadcast_in_dim3A : f32 to vector<256x128xf32>
      %swap3A_23 = arith.constant 0 : index
      %swap3A_24 = arith.constant 0 : index
      %swap3A_25 = vector.load %arg6[%swap3A_23, %swap3A_24] : memref<256x128xf32, #tpu.memory_space<vmem>>, vector<256x128xf32>
      tpu.vector_store %arg6[%swap3A_23, %swap3A_24], %broadcast_in_dim3A_22 {strides = array<i32>} : memref<256x128xf32, #tpu.memory_space<vmem>>, vector<256x128xf32>,
    } else {
    }
    %iota3A = tpu.iota {dimensions = array<i32: 1>} : vector<1000x256xi32>
    %get3A = arith.constant 0 : index
    %get3A_2 = arith.constant 0 : index
    %get3A_3 = vector.load %arg2[%get3A, %get3A_2] : memref<1000x1xi32, #tpu.memory_space<vmem>>, vector<1000x1xi32>
    %eq3A_4 = vector.broadcast %get3A_3 : vector<1000x1xi32> to vector<1000x256xi32>
    %eq3A_5 = arith.cmpi eq, %eq3A_4, %iota3A : vector<1000x256xi32>
    %convert_element_type3A_6 = arith.extui %eq3A_5 : vector<1000x256xi1> to vector<1000x256xi32>
    %convert_element_type3A_7 = arith.sitofp %convert_element_type3A_6 : vector<1000x256xi32> to vector<1000x256xf32>
    %get3A_8 = arith.constant 0 : index
    %get3A_9 = arith.constant 0 : index
    %get3A_10 = vector.load %arg6[%get3A_8, %get3A_9] : memref<256x128xf32, #tpu.memory_space<vmem>>, vector<256x128xf32>
    %get3A_11 = arith.constant 0 : index
    %get3A_12 = arith.constant 0 : index
    %get3A_13 = vector.load %arg1[%get3A_11, %get3A_12] : memref<1000x128xf32, #tpu.memory_space<vmem>>, vector<1000x128xf32>
    %dot_general3A = arith.constant dense<0.000000e+00> : vector<256x128xf32>
    %dot_general3A_14 = tpu.matmul %convert_element_type3A_7, %get3A_13, %dot_general3A {dimension_numbers = #tpu.dot_dimension_numbers<[0], [0], [1], [1], [0, 1, 1, 1], [], []>, precision = #tpu.contract_precision<fp32>, transpose_lhs_hint = false} : vector<1000x256xf32>, vector<1000x128xf32>, vector<256x128xf32> -> vector<256x128xf32>
    %add3A = arith.addf %get3A_10, %dot_general3A_14 : vector<256x128xf32>
    %swap3A = arith.constant 0 : index
    %swap3A_15 = arith.constant 0 : index
    %swap3A_16 = vector.load %arg6[%swap3A, %swap3A_15] : memref<256x128xf32, #tpu.memory_space<vmem>>, vector<256x128xf32>
    tpu.vector_store %arg6[%swap3A, %swap3A_15], %add3A {strides = array<i32>} : memref<256x128xf32, #tpu.memory_space<vmem>>, vector<256x128xf32>,
    %eq3A_17 = arith.constant 9 : i32
    %eq3A_18 = arith.cmpi eq, %arg0, %eq3A_17 : i32
    %convert_element_type3A_19 = arith.extui %eq3A_18 : i1 to i32
    %cond3A_20 = arith.constant 0 : i32
    %cond3A_21 = arith.cmpi ne, %convert_element_type3A_19, %cond3A_20 : i32
    scf.if %cond3A_21 {
      %get3A_22 = arith.constant 0 : index
      %get3A_23 = arith.constant 0 : index
      %get3A_24 = vector.load %arg6[%get3A_22, %get3A_23] : memref<256x128xf32, #tpu.memory_space<vmem>>, vector<256x128xf32>
      %get3A_25 = arith.constant 0 : index
      %get3A_26 = arith.constant 0 : index
      %get3A_27 = vector.load %arg3[%get3A_25, %get3A_26] : memref<128x128xf32, #tpu.memory_space<vmem>>, vector<128x128xf32>
      %dot_general3A_28 = arith.constant dense<0.000000e+00> : vector<256x128xf32>
      %dot_general3A_29 = tpu.matmul %get3A_24, %get3A_27, %dot_general3A_28 {dimension_numbers = #tpu.dot_dimension_numbers<[1], [0], [0], [1], [0, 0, 1, 1], [], []>, transpose_lhs_hint = false} : vector<256x128xf32>, vector<128x128xf32>, vector<256x128xf32> -> vector<256x128xf32>
      %get3A_30 = arith.constant 0 : index
      %get3A_31 = arith.constant 0 : index
      %get3A_32 = vector.load %arg4[%get3A_30, %get3A_31] : memref<1x128xf32, #tpu.memory_space<vmem>>, vector<1x128xf32>
      %add3A_33 = vector.broadcast %get3A_32 : vector<1x128xf32> to vector<256x128xf32>
      %add3A_34 = arith.addf %dot_general3A_29, %add3A_33 : vector<256x128xf32>
      %swap3A_35 = arith.constant 0 : index
      %swap3A_36 = arith.constant 0 : index
      %swap3A_37 = vector.load %arg5[%swap3A_35, %swap3A_36] : memref<256x128xf32, #tpu.memory_space<vmem>>, vector<256x128xf32>
      tpu.vector_store %arg5[%swap3A_35, %swap3A_36], %add3A_34 {strides = array<i32>} : memref<256x128xf32, #tpu.memory_space<vmem>>, vector<256x128xf32>,
    } else {
    }
    return
  }
  func.func @transform_0(%arg0: i32) -> (i32, i32) {
    %c0_i32 = arith.constant 0 : i32
    %c0_i32_0 = arith.constant 0 : i32
    return %arg0, %c0_i32 : i32, i32
  }
  func.func @transform_1(%arg0: i32) -> (i32, i32) {
    %c0_i32 = arith.constant 0 : i32
    %c0_i32_0 = arith.constant 0 : i32
    return %arg0, %c0_i32 : i32, i32
  }
  func.func @transform_2(%arg0: i32) -> (i32, i32) {
    %c0_i32 = arith.constant 0 : i32
    %c0_i32_0 = arith.constant 0 : i32
    %c0_i32_1 = arith.constant 0 : i32
    return %c0_i32, %c0_i32_0 : i32, i32
  }
  func.func @transform_3(%arg0: i32) -> (i32, i32) {
    %c0_i32 = arith.constant 0 : i32
    %c0_i32_0 = arith.constant 0 : i32
    %c0_i32_1 = arith.constant 0 : i32
    return %c0_i32, %c0_i32_0 : i32, i32
  }
  func.func @transform_4(%arg0: i32) -> (i32, i32) {
    %c0_i32 = arith.constant 0 : i32
    %c0_i32_0 = arith.constant 0 : i32
    %c0_i32_1 = arith.constant 0 : i32
    return %c0_i32, %c0_i32_0 : i32, i32
  }
}

</mosaic_0001>

<sc_bundles>
// kernel: kernel.25.cloned.1.call-start
scs
__scs_entry_jumppad:
0x0: {  	(pc) =	sbr.rel $0x88, $3  }
0x1: {  	(tag) =	ssettag $0x0;
	lr =	simm.s32 $0x1  }
0x2: {  	[smem:$0x3F91] =	sst lr;
	_ =	strace $0xD0000000  }
0x3: {  	_ = 	snop  }
0x4: {  	_ = 	snop  }
0x5: {  	_ = 	snop  }
0x6: {  	_ = 	snop  }
0x7: {  	_ = 	snop  }
__scs_overlays_trampoline_lowered:
0x8: {  	[smem:$0x3FA0] =	sst s0  }
0x9: {  	[smem:$0x3FA1] =	sst s1  }
0xa: {  	[smem:$0x3FA2] =	sst s2  }
0xb: {  	[smem:$0x3FA3] =	sst s3  }
0xc: {  	[smem:$0x3FA4] =	sst s4  }
0xd: {  	[smem:$0x3FA5] =	sst s5  }
0xe: {  	[smem:$0x3FA6] =	sst s6  }
0xf: {  	[smem:$0x3FA7] =	sst s7  }
0x10: {  	[smem:$0x3FA8] =	sst s8  }
0x11: {  	[smem:$0x3FA9] =	sst s9;
	s0 =	simm.s32 @!p0 $0x0  }
0x12: {  	s1 =	sld [smem:$0x3F8F];
	s0 =	simm.s32 @p0 $0x1  }
0x13: {  	[smem:$0x3FAA] =	sst s0;
	s0 =	simm.s32 @!p1 $0x0  }
0x14: {  	s2 =	sld [smem:$0x3F8E];
	s0 =	simm.s32 @p1 $0x1  }
0x15: {  	[smem:$0x3FAB] =	sst s0;
	s0 =	simm.s32 @!p2 $0x0  }
0x16: {  	s3 =	sld [smem:$0x3FDB];
	s0 =	simm.s32 @p2 $0x1  }
0x17: {  	s4 =	simm.s32 $0x1BF5;
	[smem:$0x3FAD] =	sst s0  }
0x18: {  	s0 =	sld [smem:$0x3F90];
	_ =	swait.ge [sflag:s4], $0x0  }
0x19: {  	s7 =	sld [smem:$0x3F91]  }
0x1a: {  	s8 =	sadd.s32 $0xFFFFE003, lr  }
0x1b: {  	s9 =	sadd.s32 $0xFFFFFEF7, lr;
	s5 =	simm.s32 $0xFFFFFFFF;
	p2 =	slt.u32 s8, $0xFFFFF086  }
0x1c: {  	p1 =	slt.u32 s9, $0xF7A;
	s5 =	simm.s32 @!p2 $0x0  }
0x1d: {  	s5 =	simm.s32 @p1 $0x1;
	p0 =	seq.s32 s7, s2  }
0x1e: {  	s7 =	smul.u32 @!p0 $0xF7A, s2;
	p2 =	seq.s32 @!p0 s5, $0x0  }
0x1f: {  	s9 =	smul.u32 $0xF7A, s1;
	s8 =	simm.s32 @!p0 $0x1BF5;
	p2 =	por !p2, p0  }
0x20: {  	[sflag:s8] =	ssyncset.s32 @!p0 $0xFFFFF086;
	s6 =	sadd.s32 @!p0 s3, s7;
	s7 =	simm.s32 @!p0 $0x108  }
0x21: {  	s3 =	sadd.s32 s3, s9;
	s6 =	sadd.s32 @!p0 $0x88, s6;
	s7 =	simm.s32 @p2 $0x1082  }
0x22: {  	[simem:s7], [sflag:s8] =	dma.local @!p0 [hbm:s6], $0xF7A  }
0x23: {  	s9 =	sor.u32 $0xD0000000, s2;
	s6 =	simm.s32 $0x108;
	_ =	swait.ge @!p0 [sflag:s8], $0x0  }
0x24: {  	s3 =	sadd.s32 $0x88, s3;
	s6 =	simm.s32 @!p1 $0x1082;
	[sflag:s4] =	ssyncset.s32 $0xFFFFF086  }
0x25: {  	[simem:s6], [sflag:s4] =	dma.local [hbm:s3], $0xF7A  }
0x26: {  	[smem:$0x3F91] =	sst s1;
	(tag) =	ssettag s2;
	_ =	strace s9  }
0x27: {  	s1 =	sld [smem:$0x3FA1]  }
0x28: {  	s2 =	sld [smem:$0x3FA2]  }
0x29: {  	s4 =	sld [smem:$0x3FA4]  }
0x2a: {  	p0 =	seq.s32 s5, $0x0;
	s5 =	sld [smem:$0x3FA5]  }
0x2b: {  	s6 =	sld [smem:$0x3FA6]  }
0x2c: {  	s7 =	sld [smem:$0x3FA7]  }
0x2d: {  	s3 =	simm.s32 $0x108;
	s8 =	sld [smem:$0x3FA8]  }
0x2e: {  	s3 =	simm.s32 @!p0 $0x1082;
	s9 =	sld [smem:$0x3FA9]  }
0x2f: {  	lr =	sadd.s32 s0, s3;
	s0 =	sld [smem:$0x3FA0]  }
0x30: {  	s3 =	sld [smem:$0x3FA3]  }
0x31: {  	[smem:$0x3FAC] =	sst s10  }
0x32: {  	s10 =	sld [smem:$0x3FAA];
	_ =	sdelay $0x3  }
0x33: {  	p0 =	seq.s32 s10, $0x1;
	s10 =	sld [smem:$0x3FAC];
	_ =	sdelay $0x3  }
0x34: {  	[smem:$0x3FAC] =	sst s10  }
0x35: {  	s10 =	sld [smem:$0x3FAB];
	_ =	sdelay $0x3  }
0x36: {  	p1 =	seq.s32 s10, $0x1;
	s10 =	sld [smem:$0x3FAC];
	_ =	sdelay $0x3  }
0x37: {  	[smem:$0x3FAC] =	sst s10  }
0x38: {  	s10 =	sld [smem:$0x3FAD]  }
0x39: {  	_ = 	snop;
	(pc) =	sbr.ind lr, $3  }
0x3a: {  	_ = 	snop  }
0x3b: {  	_ = 	snop  }
0x3c: {  	p2 =	seq.s32 s10, $0x1;
	s10 =	sld [smem:$0x3FAC]  }
0x3d: {  	_ =	shalt  }
0x3e: {  	_ =	shalt  }
0x3f: {  	_ =	shalt  }
0x40: {  	_ =	shalt  }
0x41: {  	_ =	shalt  }
0x42: {  	_ =	shalt  }
0x43: {  	_ =	shalt  }
0x44: {  	_ =	shalt  }
0x45: {  	_ =	shalt  }
0x46: {  	_ =	shalt  }
0x47: {  	_ =	shalt  }
0x48: {  	_ =	shalt  }
0x49: {  	_ =	shalt  }
0x4a: {  	_ =	shalt  }
0x4b: {  	_ =	shalt  }
0x4c: {  	_ =	shalt  }
0x4d: {  	_ =	shalt  }
0x4e: {  	_ =	shalt  }
0x4f: {  	_ =	shalt  }
0x50: {  	_ =	shalt  }
0x51: {  	_ =	shalt  }
0x52: {  	_ =	shalt  }
0x53: {  	_ =	shalt  }
0x54: {  	_ =	shalt  }
0x55: {  	_ =	shalt  }
0x56: {  	_ =	shalt  }
0x57: {  	_ =	shalt  }
0x58: {  	_ =	shalt  }
0x59: {  	_ =	shalt  }
0x5a: {  	_ =	shalt  }
0x5b: {  	_ =	shalt  }
0x5c: {  	_ =	shalt  }
0x5d: {  	_ =	shalt  }
0x5e: {  	_ =	shalt  }
0x5f: {  	_ =	shalt  }
0x60: {  	_ =	shalt  }
0x61: {  	_ =	shalt  }
0x62: {  	_ =	shalt  }
0x63: {  	_ =	shalt  }
0x64: {  	_ =	shalt  }
0x65: {  	_ =	shalt  }
0x66: {  	_ =	shalt  }
0x67: {  	_ =	shalt  }
0x68: {  	_ =	shalt  }
0x69: {  	_ =	shalt  }
0x6a: {  	_ =	shalt  }
0x6b: {  	_ =	shalt  }
0x6c: {  	_ =	shalt  }
0x6d: {  	_ =	shalt  }
0x6e: {  	_ =	shalt  }
0x6f: {  	_ =	shalt  }
0x70: {  	_ =	shalt  }
0x71: {  	_ =	shalt  }
0x72: {  	_ =	shalt  }
0x73: {  	_ =	shalt  }
0x74: {  	_ =	shalt  }
0x75: {  	_ =	shalt  }
0x76: {  	_ =	shalt  }
0x77: {  	_ =	shalt  }
0x78: {  	_ =	shalt  }
0x79: {  	_ =	shalt  }
0x7a: {  	_ =	shalt  }
0x7b: {  	_ =	shalt  }
0x7c: {  	_ =	shalt  }
0x7d: {  	_ =	shalt  }
0x7e: {  	_ =	shalt  }
0x7f: {  	_ =	shalt  }
0x80: {  	_ =	shalt  }
0x81: {  	_ =	shalt  }
0x82: {  	_ =	shalt  }
0x83: {  	_ =	shalt  }
0x84: {  	_ =	shalt  }
0x85: {  	_ =	shalt  }
0x86: {  	_ =	shalt  }
0x87: {  	_ =	shalt  }
.Lfunc_end0:
.L_simem_size_0:
called_computation_lowered:
.L_overlay_start_0:
0x88: {  	s2 =	sld [smem:$0x3FD9]  }
0x89: {  	s3 =	sld [smem:$0x3FFE];
	_ =	sdelay $0x1  }
0x8a: {  	s1 =	srdreg.scid  }
0x8b: {  	s0 =	sand.u32 $0x1, s1  }
0x8c: {  	s17 =	sshll.u32 s0, $0xA;
	s2 =	sadd.s32 s3, s2  }
0x8d: {  	s2 =	sadd.s32 s2, s17  }
0x8e: {  	[smem:$0x3FB8] =	sst s2  }
0x8f: {  	_ = 	snop  }
0x90: {  	(tm) =	ssettm $0x1  }
0x91: {  	s18 =	sld [smem:$0x3FFB];
	_ =	sdelay $0x3  }
0x92: {  	_ =	strace s18  }
0x93: {  	s2 =	sld [smem:$0x3FFC];
	_ =	sdelay $0x3  }
0x94: {  	_ =	strace s2  }
0x95: {  	s2 =	sld [smem:$0x3FFD];
	_ =	sdelay $0x3  }
0x96: {  	_ =	strace s2  }
0x97: {  	_ =	strace $0x8FFFFFFF  }
0x98: {  	s19 =	sld [smem:$0x3FDB];
	_ =	sdelay $0x1  }
0x99: {  	s20 =	simm.s32 $_scs_section_size  }
0x9a: {  	s4 =	simm.s32 $_size__tile_overlayer_lowered;
	s5 =	simm.s32 $_tile_overlayer_lowered  }
0x9b: {  	s6 =	simm.s32 $0x1BFF;
	s21 =	sshll.u32 s5, $0x1;
	s3 =	sadd.s32 s20, s19  }
0x9c: {  	s22 =	simm.s32 $0x0;
	s4 =	sshll.u32 s4, $0x1;
	s5 =	sadd.s32 s21, s3  }
0x9d: {  	[timem:s22], [sflag:s6] =	dma.local [hbm:s5], s4  }
0x9e: {  	_ =	swait.ge [sflag:s6], s4  }
0x9f: {  	s4 =	ssub.s32 $0x0, s4;
	[sflag:s6] =	ssyncset.done $0x0  }
0xa0: {  	[sflag:s6] =	ssyncadd.s32 s4;
	_ =	sdelay $0x1  }
0xa1: {  	s23 =	simm.s32 $0x1B8B  }
0xa2: {  	_ =	swait.ge [sflag:s23], $0x1  }
0xa3: {  	[sflag:s23] =	ssyncset.done $0x0  }
0xa4: {  	[sflag:s23] =	ssyncadd.s32 $0xFFFFFFFF  }
0xa5: {  	s4 =	sld [smem:$0x0]  }
0xa6: {  	s5 =	sand.u32 $0xFFFFFFFE, s1  }
0xa7: {  	p0 =	sne.s32 s1, s5  }
0xa8: {  	s5 =	sshll.u32 @p0 s5, $0xE  }
0xa9: {  	s5 =	sadd.s32 @p0 $0x11B8D, s5;
	s6 =	sshll.u32 @p0 s4, $0x11  }
0xaa: {  	s5 =	sor.u32 @p0 s6, s5  }
0xab: {  	[sflag:s5] =	ssyncadd.remote.s32 @p0 $0x1;
	_ =	sdelay $0x1  }
0xac: {  	s5 =	simm.s32 @p0 $0x1B8D  }
0xad: {  	_ =	swait.eq @p0 [sflag:s5], $0x1  }
0xae: {  	[sflag:s5] =	ssyncadd.s32 @p0 $0xFFFFFFFF  }
0xaf: {  	s6 =	sshll.u32 @!p0 s1, $0xE  }
0xb0: {  	s6 =	sor.u32 @!p0 $0x4000, s6;
	s5 =	simm.s32 @!p0 $0x1B8D  }
0xb1: {  	s4 =	sshll.u32 @!p0 s4, $0x11;
	s6 =	sadd.s32 @!p0 $0x11B8D, s6;
	_ =	swait.eq @!p0 [sflag:s5], $0x1  }
0xb2: {  	s4 =	sor.u32 @!p0 s4, s6;
	[sflag:s5] =	ssyncadd.s32 @!p0 $0xFFFFFFFF  }
0xb3: {  	s25 =	simm.s32 $0x1B8E;
	s24 =	sld [smem:$0x3FFE];
	[sflag:s4] =	ssyncadd.remote.s32 @!p0 $0x1  }
0xb4: {  	s26 =	simm.s32 $execute0_lowered;
	[smem:$0x3FD2] =	sst s25  }
0xb5: {  	s5 =	sshll.u32 s26, $0x1;
	_ =	strace $0x80000049;
	[dreg:$0x1] =	wrdreg $0xFFFFFFFF  }
0xb6: {  	s28 =	simm.s32 $_size_execute0_lowered;
	s3 =	sadd.s32 s3, s5;
	[dreg:$0x0] =	wrdreg $0x0  }
0xb7: {  	s5 =	sshll.u32 s28, $0x1;
	[dreg:$0x2] =	wrdreg s3  }
0xb8: {  	[dreg:$0x3] =	wrdreg s5  }
0xb9: {  	[dreg:$0x4] =	wrdreg $0xC0  }
0xba: {  	_ =	task [dreg:s22], $0x5FFFF  }
0xbb: {  	[dreg:$0x1] =	wrdreg $0xFFFFFFFF  }
0xbc: {  	[dreg:$0x0] =	wrdreg $0x60  }
0xbd: {  	[dreg:$0x2] =	wrdreg s24  }
0xbe: {  	[dreg:$0x3] =	wrdreg $0xA8000  }
0xbf: {  	[dreg:$0x4] =	wrdreg $0x9  }
0xc0: {  	_ =	task.clear_ibuf [dreg:s22], $0x5FFFF;
	_ =	strace $0x90000049  }
0xc1: {  	s29 =	simm.s32 $0x9;
	_ =	strace $0x8000004B  }
0xc2: {  	_ =	swait.ge [sflag:s29], $0x1  }
0xc3: {  	[sflag:s29] =	ssyncadd.s32 $0xFFFFFFFF  }
0xc4: {  	_ =	strace $0x9000004B  }
0xc5: {  	_ =	sfence  }
0xc6: {  	s30 =	sld [smem:$0x0];
	_ =	sdelay $0x2  }
0xc7: {  	s31 =	sshll.u32 s1, $0xD;
	s1 =	sshrl.u32 s1, $0x2  }
0xc8: {  	s4 =	sand.u32 $0x4000, s31;
	s1 =	sadd.s32 s1, s30  }
0xc9: {  	s0 =	sor.u32 s4, s0;
	s1 =	sshll.u32 s1, $0x11  }
0xca: {  	s0 =	sor.u32 s1, s0  }
0xcb: {  	s0 =	sadd.s32 $0x8F2B, s0  }
0xcc: {  	[sflag:s0] =	ssyncadd.remote.s32 $0x1  }
0xcd: {  	_ =	sfence.sel $0xFFFF  }
0xce: {  	[dreg:$0x0] =	wrdreg $0xFFFFFFFF;
	(pc) =	sbr.abs _section_cstart, $3  }
0xcf: {  	[dreg:$0x1] =	wrdreg $0xFFFFFFFF  }
0xd0: {  	_ =	task.clear_ibuf [dreg:s22], $0x2FFFF;
	_ =	strace $0x9FFFFFFF  }
0xd1: {  	(tm) =	ssettm $0x7FFFFFFF  }
tec
execute0_lowered:
.L_overlay_start_1:
0x0: {  	(tag) =	ssettag $0x1  }
0x1: {  	s6 =	rddreg [dreg:$0x0]  }
0x2: {  	s1 =	rddreg [dreg:$0x1]  }
0x3: {  	s0 =	rddreg [dreg:$0x2]  }
0x4: {  	s3 =	simm.s32 $0x0;
	s2 =	srdreg.scid;
	s13 =	simm.s32 $0x4000  }
0x5: {  	s14 =	simm.s32 $0x50;
	s15 =	simm.s32 $0x8000;
	s16 =	simm.s32 $0x1  }
0x6: {  	s17 =	simm.s32 $0x0;
	[smem:$0x7FF] =	sst s3;
	s7 =	sand.u32 $0x1, s2  }
0x7: {  	s2 =	stileid.u32;
	s4 =	sadd.s32 $0x4FA00, s6;
	s5 =	smul.u32 $0x140000, s7  }
0x8: {  	s8 =	sshll.u32 s7, $0xF;
	s9 =	sshll.u32 s2, $0xB;
	s10 =	smul.u32 $0x14000, s2  }
0x9: {  	_ =	strace $0x8000004A;
	s29 =	smul.u32 $0x50000, s2;
	s7 =	ssub.s32 $0x2, s7  }
0xa: {  	s31 =	sshll.u32 s2, $0x6;
	s8 =	sor.u32 s9, s8;
	s30 =	sshrl.u32 s7, $0x1  }
0xb: {  	s8 =	sadd.s32 s8, s6;
	s28 =	sadd.s32 s10, s5;
	s5 =	sadd.s32 $0x4FC00, s6  }
0xc: {  	s10 =	sshrl.u32 s29, $0x2;
	s11 =	ssub.s32 s7, s30;
	s9 =	sshrl.u32 s28, $0x3  }
0xd: {  	s12 =	sadd.s32 s10, s1;
	s7 =	sadd.s32 $0x3FA00, s8;
	s8 =	sadd.s32 $0x2FA00, s8  }
0xe: {  	s10 =	smax.u32 s11, $0x1;
	s9 =	sadd.s32 s9, s6;
	s6 =	sor.u32 $0x1C02, s31  }
0xf: {  	s11 =	sshrl.u32 s12, $0x3;
	s12 =	simm.s32 $0x2;
	s9 =	sadd.s32 $0x52400, s9  }
.LBB2_1:
0x10: {  	[spmem:s11], [sflag:s6] =	dma.local [hbm:s5], $0x2800  }
0x11: {  	_ =	swait.ge [sflag:s12], $0x2800  }
0x12: {  	[sflag:s12] =	ssyncset.done $0x0  }
0x13: {  	[sflag:s12] =	ssyncadd.s32 $0xFFFFD800  }
0x14: {  	[tilespmem:s3], [sflag:$0x2] =	stream.linear.gather [hbm4b:s7+s3], $0x3E80, $0x38;
	[tilespmem:$0x1E800] =	vst v63  }
0x15: {  	_ =	swait.ge [sflag:s12], $0x3E80  }
0x16: {  	[sflag:s12] =	ssyncset.done $0x0  }
0x17: {  	[sflag:s12] =	ssyncadd.s32 $0xFFFFC180  }
0x18: {  	[tilespmem:s13], [sflag:$0x2] =	stream.linear.gather [hbm4b:s8+s3], $0x3E80, $0x38;
	[tilespmem:$0x1E800] =	vst v63  }
0x19: {  	_ =	swait.ge [sflag:s12], $0x3E80  }
0x1a: {  	[sflag:s12] =	ssyncset.done $0x0  }
0x1b: {  	[sflag:s12] =	ssyncadd.s32 $0xFFFFC180  }
0x1c: {  	s18 =	simm.s32 $0x0;
	[bflag:$0x0] =	sbarrier.arrive $0xFFFF  }
0x1d: {  	[tilespmem:s15], [sflag:$0x1] =	stream.indirect.gather [hbm4b:s4+s14], $0x80, s18, s14, $0xb8;
	[tilespmem:$0x1E800] =	vst v63  }
0x1e: {  	_ =	swait.ge [sflag:s16], $0x2800  }
0x1f: {  	[sflag:s16] =	ssyncset.done $0x0  }
0x20: {  	s31 =	simm.s32 $0x4000;
	[sflag:s16] =	ssyncadd.s32 $0xFFFFD800  }
0x21: {  	[spmem:s1] =	stream.indirect.scatter.add.f32 [tilespmem:s15], [sflag:$0x2], $0x80, s31, s14, $0xb8;
	[tilespmem:$0x1E800] =	vst v63  }
0x22: {  	_ =	swait.ge [sflag:s12], $0x2800  }
0x23: {  	s19 =	simm.s32 $0x400;
	s18 =	simm.s32 $0x200;
	[sflag:s12] =	ssyncset.done $0x0  }
.LBB2_2:
0x24: {  	s20 =	sshra.s32 s18, $0x2  }
0x25: {  	[sflag:s12] =	ssyncadd.s32 $0xFFFFD800;
	s18 =	smov.u32 s19;
	s21 =	sadd.s32 $0x200, s19  }
0x26: {  	[tilespmem:s15], [sflag:$0x1] =	stream.indirect.gather [hbm4b:s4+s14], $0x80, s20, s14, $0xb8;
	[tilespmem:$0x1E800] =	vst v63  }
0x27: {  	p0 =	sne.s32 s19, $0xF800;
	_ =	swait.ge [sflag:s16], $0x2800  }
.Ltmp0:
0x28: {  	[sflag:s16] =	ssyncset.done $0x0;
	(pc) =	sbr.rel @p0 .LBB2_2-.Ltmp0, $4  }
0x29: {  	s19 =	sadd.s32 $0x4000, s20;
	[sflag:s16] =	ssyncadd.s32 $0xFFFFD800  }
0x2a: {  	[spmem:s1] =	stream.indirect.scatter.add.f32 [tilespmem:s15], [sflag:$0x2], $0x80, s19, s14, $0xb8;
	[tilespmem:$0x1E800] =	vst v63  }
0x2b: {  	_ =	swait.ge [sflag:s12], $0x2800  }
0x2c: {  	s19 =	smov.u32 s21;
	[sflag:s12] =	ssyncset.done $0x0  }
0x2d: {  	s18 =	sshra.s32 s18, $0x2;
	[sflag:s12] =	ssyncadd.s32 $0xFFFFD800  }
0x2e: {  	[tilespmem:s15], [sflag:$0x1] =	stream.indirect.gather [hbm4b:s4+s14], $0x80, s18, s14, $0xb8;
	[tilespmem:$0x1E800] =	vst v63  }
0x2f: {  	_ =	swait.ge [sflag:s16], $0x2800  }
0x30: {  	[sflag:s16] =	ssyncset.done $0x0  }
0x31: {  	s18 =	sadd.s32 $0x4000, s18;
	[sflag:s16] =	ssyncadd.s32 $0xFFFFD800  }
0x32: {  	[spmem:s1] =	stream.indirect.scatter.add.f32 [tilespmem:s15], [sflag:$0x2], $0x80, s18, s14, $0xb8;
	[tilespmem:$0x1E800] =	vst v63  }
0x33: {  	_ =	swait.ge [sflag:s12], $0x2800  }
0x34: {  	s17 =	sadd.s32 $0x1, s17;
	[sflag:s12] =	ssyncset.done $0x0  }
0x35: {  	p0 =	sne.s32 s17, s10;
	[sflag:s12] =	ssyncadd.s32 $0xFFFFD800  }
.Ltmp1:
0x36: {  	[bflag:$0x0] =	sbarrier.arrive $0xFFFF;
	(pc) =	sbr.rel @p0 .LBB2_1-.Ltmp1, $4  }
0x37: {  	[hbm:s9], [sflag:s6] =	dma.local [spmem:s11], $0x2800  }
0x38: {  	_ =	swait.ge [sflag:s12], $0x2800  }
0x39: {  	[sflag:s12] =	ssyncset.done $0x0  }
0x3a: {  	[sflag:s12] =	ssyncadd.s32 $0xFFFFD800  }
0x3b: {  	_ =	sfence.sel $0x180000  }
0x3c: {  	[bflag:$0x0] =	sbarrier.arrive $0xFFFF  }
0x3d: {  	p0 =	sne.s32 s2, $0x0;
	_ =	strace $0x9000004A  }
0x3e: {  	s0 =	sadd.s32 @!p0 $0x100000, s0;
	[bflag:$0x2] =	sbarrier.arrive $0xFFFF  }
0x3f: {  	[sflag:s0] =	ssyncadd.tile.s32 @!p0 $0x1;
	_ =	shalt  }
.Lfunc_end2:
_tile_overlayer_lowered:
.L_overlay_start_2:
0x40: {  	(tag) =	ssettag $0x2  }
0x41: {  	s0 =	rddreg [dreg:$0x0];
	s2 =	stileid.u32  }
0x42: {  	s1 =	rddreg [dreg:$0x1];
	p0 =	sne.s32 s2, $0x0  }
0x43: {  	s3 =	rddreg [dreg:$0x2];
	[bflag:$0x3] =	sbarrier.arrive $0xFFFF;
	s2 =	simm.s32 @!p0 $0x1C02  }
0x44: {  	[timem:s3], [sflag:s2] =	dma.local @!p0 [hbm:s0], s1  }
0x45: {  	s0 =	simm.s32 @!p0 $0x2  }
0x46: {  	_ =	swait.ge @!p0 [sflag:s0], s1  }
0x47: {  	s1 =	ssub.s32 @!p0 $0x0, s1;
	[sflag:s0] =	ssyncset.done @!p0 $0x0  }
0x48: {  	[sflag:s0] =	ssyncadd.s32 @!p0 s1  }
0x49: {  	[bflag:$0x3] =	sbarrier.arrive $0xFFFF  }
0x4a: {  	_ =	shalt  }

// kernel: kernel.28.cloned.1.call-start
scs
__scs_entry_jumppad:
0x0: {  	(pc) =	sbr.rel $0x88, $3  }
0x1: {  	(tag) =	ssettag $0x0;
	lr =	simm.s32 $0x1  }
0x2: {  	[smem:$0x3F91] =	sst lr;
	_ =	strace $0xD0000000  }
0x3: {  	_ = 	snop  }
0x4: {  	_ = 	snop  }
0x5: {  	_ = 	snop  }
0x6: {  	_ = 	snop  }
0x7: {  	_ = 	snop  }
__scs_overlays_trampoline_lowered:
0x8: {  	[smem:$0x3FA0] =	sst s0  }
0x9: {  	[smem:$0x3FA1] =	sst s1  }
0xa: {  	[smem:$0x3FA2] =	sst s2  }
0xb: {  	[smem:$0x3FA3] =	sst s3  }
0xc: {  	[smem:$0x3FA4] =	sst s4  }
0xd: {  	[smem:$0x3FA5] =	sst s5  }
0xe: {  	[smem:$0x3FA6] =	sst s6  }
0xf: {  	[smem:$0x3FA7] =	sst s7  }
0x10: {  	[smem:$0x3FA8] =	sst s8  }
0x11: {  	[smem:$0x3FA9] =	sst s9;
	s0 =	simm.s32 @!p0 $0x0  }
0x12: {  	s1 =	sld [smem:$0x3F8F];
	s0 =	simm.s32 @p0 $0x1  }
0x13: {  	[smem:$0x3FAA] =	sst s0;
	s0 =	simm.s32 @!p1 $0x0  }
0x14: {  	s2 =	sld [smem:$0x3F8E];
	s0 =	simm.s32 @p1 $0x1  }
0x15: {  	[smem:$0x3FAB] =	sst s0;
	s0 =	simm.s32 @!p2 $0x0  }
0x16: {  	s3 =	sld [smem:$0x3FDB];
	s0 =	simm.s32 @p2 $0x1  }
0x17: {  	s4 =	simm.s32 $0x1BF5;
	[smem:$0x3FAD] =	sst s0  }
0x18: {  	s0 =	sld [smem:$0x3F90];
	_ =	swait.ge [sflag:s4], $0x0  }
0x19: {  	s7 =	sld [smem:$0x3F91]  }
0x1a: {  	s8 =	sadd.s32 $0xFFFFE003, lr  }
0x1b: {  	s9 =	sadd.s32 $0xFFFFFEF7, lr;
	s5 =	simm.s32 $0xFFFFFFFF;
	p2 =	slt.u32 s8, $0xFFFFF086  }
0x1c: {  	p1 =	slt.u32 s9, $0xF7A;
	s5 =	simm.s32 @!p2 $0x0  }
0x1d: {  	s5 =	simm.s32 @p1 $0x1;
	p0 =	seq.s32 s7, s2  }
0x1e: {  	s7 =	smul.u32 @!p0 $0xF7A, s2;
	p2 =	seq.s32 @!p0 s5, $0x0  }
0x1f: {  	s9 =	smul.u32 $0xF7A, s1;
	s8 =	simm.s32 @!p0 $0x1BF5;
	p2 =	por !p2, p0  }
0x20: {  	[sflag:s8] =	ssyncset.s32 @!p0 $0xFFFFF086;
	s6 =	sadd.s32 @!p0 s3, s7;
	s7 =	simm.s32 @!p0 $0x108  }
0x21: {  	s3 =	sadd.s32 s3, s9;
	s6 =	sadd.s32 @!p0 $0x88, s6;
	s7 =	simm.s32 @p2 $0x1082  }
0x22: {  	[simem:s7], [sflag:s8] =	dma.local @!p0 [hbm:s6], $0xF7A  }
0x23: {  	s9 =	sor.u32 $0xD0000000, s2;
	s6 =	simm.s32 $0x108;
	_ =	swait.ge @!p0 [sflag:s8], $0x0  }
0x24: {  	s3 =	sadd.s32 $0x88, s3;
	s6 =	simm.s32 @!p1 $0x1082;
	[sflag:s4] =	ssyncset.s32 $0xFFFFF086  }
0x25: {  	[simem:s6], [sflag:s4] =	dma.local [hbm:s3], $0xF7A  }
0x26: {  	[smem:$0x3F91] =	sst s1;
	(tag) =	ssettag s2;
	_ =	strace s9  }
0x27: {  	s1 =	sld [smem:$0x3FA1]  }
0x28: {  	s2 =	sld [smem:$0x3FA2]  }
0x29: {  	s4 =	sld [smem:$0x3FA4]  }
0x2a: {  	p0 =	seq.s32 s5, $0x0;
	s5 =	sld [smem:$0x3FA5]  }
0x2b: {  	s6 =	sld [smem:$0x3FA6]  }
0x2c: {  	s7 =	sld [smem:$0x3FA7]  }
0x2d: {  	s3 =	simm.s32 $0x108;
	s8 =	sld [smem:$0x3FA8]  }
0x2e: {  	s3 =	simm.s32 @!p0 $0x1082;
	s9 =	sld [smem:$0x3FA9]  }
0x2f: {  	lr =	sadd.s32 s0, s3;
	s0 =	sld [smem:$0x3FA0]  }
0x30: {  	s3 =	sld [smem:$0x3FA3]  }
0x31: {  	[smem:$0x3FAC] =	sst s10  }
0x32: {  	s10 =	sld [smem:$0x3FAA];
	_ =	sdelay $0x3  }
0x33: {  	p0 =	seq.s32 s10, $0x1;
	s10 =	sld [smem:$0x3FAC];
	_ =	sdelay $0x3  }
0x34: {  	[smem:$0x3FAC] =	sst s10  }
0x35: {  	s10 =	sld [smem:$0x3FAB];
	_ =	sdelay $0x3  }
0x36: {  	p1 =	seq.s32 s10, $0x1;
	s10 =	sld [smem:$0x3FAC];
	_ =	sdelay $0x3  }
0x37: {  	[smem:$0x3FAC] =	sst s10  }
0x38: {  	s10 =	sld [smem:$0x3FAD]  }
0x39: {  	_ = 	snop;
	(pc) =	sbr.ind lr, $3  }
0x3a: {  	_ = 	snop  }
0x3b: {  	_ = 	snop  }
0x3c: {  	p2 =	seq.s32 s10, $0x1;
	s10 =	sld [smem:$0x3FAC]  }
0x3d: {  	_ =	shalt  }
0x3e: {  	_ =	shalt  }
0x3f: {  	_ =	shalt  }
0x40: {  	_ =	shalt  }
0x41: {  	_ =	shalt  }
0x42: {  	_ =	shalt  }
0x43: {  	_ =	shalt  }
0x44: {  	_ =	shalt  }
0x45: {  	_ =	shalt  }
0x46: {  	_ =	shalt  }
0x47: {  	_ =	shalt  }
0x48: {  	_ =	shalt  }
0x49: {  	_ =	shalt  }
0x4a: {  	_ =	shalt  }
0x4b: {  	_ =	shalt  }
0x4c: {  	_ =	shalt  }
0x4d: {  	_ =	shalt  }
0x4e: {  	_ =	shalt  }
0x4f: {  	_ =	shalt  }
0x50: {  	_ =	shalt  }
0x51: {  	_ =	shalt  }
0x52: {  	_ =	shalt  }
0x53: {  	_ =	shalt  }
0x54: {  	_ =	shalt  }
0x55: {  	_ =	shalt  }
0x56: {  	_ =	shalt  }
0x57: {  	_ =	shalt  }
0x58: {  	_ =	shalt  }
0x59: {  	_ =	shalt  }
0x5a: {  	_ =	shalt  }
0x5b: {  	_ =	shalt  }
0x5c: {  	_ =	shalt  }
0x5d: {  	_ =	shalt  }
0x5e: {  	_ =	shalt  }
0x5f: {  	_ =	shalt  }
0x60: {  	_ =	shalt  }
0x61: {  	_ =	shalt  }
0x62: {  	_ =	shalt  }
0x63: {  	_ =	shalt  }
0x64: {  	_ =	shalt  }
0x65: {  	_ =	shalt  }
0x66: {  	_ =	shalt  }
0x67: {  	_ =	shalt  }
0x68: {  	_ =	shalt  }
0x69: {  	_ =	shalt  }
0x6a: {  	_ =	shalt  }
0x6b: {  	_ =	shalt  }
0x6c: {  	_ =	shalt  }
0x6d: {  	_ =	shalt  }
0x6e: {  	_ =	shalt  }
0x6f: {  	_ =	shalt  }
0x70: {  	_ =	shalt  }
0x71: {  	_ =	shalt  }
0x72: {  	_ =	shalt  }
0x73: {  	_ =	shalt  }
0x74: {  	_ =	shalt  }
0x75: {  	_ =	shalt  }
0x76: {  	_ =	shalt  }
0x77: {  	_ =	shalt  }
0x78: {  	_ =	shalt  }
0x79: {  	_ =	shalt  }
0x7a: {  	_ =	shalt  }
0x7b: {  	_ =	shalt  }
0x7c: {  	_ =	shalt  }
0x7d: {  	_ =	shalt  }
0x7e: {  	_ =	shalt  }
0x7f: {  	_ =	shalt  }
0x80: {  	_ =	shalt  }
0x81: {  	_ =	shalt  }
0x82: {  	_ =	shalt  }
0x83: {  	_ =	shalt  }
0x84: {  	_ =	shalt  }
0x85: {  	_ =	shalt  }
0x86: {  	_ =	shalt  }
0x87: {  	_ =	shalt  }
.Lfunc_end0:
.L_simem_size_0:
called_computation.1_lowered:
.L_overlay_start_0:
0x88: {  	s2 =	sld [smem:$0x3FD9]  }
0x89: {  	s3 =	sld [smem:$0x3FFE];
	_ =	sdelay $0x1  }
0x8a: {  	s1 =	srdreg.scid  }
0x8b: {  	s0 =	sand.u32 $0x1, s1  }
0x8c: {  	s16 =	sshll.u32 s0, $0xA;
	s2 =	sadd.s32 s3, s2  }
0x8d: {  	s2 =	sadd.s32 s2, s16  }
0x8e: {  	[smem:$0x3FB8] =	sst s2  }
0x8f: {  	_ = 	snop  }
0x90: {  	(tm) =	ssettm $0x1  }
0x91: {  	s17 =	sld [smem:$0x3FFB];
	_ =	sdelay $0x3  }
0x92: {  	_ =	strace s17  }
0x93: {  	s2 =	sld [smem:$0x3FFC];
	_ =	sdelay $0x3  }
0x94: {  	_ =	strace s2  }
0x95: {  	s2 =	sld [smem:$0x3FFD];
	_ =	sdelay $0x3  }
0x96: {  	_ =	strace s2  }
0x97: {  	_ =	strace $0x8FFFFFFF  }
0x98: {  	s18 =	sld [smem:$0x3FDB];
	_ =	sdelay $0x1  }
0x99: {  	s19 =	simm.s32 $_scs_section_size  }
0x9a: {  	s4 =	simm.s32 $_size__tile_overlayer_lowered;
	s5 =	simm.s32 $_tile_overlayer_lowered  }
0x9b: {  	s22 =	simm.s32 $0x1BFF;
	s21 =	sshll.u32 s5, $0x1;
	s2 =	sadd.s32 s19, s18  }
0x9c: {  	s6 =	simm.s32 $0x0;
	s20 =	sshll.u32 s4, $0x1;
	s4 =	sadd.s32 s21, s2  }
0x9d: {  	[timem:s6], [sflag:s22] =	dma.local [hbm:s4], s20  }
0x9e: {  	_ =	swait.ge [sflag:s22], s20  }
0x9f: {  	s3 =	ssub.s32 $0x0, s20;
	[sflag:s22] =	ssyncset.done $0x0  }
0xa0: {  	[sflag:s22] =	ssyncadd.s32 s3;
	_ =	sdelay $0x1  }
0xa1: {  	s23 =	simm.s32 $0x1B8B  }
0xa2: {  	_ =	swait.ge [sflag:s23], $0x1  }
0xa3: {  	[sflag:s23] =	ssyncset.done $0x0  }
0xa4: {  	s25 =	simm.s32 $0x1B8E;
	s24 =	sld [smem:$0x3FFE];
	[sflag:s23] =	ssyncadd.s32 $0xFFFFFFFF  }
0xa5: {  	s26 =	simm.s32 $execute0_lowered;
	[smem:$0x3FD2] =	sst s25  }
0xa6: {  	s4 =	sshll.u32 s26, $0x1;
	_ =	strace $0x80000046;
	[dreg:$0x1] =	wrdreg $0xFFFFFFFF  }
0xa7: {  	s28 =	simm.s32 $_size_execute0_lowered;
	s2 =	sadd.s32 s2, s4;
	[dreg:$0x0] =	wrdreg $0x0  }
0xa8: {  	s4 =	sshll.u32 s28, $0x1;
	[dreg:$0x2] =	wrdreg s2  }
0xa9: {  	[dreg:$0x3] =	wrdreg s4  }
0xaa: {  	[dreg:$0x4] =	wrdreg $0xC0  }
0xab: {  	_ =	task [dreg:s6], $0x5FFFF  }
0xac: {  	[dreg:$0x1] =	wrdreg $0xFFFFFFFF  }
0xad: {  	[dreg:$0x0] =	wrdreg $0x60  }
0xae: {  	[dreg:$0x2] =	wrdreg s24  }
0xaf: {  	[dreg:$0x3] =	wrdreg $0xA  }
0xb0: {  	_ =	task.clear_ibuf [dreg:s6], $0x4FFFF;
	_ =	strace $0x90000046  }
0xb1: {  	s29 =	simm.s32 $0xA;
	_ =	strace $0x80000048  }
0xb2: {  	_ =	swait.ge [sflag:s29], $0x1  }
0xb3: {  	[sflag:s29] =	ssyncadd.s32 $0xFFFFFFFF  }
0xb4: {  	_ =	strace $0x90000048  }
0xb5: {  	_ =	sfence  }
0xb6: {  	s30 =	sld [smem:$0x0];
	_ =	sdelay $0x2  }
0xb7: {  	s31 =	sshll.u32 s1, $0xD;
	s1 =	sshrl.u32 s1, $0x2  }
0xb8: {  	s3 =	sand.u32 $0x4000, s31;
	s1 =	sadd.s32 s1, s30  }
0xb9: {  	s0 =	sor.u32 s3, s0;
	s1 =	sshll.u32 s1, $0x11  }
0xba: {  	s0 =	sor.u32 s1, s0  }
0xbb: {  	s0 =	sadd.s32 $0x8F2B, s0  }
0xbc: {  	[sflag:s0] =	ssyncadd.remote.s32 $0x1  }
0xbd: {  	_ =	sfence.sel $0xFFFF  }
0xbe: {  	[dreg:$0x0] =	wrdreg $0xFFFFFFFF;
	(pc) =	sbr.abs _section_cstart, $3  }
0xbf: {  	[dreg:$0x1] =	wrdreg $0xFFFFFFFF  }
0xc0: {  	_ =	task.clear_ibuf [dreg:s6], $0x2FFFF;
	_ =	strace $0x9FFFFFFF  }
0xc1: {  	(tm) =	ssettm $0x7FFFFFFF  }
tec
execute0_lowered:
.L_overlay_start_1:
0x0: {  	(tag) =	ssettag $0x1  }
0x1: {  	s0 =	srdreg.scid  }
0x2: {  	s14 =	sand.u32 $0x1, s0  }
0x3: {  	s0 =	stileid.u32;
	s1 =	sshll.u32 s14, $0x4  }
0x4: {  	s9 =	rddreg [dreg:$0x0];
	s2 =	simm.s32 $0x0;
	s6 =	sor.u32 s0, s1  }
0x5: {  	[smem:$0x7FF] =	sst s2;
	s3 =	sshll.u32 s6, $0x6  }
0x6: {  	s1 =	rddreg [dreg:$0x1];
	s3 =	sadd.s32 s3, s9  }
0x7: {  	_ =	strace $0x80000047;
	s4 =	sadd.s32 $0x7200, s3;
	s3 =	simm.s32 $0x2  }
0x8: {  	[tilespmem:s2], [sflag:$0x2] =	stream.linear.gather [hbm4b:s4+s2], $0x200, $0x38;
	[tilespmem:$0x2A00] =	vst v63  }
0x9: {  	s7 =	simm.s32 $0x200;
	_ =	swait.ge [sflag:s3], $0x200  }
0xa: {  	s8 =	simm.s32 $0x1;
	s5 =	sadd.s32 $0x5A00, s9;
	[sflag:s3] =	ssyncset.done $0x0  }
0xb: {  	s10 =	smul.u32 $0x1400, s6;
	s6 =	simm.s32 $0x50;
	[sflag:s3] =	ssyncadd.s32 $0xFFFFFE00  }
0xc: {  	[tilespmem:s7], [sflag:$0x1] =	stream.indirect.gather [hbm4b:s5+s6], $0x80, s2, s6, $0xb8;
	[tilespmem:$0x2A00] =	vst v63  }
0xd: {  	_ =	swait.ge [sflag:s8], $0x2800  }
0xe: {  	s15 =	sadd.s32 s10, s9;
	[sflag:s8] =	ssyncset.done $0x0  }
0xf: {  	s9 =	sadd.s32 $0x7A00, s15;
	[sflag:s8] =	ssyncadd.s32 $0xFFFFD800  }
0x10: {  	[hbm4b:s9+s2] =	stream.linear.scatter [tilespmem:s7], [sflag:$0x2], $0x2800, $0x38;
	[tilespmem:$0x2A00] =	vst v63  }
0x11: {  	_ =	swait.ge [sflag:s3], $0x2800  }
0x12: {  	[sflag:s3] =	ssyncset.done $0x0  }
0x13: {  	s10 =	simm.s32 $0x80;
	[sflag:s3] =	ssyncadd.s32 $0xFFFFD800  }
0x14: {  	[tilespmem:s7], [sflag:$0x1] =	stream.indirect.gather [hbm4b:s5+s6], $0x80, s10, s6, $0xb8;
	[tilespmem:$0x2A00] =	vst v63  }
0x15: {  	_ =	swait.ge [sflag:s8], $0x2800  }
0x16: {  	[sflag:s8] =	ssyncset.done $0x0  }
0x17: {  	s11 =	sadd.s32 $0x7F00, s15;
	[sflag:s8] =	ssyncadd.s32 $0xFFFFD800  }
0x18: {  	[hbm4b:s11+s2] =	stream.linear.scatter [tilespmem:s7], [sflag:$0x2], $0x2800, $0x38;
	[tilespmem:$0x2A00] =	vst v63  }
0x19: {  	_ =	swait.ge [sflag:s3], $0x2800  }
0x1a: {  	[sflag:s3] =	ssyncset.done $0x0  }
0x1b: {  	s12 =	simm.s32 $0x100;
	[sflag:s3] =	ssyncadd.s32 $0xFFFFD800  }
0x1c: {  	[tilespmem:s7], [sflag:$0x1] =	stream.indirect.gather [hbm4b:s5+s6], $0x80, s12, s6, $0xb8;
	[tilespmem:$0x2A00] =	vst v63  }
0x1d: {  	_ =	swait.ge [sflag:s8], $0x2800  }
0x1e: {  	[sflag:s8] =	ssyncset.done $0x0  }
0x1f: {  	s16 =	ssub.s32 $0x2, s14;
	s13 =	sadd.s32 $0x8400, s15;
	[sflag:s8] =	ssyncadd.s32 $0xFFFFD800  }
0x20: {  	[hbm4b:s13+s2] =	stream.linear.scatter [tilespmem:s7], [sflag:$0x2], $0x2800, $0x38;
	[tilespmem:$0x2A00] =	vst v63  }
0x21: {  	s17 =	sshrl.u32 s16, $0x1;
	_ =	swait.ge [sflag:s3], $0x2800  }
0x22: {  	s16 =	ssub.s32 s16, s17;
	[sflag:s3] =	ssyncset.done $0x0  }
0x23: {  	s14 =	simm.s32 $0x180;
	s16 =	smax.u32 s16, $0x1;
	[sflag:s3] =	ssyncadd.s32 $0xFFFFD800  }
0x24: {  	[tilespmem:s7], [sflag:$0x1] =	stream.indirect.gather [hbm4b:s5+s6], $0x80, s14, s6, $0xb8;
	[tilespmem:$0x2A00] =	vst v63  }
0x25: {  	p0 =	sne.s32 s16, $0x1;
	_ =	swait.ge [sflag:s8], $0x2800  }
.Ltmp0:
0x26: {  	[sflag:s8] =	ssyncset.done $0x0;
	(pc) =	sbr.rel @!p0 .LBB2_2-.Ltmp0, $4  }
0x27: {  	s15 =	sadd.s32 $0x8900, s15;
	[sflag:s8] =	ssyncadd.s32 $0xFFFFD800  }
0x28: {  	[hbm4b:s15+s2] =	stream.linear.scatter [tilespmem:s7], [sflag:$0x2], $0x2800, $0x38;
	[tilespmem:$0x2A00] =	vst v63  }
0x29: {  	_ =	swait.ge [sflag:s3], $0x2800  }
0x2a: {  	s16 =	sadd.s32 $0xFFFFFFFF, s16;
	[sflag:s3] =	ssyncset.done $0x0  }
.LBB2_1:
0x2b: {  	p0 =	sne.s32 s16, $0x1;
	s16 =	sadd.s32 $0xFFFFFFFF, s16;
	[sflag:s3] =	ssyncadd.s32 $0xFFFFD800  }
0x2c: {  	[tilespmem:s2], [sflag:$0x2] =	stream.linear.gather [hbm4b:s4+s2], $0x200, $0x38;
	[tilespmem:$0x2A00] =	vst v63  }
0x2d: {  	_ =	swait.ge [sflag:s3], $0x200  }
0x2e: {  	[sflag:s3] =	ssyncset.done $0x0  }
0x2f: {  	[sflag:s3] =	ssyncadd.s32 $0xFFFFFE00  }
0x30: {  	[tilespmem:s7], [sflag:$0x1] =	stream.indirect.gather [hbm4b:s5+s6], $0x80, s2, s6, $0xb8;
	[tilespmem:$0x2A00] =	vst v63  }
0x31: {  	_ =	swait.ge [sflag:s8], $0x2800  }
0x32: {  	[sflag:s8] =	ssyncset.done $0x0  }
0x33: {  	[sflag:s8] =	ssyncadd.s32 $0xFFFFD800  }
0x34: {  	[hbm4b:s9+s2] =	stream.linear.scatter [tilespmem:s7], [sflag:$0x2], $0x2800, $0x38;
	[tilespmem:$0x2A00] =	vst v63  }
0x35: {  	_ =	swait.ge [sflag:s3], $0x2800  }
0x36: {  	[sflag:s3] =	ssyncset.done $0x0  }
0x37: {  	[sflag:s3] =	ssyncadd.s32 $0xFFFFD800  }
0x38: {  	[tilespmem:s7], [sflag:$0x1] =	stream.indirect.gather [hbm4b:s5+s6], $0x80, s10, s6, $0xb8;
	[tilespmem:$0x2A00] =	vst v63  }
0x39: {  	_ =	swait.ge [sflag:s8], $0x2800  }
0x3a: {  	[sflag:s8] =	ssyncset.done $0x0  }
0x3b: {  	[sflag:s8] =	ssyncadd.s32 $0xFFFFD800  }
0x3c: {  	[hbm4b:s11+s2] =	stream.linear.scatter [tilespmem:s7], [sflag:$0x2], $0x2800, $0x38;
	[tilespmem:$0x2A00] =	vst v63  }
0x3d: {  	_ =	swait.ge [sflag:s3], $0x2800  }
0x3e: {  	[sflag:s3] =	ssyncset.done $0x0  }
0x3f: {  	[sflag:s3] =	ssyncadd.s32 $0xFFFFD800  }
0x40: {  	[tilespmem:s7], [sflag:$0x1] =	stream.indirect.gather [hbm4b:s5+s6], $0x80, s12, s6, $0xb8;
	[tilespmem:$0x2A00] =	vst v63  }
0x41: {  	_ =	swait.ge [sflag:s8], $0x2800  }
0x42: {  	[sflag:s8] =	ssyncset.done $0x0  }
0x43: {  	[sflag:s8] =	ssyncadd.s32 $0xFFFFD800  }
0x44: {  	[hbm4b:s13+s2] =	stream.linear.scatter [tilespmem:s7], [sflag:$0x2], $0x2800, $0x38;
	[tilespmem:$0x2A00] =	vst v63  }
0x45: {  	_ =	swait.ge [sflag:s3], $0x2800  }
0x46: {  	[sflag:s3] =	ssyncset.done $0x0  }
0x47: {  	[sflag:s3] =	ssyncadd.s32 $0xFFFFD800  }
0x48: {  	[tilespmem:s7], [sflag:$0x1] =	stream.indirect.gather [hbm4b:s5+s6], $0x80, s14, s6, $0xb8;
	[tilespmem:$0x2A00] =	vst v63  }
0x49: {  	_ =	swait.ge [sflag:s8], $0x2800  }
.Ltmp1:
0x4a: {  	[sflag:s8] =	ssyncset.done $0x0;
	(pc) =	sbr.rel @p0 .LBB2_1-.Ltmp1, $4  }
0x4b: {  	[sflag:s8] =	ssyncadd.s32 $0xFFFFD800  }
0x4c: {  	[hbm4b:s15+s2] =	stream.linear.scatter [tilespmem:s7], [sflag:$0x2], $0x2800, $0x38;
	[tilespmem:$0x2A00] =	vst v63  }
0x4d: {  	_ =	swait.ge [sflag:s3], $0x2800  }
0x4e: {  	[sflag:s3] =	ssyncset.done $0x0  }
.LBB2_2:
0x4f: {  	[sflag:s3] =	ssyncadd.s32 $0xFFFFD800  }
0x50: {  	_ =	sfence.sel $0x180000  }
0x51: {  	[bflag:$0x0] =	sbarrier.arrive $0xFFFF  }
0x52: {  	p0 =	sne.s32 s0, $0x0;
	_ =	strace $0x90000047  }
0x53: {  	s0 =	sadd.s32 @!p0 $0x100000, s1;
	[bflag:$0x2] =	sbarrier.arrive $0xFFFF  }
0x54: {  	[sflag:s0] =	ssyncadd.tile.s32 @!p0 $0x1;
	_ =	shalt  }
.Lfunc_end2:
_tile_overlayer_lowered:
.L_overlay_start_2:
0x55: {  	(tag) =	ssettag $0x2  }
0x56: {  	s0 =	rddreg [dreg:$0x0];
	s2 =	stileid.u32  }
0x57: {  	s1 =	rddreg [dreg:$0x1];
	p0 =	sne.s32 s2, $0x0  }
0x58: {  	s3 =	rddreg [dreg:$0x2];
	[bflag:$0x3] =	sbarrier.arrive $0xFFFF;
	s2 =	simm.s32 @!p0 $0x1C02  }
0x59: {  	[timem:s3], [sflag:s2] =	dma.local @!p0 [hbm:s0], s1  }
0x5a: {  	s0 =	simm.s32 @!p0 $0x2  }
0x5b: {  	_ =	swait.ge @!p0 [sflag:s0], s1  }
0x5c: {  	s1 =	ssub.s32 @!p0 $0x0, s1;
	[sflag:s0] =	ssyncset.done @!p0 $0x0  }
0x5d: {  	[sflag:s0] =	ssyncadd.s32 @!p0 s1  }
0x5e: {  	[bflag:$0x3] =	sbarrier.arrive $0xFFFF  }
0x5f: {  	_ =	shalt  }

// kernel: kernel.31.cloned.1.call-start
scs
__scs_entry_jumppad:
0x0: {  	(pc) =	sbr.rel $0x88, $3  }
0x1: {  	(tag) =	ssettag $0x0;
	lr =	simm.s32 $0x1  }
0x2: {  	[smem:$0x3F91] =	sst lr;
	_ =	strace $0xD0000000  }
0x3: {  	_ = 	snop  }
0x4: {  	_ = 	snop  }
0x5: {  	_ = 	snop  }
0x6: {  	_ = 	snop  }
0x7: {  	_ = 	snop  }
__scs_overlays_trampoline_lowered:
0x8: {  	[smem:$0x3FA0] =	sst s0  }
0x9: {  	[smem:$0x3FA1] =	sst s1  }
0xa: {  	[smem:$0x3FA2] =	sst s2  }
0xb: {  	[smem:$0x3FA3] =	sst s3  }
0xc: {  	[smem:$0x3FA4] =	sst s4  }
0xd: {  	[smem:$0x3FA5] =	sst s5  }
0xe: {  	[smem:$0x3FA6] =	sst s6  }
0xf: {  	[smem:$0x3FA7] =	sst s7  }
0x10: {  	[smem:$0x3FA8] =	sst s8  }
0x11: {  	[smem:$0x3FA9] =	sst s9;
	s0 =	simm.s32 @!p0 $0x0  }
0x12: {  	s1 =	sld [smem:$0x3F8F];
	s0 =	simm.s32 @p0 $0x1  }
0x13: {  	[smem:$0x3FAA] =	sst s0;
	s0 =	simm.s32 @!p1 $0x0  }
0x14: {  	s2 =	sld [smem:$0x3F8E];
	s0 =	simm.s32 @p1 $0x1  }
0x15: {  	[smem:$0x3FAB] =	sst s0;
	s0 =	simm.s32 @!p2 $0x0  }
0x16: {  	s3 =	sld [smem:$0x3FDB];
	s0 =	simm.s32 @p2 $0x1  }
0x17: {  	s4 =	simm.s32 $0x1BF5;
	[smem:$0x3FAD] =	sst s0  }
0x18: {  	s0 =	sld [smem:$0x3F90];
	_ =	swait.ge [sflag:s4], $0x0  }
0x19: {  	s7 =	sld [smem:$0x3F91]  }
0x1a: {  	s8 =	sadd.s32 $0xFFFFE003, lr  }
0x1b: {  	s9 =	sadd.s32 $0xFFFFFEF7, lr;
	s5 =	simm.s32 $0xFFFFFFFF;
	p2 =	slt.u32 s8, $0xFFFFF086  }
0x1c: {  	p1 =	slt.u32 s9, $0xF7A;
	s5 =	simm.s32 @!p2 $0x0  }
0x1d: {  	s5 =	simm.s32 @p1 $0x1;
	p0 =	seq.s32 s7, s2  }
0x1e: {  	s7 =	smul.u32 @!p0 $0xF7A, s2;
	p2 =	seq.s32 @!p0 s5, $0x0  }
0x1f: {  	s9 =	smul.u32 $0xF7A, s1;
	s8 =	simm.s32 @!p0 $0x1BF5;
	p2 =	por !p2, p0  }
0x20: {  	[sflag:s8] =	ssyncset.s32 @!p0 $0xFFFFF086;
	s6 =	sadd.s32 @!p0 s3, s7;
	s7 =	simm.s32 @!p0 $0x108  }
0x21: {  	s3 =	sadd.s32 s3, s9;
	s6 =	sadd.s32 @!p0 $0x88, s6;
	s7 =	simm.s32 @p2 $0x1082  }
0x22: {  	[simem:s7], [sflag:s8] =	dma.local @!p0 [hbm:s6], $0xF7A  }
0x23: {  	s9 =	sor.u32 $0xD0000000, s2;
	s6 =	simm.s32 $0x108;
	_ =	swait.ge @!p0 [sflag:s8], $0x0  }
0x24: {  	s3 =	sadd.s32 $0x88, s3;
	s6 =	simm.s32 @!p1 $0x1082;
	[sflag:s4] =	ssyncset.s32 $0xFFFFF086  }
0x25: {  	[simem:s6], [sflag:s4] =	dma.local [hbm:s3], $0xF7A  }
0x26: {  	[smem:$0x3F91] =	sst s1;
	(tag) =	ssettag s2;
	_ =	strace s9  }
0x27: {  	s1 =	sld [smem:$0x3FA1]  }
0x28: {  	s2 =	sld [smem:$0x3FA2]  }
0x29: {  	s4 =	sld [smem:$0x3FA4]  }
0x2a: {  	p0 =	seq.s32 s5, $0x0;
	s5 =	sld [smem:$0x3FA5]  }
0x2b: {  	s6 =	sld [smem:$0x3FA6]  }
0x2c: {  	s7 =	sld [smem:$0x3FA7]  }
0x2d: {  	s3 =	simm.s32 $0x108;
	s8 =	sld [smem:$0x3FA8]  }
0x2e: {  	s3 =	simm.s32 @!p0 $0x1082;
	s9 =	sld [smem:$0x3FA9]  }
0x2f: {  	lr =	sadd.s32 s0, s3;
	s0 =	sld [smem:$0x3FA0]  }
0x30: {  	s3 =	sld [smem:$0x3FA3]  }
0x31: {  	[smem:$0x3FAC] =	sst s10  }
0x32: {  	s10 =	sld [smem:$0x3FAA];
	_ =	sdelay $0x3  }
0x33: {  	p0 =	seq.s32 s10, $0x1;
	s10 =	sld [smem:$0x3FAC];
	_ =	sdelay $0x3  }
0x34: {  	[smem:$0x3FAC] =	sst s10  }
0x35: {  	s10 =	sld [smem:$0x3FAB];
	_ =	sdelay $0x3  }
0x36: {  	p1 =	seq.s32 s10, $0x1;
	s10 =	sld [smem:$0x3FAC];
	_ =	sdelay $0x3  }
0x37: {  	[smem:$0x3FAC] =	sst s10  }
0x38: {  	s10 =	sld [smem:$0x3FAD]  }
0x39: {  	_ = 	snop;
	(pc) =	sbr.ind lr, $3  }
0x3a: {  	_ = 	snop  }
0x3b: {  	_ = 	snop  }
0x3c: {  	p2 =	seq.s32 s10, $0x1;
	s10 =	sld [smem:$0x3FAC]  }
0x3d: {  	_ =	shalt  }
0x3e: {  	_ =	shalt  }
0x3f: {  	_ =	shalt  }
0x40: {  	_ =	shalt  }
0x41: {  	_ =	shalt  }
0x42: {  	_ =	shalt  }
0x43: {  	_ =	shalt  }
0x44: {  	_ =	shalt  }
0x45: {  	_ =	shalt  }
0x46: {  	_ =	shalt  }
0x47: {  	_ =	shalt  }
0x48: {  	_ =	shalt  }
0x49: {  	_ =	shalt  }
0x4a: {  	_ =	shalt  }
0x4b: {  	_ =	shalt  }
0x4c: {  	_ =	shalt  }
0x4d: {  	_ =	shalt  }
0x4e: {  	_ =	shalt  }
0x4f: {  	_ =	shalt  }
0x50: {  	_ =	shalt  }
0x51: {  	_ =	shalt  }
0x52: {  	_ =	shalt  }
0x53: {  	_ =	shalt  }
0x54: {  	_ =	shalt  }
0x55: {  	_ =	shalt  }
0x56: {  	_ =	shalt  }
0x57: {  	_ =	shalt  }
0x58: {  	_ =	shalt  }
0x59: {  	_ =	shalt  }
0x5a: {  	_ =	shalt  }
0x5b: {  	_ =	shalt  }
0x5c: {  	_ =	shalt  }
0x5d: {  	_ =	shalt  }
0x5e: {  	_ =	shalt  }
0x5f: {  	_ =	shalt  }
0x60: {  	_ =	shalt  }
0x61: {  	_ =	shalt  }
0x62: {  	_ =	shalt  }
0x63: {  	_ =	shalt  }
0x64: {  	_ =	shalt  }
0x65: {  	_ =	shalt  }
0x66: {  	_ =	shalt  }
0x67: {  	_ =	shalt  }
0x68: {  	_ =	shalt  }
0x69: {  	_ =	shalt  }
0x6a: {  	_ =	shalt  }
0x6b: {  	_ =	shalt  }
0x6c: {  	_ =	shalt  }
0x6d: {  	_ =	shalt  }
0x6e: {  	_ =	shalt  }
0x6f: {  	_ =	shalt  }
0x70: {  	_ =	shalt  }
0x71: {  	_ =	shalt  }
0x72: {  	_ =	shalt  }
0x73: {  	_ =	shalt  }
0x74: {  	_ =	shalt  }
0x75: {  	_ =	shalt  }
0x76: {  	_ =	shalt  }
0x77: {  	_ =	shalt  }
0x78: {  	_ =	shalt  }
0x79: {  	_ =	shalt  }
0x7a: {  	_ =	shalt  }
0x7b: {  	_ =	shalt  }
0x7c: {  	_ =	shalt  }
0x7d: {  	_ =	shalt  }
0x7e: {  	_ =	shalt  }
0x7f: {  	_ =	shalt  }
0x80: {  	_ =	shalt  }
0x81: {  	_ =	shalt  }
0x82: {  	_ =	shalt  }
0x83: {  	_ =	shalt  }
0x84: {  	_ =	shalt  }
0x85: {  	_ =	shalt  }
0x86: {  	_ =	shalt  }
0x87: {  	_ =	shalt  }
.Lfunc_end0:
.L_simem_size_0:
called_computation.2_lowered:
.L_overlay_start_0:
0x88: {  	s2 =	sld [smem:$0x3FD9]  }
0x89: {  	s3 =	sld [smem:$0x3FFE];
	_ =	sdelay $0x1  }
0x8a: {  	s1 =	srdreg.scid  }
0x8b: {  	s0 =	sand.u32 $0x1, s1  }
0x8c: {  	s17 =	sshll.u32 s0, $0xA;
	s2 =	sadd.s32 s3, s2  }
0x8d: {  	s2 =	sadd.s32 s2, s17  }
0x8e: {  	[smem:$0x3FB8] =	sst s2  }
0x8f: {  	_ = 	snop  }
0x90: {  	(tm) =	ssettm $0x1  }
0x91: {  	s18 =	sld [smem:$0x3FFB];
	_ =	sdelay $0x3  }
0x92: {  	_ =	strace s18  }
0x93: {  	s2 =	sld [smem:$0x3FFC];
	_ =	sdelay $0x3  }
0x94: {  	_ =	strace s2  }
0x95: {  	s2 =	sld [smem:$0x3FFD];
	_ =	sdelay $0x3  }
0x96: {  	_ =	strace s2  }
0x97: {  	_ =	strace $0x8FFFFFFF  }
0x98: {  	s19 =	sld [smem:$0x3FDB];
	_ =	sdelay $0x1  }
0x99: {  	s20 =	simm.s32 $_scs_section_size  }
0x9a: {  	s4 =	simm.s32 $_size__tile_overlayer_lowered;
	s5 =	simm.s32 $_tile_overlayer_lowered  }
0x9b: {  	s6 =	simm.s32 $0x1BFF;
	s21 =	sshll.u32 s5, $0x1;
	s3 =	sadd.s32 s20, s19  }
0x9c: {  	s22 =	simm.s32 $0x0;
	s4 =	sshll.u32 s4, $0x1;
	s5 =	sadd.s32 s21, s3  }
0x9d: {  	[timem:s22], [sflag:s6] =	dma.local [hbm:s5], s4  }
0x9e: {  	_ =	swait.ge [sflag:s6], s4  }
0x9f: {  	s4 =	ssub.s32 $0x0, s4;
	[sflag:s6] =	ssyncset.done $0x0  }
0xa0: {  	[sflag:s6] =	ssyncadd.s32 s4;
	_ =	sdelay $0x1  }
0xa1: {  	s23 =	simm.s32 $0x1B8B  }
0xa2: {  	_ =	swait.ge [sflag:s23], $0x1  }
0xa3: {  	[sflag:s23] =	ssyncset.done $0x0  }
0xa4: {  	[sflag:s23] =	ssyncadd.s32 $0xFFFFFFFF  }
0xa5: {  	s4 =	sld [smem:$0x0]  }
0xa6: {  	s5 =	sand.u32 $0xFFFFFFFE, s1  }
0xa7: {  	p0 =	sne.s32 s1, s5  }
0xa8: {  	s5 =	sshll.u32 @p0 s5, $0xE  }
0xa9: {  	s5 =	sadd.s32 @p0 $0x11B8D, s5;
	s6 =	sshll.u32 @p0 s4, $0x11  }
0xaa: {  	s5 =	sor.u32 @p0 s6, s5  }
0xab: {  	[sflag:s5] =	ssyncadd.remote.s32 @p0 $0x1;
	_ =	sdelay $0x1  }
0xac: {  	s5 =	simm.s32 @p0 $0x1B8D  }
0xad: {  	_ =	swait.eq @p0 [sflag:s5], $0x1  }
0xae: {  	[sflag:s5] =	ssyncadd.s32 @p0 $0xFFFFFFFF  }
0xaf: {  	s6 =	sshll.u32 @!p0 s1, $0xE  }
0xb0: {  	s6 =	sor.u32 @!p0 $0x4000, s6;
	s5 =	simm.s32 @!p0 $0x1B8D  }
0xb1: {  	s4 =	sshll.u32 @!p0 s4, $0x11;
	s6 =	sadd.s32 @!p0 $0x11B8D, s6;
	_ =	swait.eq @!p0 [sflag:s5], $0x1  }
0xb2: {  	s4 =	sor.u32 @!p0 s4, s6;
	[sflag:s5] =	ssyncadd.s32 @!p0 $0xFFFFFFFF  }
0xb3: {  	s25 =	simm.s32 $0x1B8E;
	s24 =	sld [smem:$0x3FFE];
	[sflag:s4] =	ssyncadd.remote.s32 @!p0 $0x1  }
0xb4: {  	s26 =	simm.s32 $execute0_lowered;
	[smem:$0x3FD2] =	sst s25  }
0xb5: {  	s5 =	sshll.u32 s26, $0x1;
	_ =	strace $0x8000004C;
	[dreg:$0x1] =	wrdreg $0xFFFFFFFF  }
0xb6: {  	s28 =	simm.s32 $_size_execute0_lowered;
	s3 =	sadd.s32 s3, s5;
	[dreg:$0x0] =	wrdreg $0x0  }
0xb7: {  	s5 =	sshll.u32 s28, $0x1;
	[dreg:$0x2] =	wrdreg s3  }
0xb8: {  	[dreg:$0x3] =	wrdreg s5  }
0xb9: {  	[dreg:$0x4] =	wrdreg $0xC0  }
0xba: {  	_ =	task [dreg:s22], $0x5FFFF  }
0xbb: {  	[dreg:$0x1] =	wrdreg $0xFFFFFFFF  }
0xbc: {  	[dreg:$0x0] =	wrdreg $0x60  }
0xbd: {  	[dreg:$0x2] =	wrdreg s24  }
0xbe: {  	[dreg:$0x3] =	wrdreg $0xA8000  }
0xbf: {  	[dreg:$0x4] =	wrdreg $0xA  }
0xc0: {  	_ =	task.clear_ibuf [dreg:s22], $0x5FFFF;
	_ =	strace $0x9000004C  }
0xc1: {  	s29 =	simm.s32 $0xA;
	_ =	strace $0x8000004E  }
0xc2: {  	_ =	swait.ge [sflag:s29], $0x1  }
0xc3: {  	[sflag:s29] =	ssyncadd.s32 $0xFFFFFFFF  }
0xc4: {  	_ =	strace $0x9000004E  }
0xc5: {  	_ =	sfence  }
0xc6: {  	s30 =	sld [smem:$0x0];
	_ =	sdelay $0x2  }
0xc7: {  	s31 =	sshll.u32 s1, $0xD;
	s1 =	sshrl.u32 s1, $0x2  }
0xc8: {  	s4 =	sand.u32 $0x4000, s31;
	s1 =	sadd.s32 s1, s30  }
0xc9: {  	s0 =	sor.u32 s4, s0;
	s1 =	sshll.u32 s1, $0x11  }
0xca: {  	s0 =	sor.u32 s1, s0  }
0xcb: {  	s0 =	sadd.s32 $0x8F2B, s0  }
0xcc: {  	[sflag:s0] =	ssyncadd.remote.s32 $0x1  }
0xcd: {  	_ =	sfence.sel $0xFFFF  }
0xce: {  	[dreg:$0x0] =	wrdreg $0xFFFFFFFF;
	(pc) =	sbr.abs _section_cstart, $3  }
0xcf: {  	[dreg:$0x1] =	wrdreg $0xFFFFFFFF  }
0xd0: {  	_ =	task.clear_ibuf [dreg:s22], $0x2FFFF;
	_ =	strace $0x9FFFFFFF  }
0xd1: {  	(tm) =	ssettm $0x7FFFFFFF  }
tec
execute0_lowered:
.L_overlay_start_1:
0x0: {  	(tag) =	ssettag $0x1  }
0x1: {  	s6 =	rddreg [dreg:$0x0]  }
0x2: {  	s1 =	rddreg [dreg:$0x1]  }
0x3: {  	s0 =	rddreg [dreg:$0x2]  }
0x4: {  	s3 =	simm.s32 $0x0;
	s2 =	srdreg.scid;
	s13 =	simm.s32 $0x4000  }
0x5: {  	s14 =	simm.s32 $0x50;
	s15 =	simm.s32 $0x8000;
	s16 =	simm.s32 $0x1  }
0x6: {  	s17 =	simm.s32 $0x0;
	[smem:$0x7FF] =	sst s3;
	s7 =	sand.u32 $0x1, s2  }
0x7: {  	s2 =	stileid.u32;
	s4 =	sadd.s32 $0x7A00, s6;
	s5 =	smul.u32 $0x140000, s7  }
0x8: {  	s8 =	sshll.u32 s7, $0xF;
	s9 =	sshll.u32 s2, $0xB;
	s10 =	smul.u32 $0x14000, s2  }
0x9: {  	_ =	strace $0x8000004D;
	s29 =	smul.u32 $0x50000, s2;
	s7 =	ssub.s32 $0x2, s7  }
0xa: {  	s31 =	sshll.u32 s2, $0x6;
	s8 =	sor.u32 s9, s8;
	s30 =	sshrl.u32 s7, $0x1  }
0xb: {  	s8 =	sadd.s32 s8, s6;
	s28 =	sadd.s32 s10, s5;
	s5 =	sadd.s32 $0x4FC00, s6  }
0xc: {  	s10 =	sshrl.u32 s29, $0x2;
	s11 =	ssub.s32 s7, s30;
	s9 =	sshrl.u32 s28, $0x3  }
0xd: {  	s12 =	sadd.s32 s10, s1;
	s7 =	sadd.s32 $0xA2400, s8;
	s8 =	sadd.s32 $0x2FA00, s8  }
0xe: {  	s10 =	smax.u32 s11, $0x1;
	s9 =	sadd.s32 s9, s6;
	s6 =	sor.u32 $0x1C02, s31  }
0xf: {  	s11 =	sshrl.u32 s12, $0x3;
	s12 =	simm.s32 $0x2;
	s9 =	sadd.s32 $0xB2400, s9  }
.LBB2_1:
0x10: {  	[spmem:s11], [sflag:s6] =	dma.local [hbm:s5], $0x2800  }
0x11: {  	_ =	swait.ge [sflag:s12], $0x2800  }
0x12: {  	[sflag:s12] =	ssyncset.done $0x0  }
0x13: {  	[sflag:s12] =	ssyncadd.s32 $0xFFFFD800  }
0x14: {  	[tilespmem:s3], [sflag:$0x2] =	stream.linear.gather [hbm4b:s7+s3], $0x3E80, $0x38;
	[tilespmem:$0x1E800] =	vst v63  }
0x15: {  	_ =	swait.ge [sflag:s12], $0x3E80  }
0x16: {  	[sflag:s12] =	ssyncset.done $0x0  }
0x17: {  	[sflag:s12] =	ssyncadd.s32 $0xFFFFC180  }
0x18: {  	[tilespmem:s13], [sflag:$0x2] =	stream.linear.gather [hbm4b:s8+s3], $0x3E80, $0x38;
	[tilespmem:$0x1E800] =	vst v63  }
0x19: {  	_ =	swait.ge [sflag:s12], $0x3E80  }
0x1a: {  	[sflag:s12] =	ssyncset.done $0x0  }
0x1b: {  	[sflag:s12] =	ssyncadd.s32 $0xFFFFC180  }
0x1c: {  	s18 =	simm.s32 $0x0;
	[bflag:$0x0] =	sbarrier.arrive $0xFFFF  }
0x1d: {  	[tilespmem:s15], [sflag:$0x1] =	stream.indirect.gather [hbm4b:s4+s14], $0x80, s18, s14, $0xb8;
	[tilespmem:$0x1E800] =	vst v63  }
0x1e: {  	_ =	swait.ge [sflag:s16], $0x2800  }
0x1f: {  	[sflag:s16] =	ssyncset.done $0x0  }
0x20: {  	s31 =	simm.s32 $0x4000;
	[sflag:s16] =	ssyncadd.s32 $0xFFFFD800  }
0x21: {  	[spmem:s1] =	stream.indirect.scatter.add.f32 [tilespmem:s15], [sflag:$0x2], $0x80, s31, s14, $0xb8;
	[tilespmem:$0x1E800] =	vst v63  }
0x22: {  	_ =	swait.ge [sflag:s12], $0x2800  }
0x23: {  	s19 =	simm.s32 $0x400;
	s18 =	simm.s32 $0x200;
	[sflag:s12] =	ssyncset.done $0x0  }
.LBB2_2:
0x24: {  	s20 =	sshra.s32 s18, $0x2  }
0x25: {  	[sflag:s12] =	ssyncadd.s32 $0xFFFFD800;
	s18 =	smov.u32 s19;
	s21 =	sadd.s32 $0x200, s19  }
0x26: {  	[tilespmem:s15], [sflag:$0x1] =	stream.indirect.gather [hbm4b:s4+s14], $0x80, s20, s14, $0xb8;
	[tilespmem:$0x1E800] =	vst v63  }
0x27: {  	p0 =	sne.s32 s19, $0xF800;
	_ =	swait.ge [sflag:s16], $0x2800  }
.Ltmp0:
0x28: {  	[sflag:s16] =	ssyncset.done $0x0;
	(pc) =	sbr.rel @p0 .LBB2_2-.Ltmp0, $4  }
0x29: {  	s19 =	sadd.s32 $0x4000, s20;
	[sflag:s16] =	ssyncadd.s32 $0xFFFFD800  }
0x2a: {  	[spmem:s1] =	stream.indirect.scatter.add.f32 [tilespmem:s15], [sflag:$0x2], $0x80, s19, s14, $0xb8;
	[tilespmem:$0x1E800] =	vst v63  }
0x2b: {  	_ =	swait.ge [sflag:s12], $0x2800  }
0x2c: {  	s19 =	smov.u32 s21;
	[sflag:s12] =	ssyncset.done $0x0  }
0x2d: {  	s18 =	sshra.s32 s18, $0x2;
	[sflag:s12] =	ssyncadd.s32 $0xFFFFD800  }
0x2e: {  	[tilespmem:s15], [sflag:$0x1] =	stream.indirect.gather [hbm4b:s4+s14], $0x80, s18, s14, $0xb8;
	[tilespmem:$0x1E800] =	vst v63  }
0x2f: {  	_ =	swait.ge [sflag:s16], $0x2800  }
0x30: {  	[sflag:s16] =	ssyncset.done $0x0  }
0x31: {  	s18 =	sadd.s32 $0x4000, s18;
	[sflag:s16] =	ssyncadd.s32 $0xFFFFD800  }
0x32: {  	[spmem:s1] =	stream.indirect.scatter.add.f32 [tilespmem:s15], [sflag:$0x2], $0x80, s18, s14, $0xb8;
	[tilespmem:$0x1E800] =	vst v63  }
0x33: {  	_ =	swait.ge [sflag:s12], $0x2800  }
0x34: {  	s17 =	sadd.s32 $0x1, s17;
	[sflag:s12] =	ssyncset.done $0x0  }
0x35: {  	p0 =	sne.s32 s17, s10;
	[sflag:s12] =	ssyncadd.s32 $0xFFFFD800  }
.Ltmp1:
0x36: {  	[bflag:$0x0] =	sbarrier.arrive $0xFFFF;
	(pc) =	sbr.rel @p0 .LBB2_1-.Ltmp1, $4  }
0x37: {  	[hbm:s9], [sflag:s6] =	dma.local [spmem:s11], $0x2800  }
0x38: {  	_ =	swait.ge [sflag:s12], $0x2800  }
0x39: {  	[sflag:s12] =	ssyncset.done $0x0  }
0x3a: {  	[sflag:s12] =	ssyncadd.s32 $0xFFFFD800  }
0x3b: {  	_ =	sfence.sel $0x180000  }
0x3c: {  	[bflag:$0x0] =	sbarrier.arrive $0xFFFF  }
0x3d: {  	p0 =	sne.s32 s2, $0x0;
	_ =	strace $0x9000004D  }
0x3e: {  	s0 =	sadd.s32 @!p0 $0x100000, s0;
	[bflag:$0x2] =	sbarrier.arrive $0xFFFF  }
0x3f: {  	[sflag:s0] =	ssyncadd.tile.s32 @!p0 $0x1;
	_ =	shalt  }
.Lfunc_end2:
_tile_overlayer_lowered:
.L_overlay_start_2:
0x40: {  	(tag) =	ssettag $0x2  }
0x41: {  	s0 =	rddreg [dreg:$0x0];
	s2 =	stileid.u32  }
0x42: {  	s1 =	rddreg [dreg:$0x1];
	p0 =	sne.s32 s2, $0x0  }
0x43: {  	s3 =	rddreg [dreg:$0x2];
	[bflag:$0x3] =	sbarrier.arrive $0xFFFF;
	s2 =	simm.s32 @!p0 $0x1C02  }
0x44: {  	[timem:s3], [sflag:s2] =	dma.local @!p0 [hbm:s0], s1  }
0x45: {  	s0 =	simm.s32 @!p0 $0x2  }
0x46: {  	_ =	swait.ge @!p0 [sflag:s0], s1  }
0x47: {  	s1 =	ssub.s32 @!p0 $0x0, s1;
	[sflag:s0] =	ssyncset.done @!p0 $0x0  }
0x48: {  	[sflag:s0] =	ssyncadd.s32 @!p0 s1  }
0x49: {  	[bflag:$0x3] =	sbarrier.arrive $0xFFFF  }
0x4a: {  	_ =	shalt  }

// kernel: kernel.34.cloned.1.call-start
scs
__scs_entry_jumppad:
0x0: {  	(pc) =	sbr.rel $0x88, $3  }
0x1: {  	(tag) =	ssettag $0x0;
	lr =	simm.s32 $0x1  }
0x2: {  	[smem:$0x3F91] =	sst lr;
	_ =	strace $0xD0000000  }
0x3: {  	_ = 	snop  }
0x4: {  	_ = 	snop  }
0x5: {  	_ = 	snop  }
0x6: {  	_ = 	snop  }
0x7: {  	_ = 	snop  }
__scs_overlays_trampoline_lowered:
0x8: {  	[smem:$0x3FA0] =	sst s0  }
0x9: {  	[smem:$0x3FA1] =	sst s1  }
0xa: {  	[smem:$0x3FA2] =	sst s2  }
0xb: {  	[smem:$0x3FA3] =	sst s3  }
0xc: {  	[smem:$0x3FA4] =	sst s4  }
0xd: {  	[smem:$0x3FA5] =	sst s5  }
0xe: {  	[smem:$0x3FA6] =	sst s6  }
0xf: {  	[smem:$0x3FA7] =	sst s7  }
0x10: {  	[smem:$0x3FA8] =	sst s8  }
0x11: {  	[smem:$0x3FA9] =	sst s9;
	s0 =	simm.s32 @!p0 $0x0  }
0x12: {  	s1 =	sld [smem:$0x3F8F];
	s0 =	simm.s32 @p0 $0x1  }
0x13: {  	[smem:$0x3FAA] =	sst s0;
	s0 =	simm.s32 @!p1 $0x0  }
0x14: {  	s2 =	sld [smem:$0x3F8E];
	s0 =	simm.s32 @p1 $0x1  }
0x15: {  	[smem:$0x3FAB] =	sst s0;
	s0 =	simm.s32 @!p2 $0x0  }
0x16: {  	s3 =	sld [smem:$0x3FDB];
	s0 =	simm.s32 @p2 $0x1  }
0x17: {  	s4 =	simm.s32 $0x1BF5;
	[smem:$0x3FAD] =	sst s0  }
0x18: {  	s0 =	sld [smem:$0x3F90];
	_ =	swait.ge [sflag:s4], $0x0  }
0x19: {  	s7 =	sld [smem:$0x3F91]  }
0x1a: {  	s8 =	sadd.s32 $0xFFFFE003, lr  }
0x1b: {  	s9 =	sadd.s32 $0xFFFFFEF7, lr;
	s5 =	simm.s32 $0xFFFFFFFF;
	p2 =	slt.u32 s8, $0xFFFFF086  }
0x1c: {  	p1 =	slt.u32 s9, $0xF7A;
	s5 =	simm.s32 @!p2 $0x0  }
0x1d: {  	s5 =	simm.s32 @p1 $0x1;
	p0 =	seq.s32 s7, s2  }
0x1e: {  	s7 =	smul.u32 @!p0 $0xF7A, s2;
	p2 =	seq.s32 @!p0 s5, $0x0  }
0x1f: {  	s9 =	smul.u32 $0xF7A, s1;
	s8 =	simm.s32 @!p0 $0x1BF5;
	p2 =	por !p2, p0  }
0x20: {  	[sflag:s8] =	ssyncset.s32 @!p0 $0xFFFFF086;
	s6 =	sadd.s32 @!p0 s3, s7;
	s7 =	simm.s32 @!p0 $0x108  }
0x21: {  	s3 =	sadd.s32 s3, s9;
	s6 =	sadd.s32 @!p0 $0x88, s6;
	s7 =	simm.s32 @p2 $0x1082  }
0x22: {  	[simem:s7], [sflag:s8] =	dma.local @!p0 [hbm:s6], $0xF7A  }
0x23: {  	s9 =	sor.u32 $0xD0000000, s2;
	s6 =	simm.s32 $0x108;
	_ =	swait.ge @!p0 [sflag:s8], $0x0  }
0x24: {  	s3 =	sadd.s32 $0x88, s3;
	s6 =	simm.s32 @!p1 $0x1082;
	[sflag:s4] =	ssyncset.s32 $0xFFFFF086  }
0x25: {  	[simem:s6], [sflag:s4] =	dma.local [hbm:s3], $0xF7A  }
0x26: {  	[smem:$0x3F91] =	sst s1;
	(tag) =	ssettag s2;
	_ =	strace s9  }
0x27: {  	s1 =	sld [smem:$0x3FA1]  }
0x28: {  	s2 =	sld [smem:$0x3FA2]  }
0x29: {  	s4 =	sld [smem:$0x3FA4]  }
0x2a: {  	p0 =	seq.s32 s5, $0x0;
	s5 =	sld [smem:$0x3FA5]  }
0x2b: {  	s6 =	sld [smem:$0x3FA6]  }
0x2c: {  	s7 =	sld [smem:$0x3FA7]  }
0x2d: {  	s3 =	simm.s32 $0x108;
	s8 =	sld [smem:$0x3FA8]  }
0x2e: {  	s3 =	simm.s32 @!p0 $0x1082;
	s9 =	sld [smem:$0x3FA9]  }
0x2f: {  	lr =	sadd.s32 s0, s3;
	s0 =	sld [smem:$0x3FA0]  }
0x30: {  	s3 =	sld [smem:$0x3FA3]  }
0x31: {  	[smem:$0x3FAC] =	sst s10  }
0x32: {  	s10 =	sld [smem:$0x3FAA];
	_ =	sdelay $0x3  }
0x33: {  	p0 =	seq.s32 s10, $0x1;
	s10 =	sld [smem:$0x3FAC];
	_ =	sdelay $0x3  }
0x34: {  	[smem:$0x3FAC] =	sst s10  }
0x35: {  	s10 =	sld [smem:$0x3FAB];
	_ =	sdelay $0x3  }
0x36: {  	p1 =	seq.s32 s10, $0x1;
	s10 =	sld [smem:$0x3FAC];
	_ =	sdelay $0x3  }
0x37: {  	[smem:$0x3FAC] =	sst s10  }
0x38: {  	s10 =	sld [smem:$0x3FAD]  }
0x39: {  	_ = 	snop;
	(pc) =	sbr.ind lr, $3  }
0x3a: {  	_ = 	snop  }
0x3b: {  	_ = 	snop  }
0x3c: {  	p2 =	seq.s32 s10, $0x1;
	s10 =	sld [smem:$0x3FAC]  }
0x3d: {  	_ =	shalt  }
0x3e: {  	_ =	shalt  }
0x3f: {  	_ =	shalt  }
0x40: {  	_ =	shalt  }
0x41: {  	_ =	shalt  }
0x42: {  	_ =	shalt  }
0x43: {  	_ =	shalt  }
0x44: {  	_ =	shalt  }
0x45: {  	_ =	shalt  }
0x46: {  	_ =	shalt  }
0x47: {  	_ =	shalt  }
0x48: {  	_ =	shalt  }
0x49: {  	_ =	shalt  }
0x4a: {  	_ =	shalt  }
0x4b: {  	_ =	shalt  }
0x4c: {  	_ =	shalt  }
0x4d: {  	_ =	shalt  }
0x4e: {  	_ =	shalt  }
0x4f: {  	_ =	shalt  }
0x50: {  	_ =	shalt  }
0x51: {  	_ =	shalt  }
0x52: {  	_ =	shalt  }
0x53: {  	_ =	shalt  }
0x54: {  	_ =	shalt  }
0x55: {  	_ =	shalt  }
0x56: {  	_ =	shalt  }
0x57: {  	_ =	shalt  }
0x58: {  	_ =	shalt  }
0x59: {  	_ =	shalt  }
0x5a: {  	_ =	shalt  }
0x5b: {  	_ =	shalt  }
0x5c: {  	_ =	shalt  }
0x5d: {  	_ =	shalt  }
0x5e: {  	_ =	shalt  }
0x5f: {  	_ =	shalt  }
0x60: {  	_ =	shalt  }
0x61: {  	_ =	shalt  }
0x62: {  	_ =	shalt  }
0x63: {  	_ =	shalt  }
0x64: {  	_ =	shalt  }
0x65: {  	_ =	shalt  }
0x66: {  	_ =	shalt  }
0x67: {  	_ =	shalt  }
0x68: {  	_ =	shalt  }
0x69: {  	_ =	shalt  }
0x6a: {  	_ =	shalt  }
0x6b: {  	_ =	shalt  }
0x6c: {  	_ =	shalt  }
0x6d: {  	_ =	shalt  }
0x6e: {  	_ =	shalt  }
0x6f: {  	_ =	shalt  }
0x70: {  	_ =	shalt  }
0x71: {  	_ =	shalt  }
0x72: {  	_ =	shalt  }
0x73: {  	_ =	shalt  }
0x74: {  	_ =	shalt  }
0x75: {  	_ =	shalt  }
0x76: {  	_ =	shalt  }
0x77: {  	_ =	shalt  }
0x78: {  	_ =	shalt  }
0x79: {  	_ =	shalt  }
0x7a: {  	_ =	shalt  }
0x7b: {  	_ =	shalt  }
0x7c: {  	_ =	shalt  }
0x7d: {  	_ =	shalt  }
0x7e: {  	_ =	shalt  }
0x7f: {  	_ =	shalt  }
0x80: {  	_ =	shalt  }
0x81: {  	_ =	shalt  }
0x82: {  	_ =	shalt  }
0x83: {  	_ =	shalt  }
0x84: {  	_ =	shalt  }
0x85: {  	_ =	shalt  }
0x86: {  	_ =	shalt  }
0x87: {  	_ =	shalt  }
.Lfunc_end0:
.L_simem_size_0:
called_computation.3_lowered:
.L_overlay_start_0:
0x88: {  	s2 =	sld [smem:$0x3FD9]  }
0x89: {  	s3 =	sld [smem:$0x3FFE];
	_ =	sdelay $0x1  }
0x8a: {  	s1 =	srdreg.scid  }
0x8b: {  	s0 =	sand.u32 $0x1, s1  }
0x8c: {  	s16 =	sshll.u32 s0, $0xA;
	s2 =	sadd.s32 s3, s2  }
0x8d: {  	s2 =	sadd.s32 s2, s16  }
0x8e: {  	[smem:$0x3FB8] =	sst s2  }
0x8f: {  	_ = 	snop  }
0x90: {  	(tm) =	ssettm $0x1  }
0x91: {  	s17 =	sld [smem:$0x3FFB];
	_ =	sdelay $0x3  }
0x92: {  	_ =	strace s17  }
0x93: {  	s2 =	sld [smem:$0x3FFC];
	_ =	sdelay $0x3  }
0x94: {  	_ =	strace s2  }
0x95: {  	s2 =	sld [smem:$0x3FFD];
	_ =	sdelay $0x3  }
0x96: {  	_ =	strace s2  }
0x97: {  	_ =	strace $0x8FFFFFFF  }
0x98: {  	s18 =	sld [smem:$0x3FDB];
	_ =	sdelay $0x1  }
0x99: {  	s19 =	simm.s32 $_scs_section_size  }
0x9a: {  	s4 =	simm.s32 $_size__tile_overlayer_lowered;
	s5 =	simm.s32 $_tile_overlayer_lowered  }
0x9b: {  	s22 =	simm.s32 $0x1BFF;
	s21 =	sshll.u32 s5, $0x1;
	s2 =	sadd.s32 s19, s18  }
0x9c: {  	s6 =	simm.s32 $0x0;
	s20 =	sshll.u32 s4, $0x1;
	s4 =	sadd.s32 s21, s2  }
0x9d: {  	[timem:s6], [sflag:s22] =	dma.local [hbm:s4], s20  }
0x9e: {  	_ =	swait.ge [sflag:s22], s20  }
0x9f: {  	s3 =	ssub.s32 $0x0, s20;
	[sflag:s22] =	ssyncset.done $0x0  }
0xa0: {  	[sflag:s22] =	ssyncadd.s32 s3;
	_ =	sdelay $0x1  }
0xa1: {  	s23 =	simm.s32 $0x1B8B  }
0xa2: {  	_ =	swait.ge [sflag:s23], $0x1  }
0xa3: {  	[sflag:s23] =	ssyncset.done $0x0  }
0xa4: {  	s25 =	simm.s32 $0x1B8E;
	s24 =	sld [smem:$0x3FFE];
	[sflag:s23] =	ssyncadd.s32 $0xFFFFFFFF  }
0xa5: {  	s26 =	simm.s32 $execute0_lowered;
	[smem:$0x3FD2] =	sst s25  }
0xa6: {  	s4 =	sshll.u32 s26, $0x1;
	_ =	strace $0x8000004F;
	[dreg:$0x1] =	wrdreg $0xFFFFFFFF  }
0xa7: {  	s28 =	simm.s32 $_size_execute0_lowered;
	s2 =	sadd.s32 s2, s4;
	[dreg:$0x0] =	wrdreg $0x0  }
0xa8: {  	s4 =	sshll.u32 s28, $0x1;
	[dreg:$0x2] =	wrdreg s2  }
0xa9: {  	[dreg:$0x3] =	wrdreg s4  }
0xaa: {  	[dreg:$0x4] =	wrdreg $0xC0  }
0xab: {  	_ =	task [dreg:s6], $0x5FFFF  }
0xac: {  	[dreg:$0x1] =	wrdreg $0xFFFFFFFF  }
0xad: {  	[dreg:$0x0] =	wrdreg $0x60  }
0xae: {  	[dreg:$0x2] =	wrdreg s24  }
0xaf: {  	[dreg:$0x3] =	wrdreg $0xA8000  }
0xb0: {  	[dreg:$0x4] =	wrdreg $0x9  }
0xb1: {  	_ =	task.clear_ibuf [dreg:s6], $0x5FFFF;
	_ =	strace $0x9000004F  }
0xb2: {  	s29 =	simm.s32 $0x9;
	_ =	strace $0x80000051  }
0xb3: {  	_ =	swait.ge [sflag:s29], $0x1  }
0xb4: {  	[sflag:s29] =	ssyncadd.s32 $0xFFFFFFFF  }
0xb5: {  	_ =	strace $0x90000051  }
0xb6: {  	_ =	sfence  }
0xb7: {  	s30 =	sld [smem:$0x0];
	_ =	sdelay $0x2  }
0xb8: {  	s31 =	sshll.u32 s1, $0xD;
	s1 =	sshrl.u32 s1, $0x2  }
0xb9: {  	s3 =	sand.u32 $0x4000, s31;
	s1 =	sadd.s32 s1, s30  }
0xba: {  	s0 =	sor.u32 s3, s0;
	s1 =	sshll.u32 s1, $0x11  }
0xbb: {  	s0 =	sor.u32 s1, s0  }
0xbc: {  	s0 =	sadd.s32 $0x8F2B, s0  }
0xbd: {  	[sflag:s0] =	ssyncadd.remote.s32 $0x1  }
0xbe: {  	_ =	sfence.sel $0xFFFF  }
0xbf: {  	[dreg:$0x0] =	wrdreg $0xFFFFFFFF;
	(pc) =	sbr.abs _section_cstart, $3  }
0xc0: {  	[dreg:$0x1] =	wrdreg $0xFFFFFFFF  }
0xc1: {  	_ =	task.clear_ibuf [dreg:s6], $0x2FFFF;
	_ =	strace $0x9FFFFFFF  }
0xc2: {  	(tm) =	ssettm $0x7FFFFFFF  }
0xc3: {  	_ =	shalt  }
tec
execute0_lowered:
.L_overlay_start_1:
0x0: {  	(tag) =	ssettag $0x1  }
0x1: {  	s6 =	rddreg [dreg:$0x0]  }
0x2: {  	s1 =	rddreg [dreg:$0x1]  }
0x3: {  	s0 =	rddreg [dreg:$0x2]  }
0x4: {  	s3 =	simm.s32 $0x0;
	s2 =	srdreg.scid;
	s13 =	simm.s32 $0x4000  }
0x5: {  	s14 =	simm.s32 $0x50;
	s15 =	simm.s32 $0x8000;
	s16 =	simm.s32 $0x1  }
0x6: {  	s17 =	simm.s32 $0x0;
	[smem:$0x7FF] =	sst s3;
	s7 =	sand.u32 $0x1, s2  }
0x7: {  	s2 =	stileid.u32;
	s4 =	sadd.s32 $0x5A00, s6;
	s5 =	smul.u32 $0x140000, s7  }
0x8: {  	s8 =	sshll.u32 s7, $0xF;
	s9 =	sshll.u32 s2, $0xB;
	s10 =	smul.u32 $0x14000, s2  }
0x9: {  	_ =	strace $0x80000050;
	s29 =	smul.u32 $0x50000, s2;
	s7 =	ssub.s32 $0x2, s7  }
0xa: {  	s31 =	sshll.u32 s2, $0x6;
	s8 =	sor.u32 s9, s8;
	s30 =	sshrl.u32 s7, $0x1  }
0xb: {  	s8 =	sadd.s32 s8, s6;
	s28 =	sadd.s32 s10, s5;
	s5 =	sadd.s32 $0x4FC00, s6  }
0xc: {  	s10 =	sshrl.u32 s29, $0x2;
	s11 =	ssub.s32 s7, s30;
	s9 =	sshrl.u32 s28, $0x3  }
0xd: {  	s12 =	sadd.s32 s10, s1;
	s7 =	sadd.s32 $0xA2400, s8;
	s8 =	sadd.s32 $0x2FA00, s8  }
0xe: {  	s10 =	smax.u32 s11, $0x1;
	s9 =	sadd.s32 s9, s6;
	s6 =	sor.u32 $0x1C02, s31  }
0xf: {  	s11 =	sshrl.u32 s12, $0x3;
	s12 =	simm.s32 $0x2;
	s9 =	sadd.s32 $0xB2400, s9  }
.LBB2_1:
0x10: {  	[spmem:s11], [sflag:s6] =	dma.local [hbm:s5], $0x2800  }
0x11: {  	_ =	swait.ge [sflag:s12], $0x2800  }
0x12: {  	[sflag:s12] =	ssyncset.done $0x0  }
0x13: {  	[sflag:s12] =	ssyncadd.s32 $0xFFFFD800  }
0x14: {  	[tilespmem:s3], [sflag:$0x2] =	stream.linear.gather [hbm4b:s7+s3], $0x3E80, $0x38;
	[tilespmem:$0x1E800] =	vst v63  }
0x15: {  	_ =	swait.ge [sflag:s12], $0x3E80  }
0x16: {  	[sflag:s12] =	ssyncset.done $0x0  }
0x17: {  	[sflag:s12] =	ssyncadd.s32 $0xFFFFC180  }
0x18: {  	[tilespmem:s13], [sflag:$0x2] =	stream.linear.gather [hbm4b:s8+s3], $0x3E80, $0x38;
	[tilespmem:$0x1E800] =	vst v63  }
0x19: {  	_ =	swait.ge [sflag:s12], $0x3E80  }
0x1a: {  	[sflag:s12] =	ssyncset.done $0x0  }
0x1b: {  	[sflag:s12] =	ssyncadd.s32 $0xFFFFC180  }
0x1c: {  	s18 =	simm.s32 $0x0;
	[bflag:$0x0] =	sbarrier.arrive $0xFFFF  }
0x1d: {  	[tilespmem:s15], [sflag:$0x1] =	stream.indirect.gather [hbm4b:s4+s14], $0x80, s18, s14, $0xb8;
	[tilespmem:$0x1E800] =	vst v63  }
0x1e: {  	_ =	swait.ge [sflag:s16], $0x2800  }
0x1f: {  	[sflag:s16] =	ssyncset.done $0x0  }
0x20: {  	s31 =	simm.s32 $0x4000;
	[sflag:s16] =	ssyncadd.s32 $0xFFFFD800  }
0x21: {  	[spmem:s1] =	stream.indirect.scatter.add.f32 [tilespmem:s15], [sflag:$0x2], $0x80, s31, s14, $0xb8;
	[tilespmem:$0x1E800] =	vst v63  }
0x22: {  	_ =	swait.ge [sflag:s12], $0x2800  }
0x23: {  	s19 =	simm.s32 $0x400;
	s18 =	simm.s32 $0x200;
	[sflag:s12] =	ssyncset.done $0x0  }
.LBB2_2:
0x24: {  	s20 =	sshra.s32 s18, $0x2  }
0x25: {  	[sflag:s12] =	ssyncadd.s32 $0xFFFFD800;
	s18 =	smov.u32 s19;
	s21 =	sadd.s32 $0x200, s19  }
0x26: {  	[tilespmem:s15], [sflag:$0x1] =	stream.indirect.gather [hbm4b:s4+s14], $0x80, s20, s14, $0xb8;
	[tilespmem:$0x1E800] =	vst v63  }
0x27: {  	p0 =	sne.s32 s19, $0xF800;
	_ =	swait.ge [sflag:s16], $0x2800  }
.Ltmp0:
0x28: {  	[sflag:s16] =	ssyncset.done $0x0;
	(pc) =	sbr.rel @p0 .LBB2_2-.Ltmp0, $4  }
0x29: {  	s19 =	sadd.s32 $0x4000, s20;
	[sflag:s16] =	ssyncadd.s32 $0xFFFFD800  }
0x2a: {  	[spmem:s1] =	stream.indirect.scatter.add.f32 [tilespmem:s15], [sflag:$0x2], $0x80, s19, s14, $0xb8;
	[tilespmem:$0x1E800] =	vst v63  }
0x2b: {  	_ =	swait.ge [sflag:s12], $0x2800  }
0x2c: {  	s19 =	smov.u32 s21;
	[sflag:s12] =	ssyncset.done $0x0  }
0x2d: {  	s18 =	sshra.s32 s18, $0x2;
	[sflag:s12] =	ssyncadd.s32 $0xFFFFD800  }
0x2e: {  	[tilespmem:s15], [sflag:$0x1] =	stream.indirect.gather [hbm4b:s4+s14], $0x80, s18, s14, $0xb8;
	[tilespmem:$0x1E800] =	vst v63  }
0x2f: {  	_ =	swait.ge [sflag:s16], $0x2800  }
0x30: {  	[sflag:s16] =	ssyncset.done $0x0  }
0x31: {  	s18 =	sadd.s32 $0x4000, s18;
	[sflag:s16] =	ssyncadd.s32 $0xFFFFD800  }
0x32: {  	[spmem:s1] =	stream.indirect.scatter.add.f32 [tilespmem:s15], [sflag:$0x2], $0x80, s18, s14, $0xb8;
	[tilespmem:$0x1E800] =	vst v63  }
0x33: {  	_ =	swait.ge [sflag:s12], $0x2800  }
0x34: {  	s17 =	sadd.s32 $0x1, s17;
	[sflag:s12] =	ssyncset.done $0x0  }
0x35: {  	p0 =	sne.s32 s17, s10;
	[sflag:s12] =	ssyncadd.s32 $0xFFFFD800  }
.Ltmp1:
0x36: {  	[bflag:$0x0] =	sbarrier.arrive $0xFFFF;
	(pc) =	sbr.rel @p0 .LBB2_1-.Ltmp1, $4  }
0x37: {  	[hbm:s9], [sflag:s6] =	dma.local [spmem:s11], $0x2800  }
0x38: {  	_ =	swait.ge [sflag:s12], $0x2800  }
0x39: {  	[sflag:s12] =	ssyncset.done $0x0  }
0x3a: {  	[sflag:s12] =	ssyncadd.s32 $0xFFFFD800  }
0x3b: {  	_ =	sfence.sel $0x180000  }
0x3c: {  	[bflag:$0x0] =	sbarrier.arrive $0xFFFF  }
0x3d: {  	p0 =	sne.s32 s2, $0x0;
	_ =	strace $0x90000050  }
0x3e: {  	s0 =	sadd.s32 @!p0 $0x100000, s0;
	[bflag:$0x2] =	sbarrier.arrive $0xFFFF  }
0x3f: {  	[sflag:s0] =	ssyncadd.tile.s32 @!p0 $0x1;
	_ =	shalt  }
.Lfunc_end2:
_tile_overlayer_lowered:
.L_overlay_start_2:
0x40: {  	(tag) =	ssettag $0x2  }
0x41: {  	s0 =	rddreg [dreg:$0x0];
	s2 =	stileid.u32  }
0x42: {  	s1 =	rddreg [dreg:$0x1];
	p0 =	sne.s32 s2, $0x0  }
0x43: {  	s3 =	rddreg [dreg:$0x2];
	[bflag:$0x3] =	sbarrier.arrive $0xFFFF;
	s2 =	simm.s32 @!p0 $0x1C02  }
0x44: {  	[timem:s3], [sflag:s2] =	dma.local @!p0 [hbm:s0], s1  }
0x45: {  	s0 =	simm.s32 @!p0 $0x2  }
0x46: {  	_ =	swait.ge @!p0 [sflag:s0], s1  }
0x47: {  	s1 =	ssub.s32 @!p0 $0x0, s1;
	[sflag:s0] =	ssyncset.done @!p0 $0x0  }
0x48: {  	[sflag:s0] =	ssyncadd.s32 @!p0 s1  }
0x49: {  	[bflag:$0x3] =	sbarrier.arrive $0xFFFF  }
0x4a: {  	_ =	shalt  }

// kernel: kernel.37.cloned.1.call-start
scs
__scs_entry_jumppad:
0x0: {  	(pc) =	sbr.rel $0x88, $3  }
0x1: {  	(tag) =	ssettag $0x0;
	lr =	simm.s32 $0x1  }
0x2: {  	[smem:$0x3F91] =	sst lr;
	_ =	strace $0xD0000000  }
0x3: {  	_ = 	snop  }
0x4: {  	_ = 	snop  }
0x5: {  	_ = 	snop  }
0x6: {  	_ = 	snop  }
0x7: {  	_ = 	snop  }
__scs_overlays_trampoline_lowered:
0x8: {  	[smem:$0x3FA0] =	sst s0  }
0x9: {  	[smem:$0x3FA1] =	sst s1  }
0xa: {  	[smem:$0x3FA2] =	sst s2  }
0xb: {  	[smem:$0x3FA3] =	sst s3  }
0xc: {  	[smem:$0x3FA4] =	sst s4  }
0xd: {  	[smem:$0x3FA5] =	sst s5  }
0xe: {  	[smem:$0x3FA6] =	sst s6  }
0xf: {  	[smem:$0x3FA7] =	sst s7  }
0x10: {  	[smem:$0x3FA8] =	sst s8  }
0x11: {  	[smem:$0x3FA9] =	sst s9;
	s0 =	simm.s32 @!p0 $0x0  }
0x12: {  	s1 =	sld [smem:$0x3F8F];
	s0 =	simm.s32 @p0 $0x1  }
0x13: {  	[smem:$0x3FAA] =	sst s0;
	s0 =	simm.s32 @!p1 $0x0  }
0x14: {  	s2 =	sld [smem:$0x3F8E];
	s0 =	simm.s32 @p1 $0x1  }
0x15: {  	[smem:$0x3FAB] =	sst s0;
	s0 =	simm.s32 @!p2 $0x0  }
0x16: {  	s3 =	sld [smem:$0x3FDB];
	s0 =	simm.s32 @p2 $0x1  }
0x17: {  	s4 =	simm.s32 $0x1BF5;
	[smem:$0x3FAD] =	sst s0  }
0x18: {  	s0 =	sld [smem:$0x3F90];
	_ =	swait.ge [sflag:s4], $0x0  }
0x19: {  	s7 =	sld [smem:$0x3F91]  }
0x1a: {  	s8 =	sadd.s32 $0xFFFFE003, lr  }
0x1b: {  	s9 =	sadd.s32 $0xFFFFFEF7, lr;
	s5 =	simm.s32 $0xFFFFFFFF;
	p2 =	slt.u32 s8, $0xFFFFF086  }
0x1c: {  	p1 =	slt.u32 s9, $0xF7A;
	s5 =	simm.s32 @!p2 $0x0  }
0x1d: {  	s5 =	simm.s32 @p1 $0x1;
	p0 =	seq.s32 s7, s2  }
0x1e: {  	s7 =	smul.u32 @!p0 $0xF7A, s2;
	p2 =	seq.s32 @!p0 s5, $0x0  }
0x1f: {  	s9 =	smul.u32 $0xF7A, s1;
	s8 =	simm.s32 @!p0 $0x1BF5;
	p2 =	por !p2, p0  }
0x20: {  	[sflag:s8] =	ssyncset.s32 @!p0 $0xFFFFF086;
	s6 =	sadd.s32 @!p0 s3, s7;
	s7 =	simm.s32 @!p0 $0x108  }
0x21: {  	s3 =	sadd.s32 s3, s9;
	s6 =	sadd.s32 @!p0 $0x88, s6;
	s7 =	simm.s32 @p2 $0x1082  }
0x22: {  	[simem:s7], [sflag:s8] =	dma.local @!p0 [hbm:s6], $0xF7A  }
0x23: {  	s9 =	sor.u32 $0xD0000000, s2;
	s6 =	simm.s32 $0x108;
	_ =	swait.ge @!p0 [sflag:s8], $0x0  }
0x24: {  	s3 =	sadd.s32 $0x88, s3;
	s6 =	simm.s32 @!p1 $0x1082;
	[sflag:s4] =	ssyncset.s32 $0xFFFFF086  }
0x25: {  	[simem:s6], [sflag:s4] =	dma.local [hbm:s3], $0xF7A  }
0x26: {  	[smem:$0x3F91] =	sst s1;
	(tag) =	ssettag s2;
	_ =	strace s9  }
0x27: {  	s1 =	sld [smem:$0x3FA1]  }
0x28: {  	s2 =	sld [smem:$0x3FA2]  }
0x29: {  	s4 =	sld [smem:$0x3FA4]  }
0x2a: {  	p0 =	seq.s32 s5, $0x0;
	s5 =	sld [smem:$0x3FA5]  }
0x2b: {  	s6 =	sld [smem:$0x3FA6]  }
0x2c: {  	s7 =	sld [smem:$0x3FA7]  }
0x2d: {  	s3 =	simm.s32 $0x108;
	s8 =	sld [smem:$0x3FA8]  }
0x2e: {  	s3 =	simm.s32 @!p0 $0x1082;
	s9 =	sld [smem:$0x3FA9]  }
0x2f: {  	lr =	sadd.s32 s0, s3;
	s0 =	sld [smem:$0x3FA0]  }
0x30: {  	s3 =	sld [smem:$0x3FA3]  }
0x31: {  	[smem:$0x3FAC] =	sst s10  }
0x32: {  	s10 =	sld [smem:$0x3FAA];
	_ =	sdelay $0x3  }
0x33: {  	p0 =	seq.s32 s10, $0x1;
	s10 =	sld [smem:$0x3FAC];
	_ =	sdelay $0x3  }
0x34: {  	[smem:$0x3FAC] =	sst s10  }
0x35: {  	s10 =	sld [smem:$0x3FAB];
	_ =	sdelay $0x3  }
0x36: {  	p1 =	seq.s32 s10, $0x1;
	s10 =	sld [smem:$0x3FAC];
	_ =	sdelay $0x3  }
0x37: {  	[smem:$0x3FAC] =	sst s10  }
0x38: {  	s10 =	sld [smem:$0x3FAD]  }
0x39: {  	_ = 	snop;
	(pc) =	sbr.ind lr, $3  }
0x3a: {  	_ = 	snop  }
0x3b: {  	_ = 	snop  }
0x3c: {  	p2 =	seq.s32 s10, $0x1;
	s10 =	sld [smem:$0x3FAC]  }
0x3d: {  	_ =	shalt  }
0x3e: {  	_ =	shalt  }
0x3f: {  	_ =	shalt  }
0x40: {  	_ =	shalt  }
0x41: {  	_ =	shalt  }
0x42: {  	_ =	shalt  }
0x43: {  	_ =	shalt  }
0x44: {  	_ =	shalt  }
0x45: {  	_ =	shalt  }
0x46: {  	_ =	shalt  }
0x47: {  	_ =	shalt  }
0x48: {  	_ =	shalt  }
0x49: {  	_ =	shalt  }
0x4a: {  	_ =	shalt  }
0x4b: {  	_ =	shalt  }
0x4c: {  	_ =	shalt  }
0x4d: {  	_ =	shalt  }
0x4e: {  	_ =	shalt  }
0x4f: {  	_ =	shalt  }
0x50: {  	_ =	shalt  }
0x51: {  	_ =	shalt  }
0x52: {  	_ =	shalt  }
0x53: {  	_ =	shalt  }
0x54: {  	_ =	shalt  }
0x55: {  	_ =	shalt  }
0x56: {  	_ =	shalt  }
0x57: {  	_ =	shalt  }
0x58: {  	_ =	shalt  }
0x59: {  	_ =	shalt  }
0x5a: {  	_ =	shalt  }
0x5b: {  	_ =	shalt  }
0x5c: {  	_ =	shalt  }
0x5d: {  	_ =	shalt  }
0x5e: {  	_ =	shalt  }
0x5f: {  	_ =	shalt  }
0x60: {  	_ =	shalt  }
0x61: {  	_ =	shalt  }
0x62: {  	_ =	shalt  }
0x63: {  	_ =	shalt  }
0x64: {  	_ =	shalt  }
0x65: {  	_ =	shalt  }
0x66: {  	_ =	shalt  }
0x67: {  	_ =	shalt  }
0x68: {  	_ =	shalt  }
0x69: {  	_ =	shalt  }
0x6a: {  	_ =	shalt  }
0x6b: {  	_ =	shalt  }
0x6c: {  	_ =	shalt  }
0x6d: {  	_ =	shalt  }
0x6e: {  	_ =	shalt  }
0x6f: {  	_ =	shalt  }
0x70: {  	_ =	shalt  }
0x71: {  	_ =	shalt  }
0x72: {  	_ =	shalt  }
0x73: {  	_ =	shalt  }
0x74: {  	_ =	shalt  }
0x75: {  	_ =	shalt  }
0x76: {  	_ =	shalt  }
0x77: {  	_ =	shalt  }
0x78: {  	_ =	shalt  }
0x79: {  	_ =	shalt  }
0x7a: {  	_ =	shalt  }
0x7b: {  	_ =	shalt  }
0x7c: {  	_ =	shalt  }
0x7d: {  	_ =	shalt  }
0x7e: {  	_ =	shalt  }
0x7f: {  	_ =	shalt  }
0x80: {  	_ =	shalt  }
0x81: {  	_ =	shalt  }
0x82: {  	_ =	shalt  }
0x83: {  	_ =	shalt  }
0x84: {  	_ =	shalt  }
0x85: {  	_ =	shalt  }
0x86: {  	_ =	shalt  }
0x87: {  	_ =	shalt  }
.Lfunc_end0:
.L_simem_size_0:
called_computation.4_lowered:
.L_overlay_start_0:
0x88: {  	s2 =	sld [smem:$0x3FD9]  }
0x89: {  	s3 =	sld [smem:$0x3FFE];
	_ =	sdelay $0x1  }
0x8a: {  	s1 =	srdreg.scid  }
0x8b: {  	s0 =	sand.u32 $0x1, s1  }
0x8c: {  	s16 =	sshll.u32 s0, $0xA;
	s2 =	sadd.s32 s3, s2  }
0x8d: {  	s2 =	sadd.s32 s2, s16  }
0x8e: {  	[smem:$0x3FB8] =	sst s2  }
0x8f: {  	_ = 	snop  }
0x90: {  	(tm) =	ssettm $0x1  }
0x91: {  	s17 =	sld [smem:$0x3FFB];
	_ =	sdelay $0x3  }
0x92: {  	_ =	strace s17  }
0x93: {  	s2 =	sld [smem:$0x3FFC];
	_ =	sdelay $0x3  }
0x94: {  	_ =	strace s2  }
0x95: {  	s2 =	sld [smem:$0x3FFD];
	_ =	sdelay $0x3  }
0x96: {  	_ =	strace s2  }
0x97: {  	_ =	strace $0x8FFFFFFF  }
0x98: {  	s18 =	sld [smem:$0x3FDB];
	_ =	sdelay $0x1  }
0x99: {  	s19 =	simm.s32 $_scs_section_size  }
0x9a: {  	s4 =	simm.s32 $_size__tile_overlayer_lowered;
	s5 =	simm.s32 $_tile_overlayer_lowered  }
0x9b: {  	s22 =	simm.s32 $0x1BFF;
	s21 =	sshll.u32 s5, $0x1;
	s2 =	sadd.s32 s19, s18  }
0x9c: {  	s6 =	simm.s32 $0x0;
	s20 =	sshll.u32 s4, $0x1;
	s4 =	sadd.s32 s21, s2  }
0x9d: {  	[timem:s6], [sflag:s22] =	dma.local [hbm:s4], s20  }
0x9e: {  	_ =	swait.ge [sflag:s22], s20  }
0x9f: {  	s3 =	ssub.s32 $0x0, s20;
	[sflag:s22] =	ssyncset.done $0x0  }
0xa0: {  	[sflag:s22] =	ssyncadd.s32 s3;
	_ =	sdelay $0x1  }
0xa1: {  	s23 =	simm.s32 $0x1B8B  }
0xa2: {  	_ =	swait.ge [sflag:s23], $0x1  }
0xa3: {  	[sflag:s23] =	ssyncset.done $0x0  }
0xa4: {  	s25 =	simm.s32 $0x1B8E;
	s24 =	sld [smem:$0x3FFE];
	[sflag:s23] =	ssyncadd.s32 $0xFFFFFFFF  }
0xa5: {  	s26 =	simm.s32 $execute0_lowered;
	[smem:$0x3FD2] =	sst s25  }
0xa6: {  	s4 =	sshll.u32 s26, $0x1;
	_ =	strace $0x80000052;
	[dreg:$0x1] =	wrdreg $0xFFFFFFFF  }
0xa7: {  	s28 =	simm.s32 $_size_execute0_lowered;
	s2 =	sadd.s32 s2, s4;
	[dreg:$0x0] =	wrdreg $0x0  }
0xa8: {  	s4 =	sshll.u32 s28, $0x1;
	[dreg:$0x2] =	wrdreg s2  }
0xa9: {  	[dreg:$0x3] =	wrdreg s4  }
0xaa: {  	[dreg:$0x4] =	wrdreg $0xC0  }
0xab: {  	_ =	task [dreg:s6], $0x5FFFF  }
0xac: {  	[dreg:$0x1] =	wrdreg $0xFFFFFFFF  }
0xad: {  	[dreg:$0x0] =	wrdreg $0x60  }
0xae: {  	[dreg:$0x2] =	wrdreg s24  }
0xaf: {  	[dreg:$0x3] =	wrdreg $0xA8000  }
0xb0: {  	[dreg:$0x4] =	wrdreg $0x9  }
0xb1: {  	_ =	task.clear_ibuf [dreg:s6], $0x5FFFF;
	_ =	strace $0x90000052  }
0xb2: {  	s29 =	simm.s32 $0x9;
	_ =	strace $0x80000054  }
0xb3: {  	_ =	swait.ge [sflag:s29], $0x1  }
0xb4: {  	[sflag:s29] =	ssyncadd.s32 $0xFFFFFFFF  }
0xb5: {  	_ =	strace $0x90000054  }
0xb6: {  	_ =	sfence  }
0xb7: {  	s30 =	sld [smem:$0x0];
	_ =	sdelay $0x2  }
0xb8: {  	s31 =	sshll.u32 s1, $0xD;
	s1 =	sshrl.u32 s1, $0x2  }
0xb9: {  	s3 =	sand.u32 $0x4000, s31;
	s1 =	sadd.s32 s1, s30  }
0xba: {  	s0 =	sor.u32 s3, s0;
	s1 =	sshll.u32 s1, $0x11  }
0xbb: {  	s0 =	sor.u32 s1, s0  }
0xbc: {  	s0 =	sadd.s32 $0x8F2B, s0  }
0xbd: {  	[sflag:s0] =	ssyncadd.remote.s32 $0x1  }
0xbe: {  	_ =	sfence.sel $0xFFFF  }
0xbf: {  	[dreg:$0x0] =	wrdreg $0xFFFFFFFF;
	(pc) =	sbr.abs _section_cstart, $3  }
0xc0: {  	[dreg:$0x1] =	wrdreg $0xFFFFFFFF  }
0xc1: {  	_ =	task.clear_ibuf [dreg:s6], $0x2FFFF;
	_ =	strace $0x9FFFFFFF  }
0xc2: {  	(tm) =	ssettm $0x7FFFFFFF  }
0xc3: {  	_ =	shalt  }
tec
execute0_lowered:
.L_overlay_start_1:
0x0: {  	(tag) =	ssettag $0x1  }
0x1: {  	s6 =	rddreg [dreg:$0x0]  }
0x2: {  	s1 =	rddreg [dreg:$0x1]  }
0x3: {  	s0 =	rddreg [dreg:$0x2]  }
0x4: {  	s3 =	simm.s32 $0x0;
	s2 =	srdreg.scid;
	s13 =	simm.s32 $0x4000  }
0x5: {  	s14 =	simm.s32 $0x50;
	s15 =	simm.s32 $0x8000;
	s16 =	simm.s32 $0x1  }
0x6: {  	s17 =	simm.s32 $0x0;
	[smem:$0x7FF] =	sst s3;
	s7 =	sand.u32 $0x1, s2  }
0x7: {  	s2 =	stileid.u32;
	s4 =	sadd.s32 $0x5A00, s6;
	s5 =	smul.u32 $0x140000, s7  }
0x8: {  	s8 =	sshll.u32 s7, $0xF;
	s9 =	sshll.u32 s2, $0xB;
	s10 =	smul.u32 $0x14000, s2  }
0x9: {  	_ =	strace $0x80000053;
	s29 =	smul.u32 $0x50000, s2;
	s7 =	ssub.s32 $0x2, s7  }
0xa: {  	s31 =	sshll.u32 s2, $0x6;
	s8 =	sor.u32 s9, s8;
	s30 =	sshrl.u32 s7, $0x1  }
0xb: {  	s8 =	sadd.s32 s8, s6;
	s28 =	sadd.s32 s10, s5;
	s5 =	sadd.s32 $0x4FC00, s6  }
0xc: {  	s10 =	sshrl.u32 s29, $0x2;
	s11 =	ssub.s32 s7, s30;
	s9 =	sshrl.u32 s28, $0x3  }
0xd: {  	s12 =	sadd.s32 s10, s1;
	s7 =	sadd.s32 $0xA2400, s8;
	s8 =	sadd.s32 $0x2FA00, s8  }
0xe: {  	s10 =	smax.u32 s11, $0x1;
	s9 =	sadd.s32 s9, s6;
	s6 =	sor.u32 $0x1C02, s31  }
0xf: {  	s11 =	sshrl.u32 s12, $0x3;
	s12 =	simm.s32 $0x2;
	s9 =	sadd.s32 $0xB2400, s9  }
.LBB2_1:
0x10: {  	[spmem:s11], [sflag:s6] =	dma.local [hbm:s5], $0x2800  }
0x11: {  	_ =	swait.ge [sflag:s12], $0x2800  }
0x12: {  	[sflag:s12] =	ssyncset.done $0x0  }
0x13: {  	[sflag:s12] =	ssyncadd.s32 $0xFFFFD800  }
0x14: {  	[tilespmem:s3], [sflag:$0x2] =	stream.linear.gather [hbm4b:s7+s3], $0x3E80, $0x38;
	[tilespmem:$0x1E800] =	vst v63  }
0x15: {  	_ =	swait.ge [sflag:s12], $0x3E80  }
0x16: {  	[sflag:s12] =	ssyncset.done $0x0  }
0x17: {  	[sflag:s12] =	ssyncadd.s32 $0xFFFFC180  }
0x18: {  	[tilespmem:s13], [sflag:$0x2] =	stream.linear.gather [hbm4b:s8+s3], $0x3E80, $0x38;
	[tilespmem:$0x1E800] =	vst v63  }
0x19: {  	_ =	swait.ge [sflag:s12], $0x3E80  }
0x1a: {  	[sflag:s12] =	ssyncset.done $0x0  }
0x1b: {  	[sflag:s12] =	ssyncadd.s32 $0xFFFFC180  }
0x1c: {  	s18 =	simm.s32 $0x0;
	[bflag:$0x0] =	sbarrier.arrive $0xFFFF  }
0x1d: {  	[tilespmem:s15], [sflag:$0x1] =	stream.indirect.gather [hbm4b:s4+s14], $0x80, s18, s14, $0xb8;
	[tilespmem:$0x1E800] =	vst v63  }
0x1e: {  	_ =	swait.ge [sflag:s16], $0x2800  }
0x1f: {  	[sflag:s16] =	ssyncset.done $0x0  }
0x20: {  	s31 =	simm.s32 $0x4000;
	[sflag:s16] =	ssyncadd.s32 $0xFFFFD800  }
0x21: {  	[spmem:s1] =	stream.indirect.scatter.add.f32 [tilespmem:s15], [sflag:$0x2], $0x80, s31, s14, $0xb8;
	[tilespmem:$0x1E800] =	vst v63  }
0x22: {  	_ =	swait.ge [sflag:s12], $0x2800  }
0x23: {  	s19 =	simm.s32 $0x400;
	s18 =	simm.s32 $0x200;
	[sflag:s12] =	ssyncset.done $0x0  }
.LBB2_2:
0x24: {  	s20 =	sshra.s32 s18, $0x2  }
0x25: {  	[sflag:s12] =	ssyncadd.s32 $0xFFFFD800;
	s18 =	smov.u32 s19;
	s21 =	sadd.s32 $0x200, s19  }
0x26: {  	[tilespmem:s15], [sflag:$0x1] =	stream.indirect.gather [hbm4b:s4+s14], $0x80, s20, s14, $0xb8;
	[tilespmem:$0x1E800] =	vst v63  }
0x27: {  	p0 =	sne.s32 s19, $0xF800;
	_ =	swait.ge [sflag:s16], $0x2800  }
.Ltmp0:
0x28: {  	[sflag:s16] =	ssyncset.done $0x0;
	(pc) =	sbr.rel @p0 .LBB2_2-.Ltmp0, $4  }
0x29: {  	s19 =	sadd.s32 $0x4000, s20;
	[sflag:s16] =	ssyncadd.s32 $0xFFFFD800  }
0x2a: {  	[spmem:s1] =	stream.indirect.scatter.add.f32 [tilespmem:s15], [sflag:$0x2], $0x80, s19, s14, $0xb8;
	[tilespmem:$0x1E800] =	vst v63  }
0x2b: {  	_ =	swait.ge [sflag:s12], $0x2800  }
0x2c: {  	s19 =	smov.u32 s21;
	[sflag:s12] =	ssyncset.done $0x0  }
0x2d: {  	s18 =	sshra.s32 s18, $0x2;
	[sflag:s12] =	ssyncadd.s32 $0xFFFFD800  }
0x2e: {  	[tilespmem:s15], [sflag:$0x1] =	stream.indirect.gather [hbm4b:s4+s14], $0x80, s18, s14, $0xb8;
	[tilespmem:$0x1E800] =	vst v63  }
0x2f: {  	_ =	swait.ge [sflag:s16], $0x2800  }
0x30: {  	[sflag:s16] =	ssyncset.done $0x0  }
0x31: {  	s18 =	sadd.s32 $0x4000, s18;
	[sflag:s16] =	ssyncadd.s32 $0xFFFFD800  }
0x32: {  	[spmem:s1] =	stream.indirect.scatter.add.f32 [tilespmem:s15], [sflag:$0x2], $0x80, s18, s14, $0xb8;
	[tilespmem:$0x1E800] =	vst v63  }
0x33: {  	_ =	swait.ge [sflag:s12], $0x2800  }
0x34: {  	s17 =	sadd.s32 $0x1, s17;
	[sflag:s12] =	ssyncset.done $0x0  }
0x35: {  	p0 =	sne.s32 s17, s10;
	[sflag:s12] =	ssyncadd.s32 $0xFFFFD800  }
.Ltmp1:
0x36: {  	[bflag:$0x0] =	sbarrier.arrive $0xFFFF;
	(pc) =	sbr.rel @p0 .LBB2_1-.Ltmp1, $4  }
0x37: {  	[hbm:s9], [sflag:s6] =	dma.local [spmem:s11], $0x2800  }
0x38: {  	_ =	swait.ge [sflag:s12], $0x2800  }
0x39: {  	[sflag:s12] =	ssyncset.done $0x0  }
0x3a: {  	[sflag:s12] =	ssyncadd.s32 $0xFFFFD800  }
0x3b: {  	_ =	sfence.sel $0x180000  }
0x3c: {  	[bflag:$0x0] =	sbarrier.arrive $0xFFFF  }
0x3d: {  	p0 =	sne.s32 s2, $0x0;
	_ =	strace $0x90000053  }
0x3e: {  	s0 =	sadd.s32 @!p0 $0x100000, s0;
	[bflag:$0x2] =	sbarrier.arrive $0xFFFF  }
0x3f: {  	[sflag:s0] =	ssyncadd.tile.s32 @!p0 $0x1;
	_ =	shalt  }
.Lfunc_end2:
_tile_overlayer_lowered:
.L_overlay_start_2:
0x40: {  	(tag) =	ssettag $0x2  }
0x41: {  	s0 =	rddreg [dreg:$0x0];
	s2 =	stileid.u32  }
0x42: {  	s1 =	rddreg [dreg:$0x1];
	p0 =	sne.s32 s2, $0x0  }
0x43: {  	s3 =	rddreg [dreg:$0x2];
	[bflag:$0x3] =	sbarrier.arrive $0xFFFF;
	s2 =	simm.s32 @!p0 $0x1C02  }
0x44: {  	[timem:s3], [sflag:s2] =	dma.local @!p0 [hbm:s0], s1  }
0x45: {  	s0 =	simm.s32 @!p0 $0x2  }
0x46: {  	_ =	swait.ge @!p0 [sflag:s0], s1  }
0x47: {  	s1 =	ssub.s32 @!p0 $0x0, s1;
	[sflag:s0] =	ssyncset.done @!p0 $0x0  }
0x48: {  	[sflag:s0] =	ssyncadd.s32 @!p0 s1  }
0x49: {  	[bflag:$0x3] =	sbarrier.arrive $0xFFFF  }
0x4a: {  	_ =	shalt  }

// kernel: kernel.40.cloned.1.call-start
scs
__scs_entry_jumppad:
0x0: {  	(pc) =	sbr.rel $0x88, $3  }
0x1: {  	(tag) =	ssettag $0x0;
	lr =	simm.s32 $0x1  }
0x2: {  	[smem:$0x3F91] =	sst lr;
	_ =	strace $0xD0000000  }
0x3: {  	_ = 	snop  }
0x4: {  	_ = 	snop  }
0x5: {  	_ = 	snop  }
0x6: {  	_ = 	snop  }
0x7: {  	_ = 	snop  }
__scs_overlays_trampoline_lowered:
0x8: {  	[smem:$0x3FA0] =	sst s0  }
0x9: {  	[smem:$0x3FA1] =	sst s1  }
0xa: {  	[smem:$0x3FA2] =	sst s2  }
0xb: {  	[smem:$0x3FA3] =	sst s3  }
0xc: {  	[smem:$0x3FA4] =	sst s4  }
0xd: {  	[smem:$0x3FA5] =	sst s5  }
0xe: {  	[smem:$0x3FA6] =	sst s6  }
0xf: {  	[smem:$0x3FA7] =	sst s7  }
0x10: {  	[smem:$0x3FA8] =	sst s8  }
0x11: {  	[smem:$0x3FA9] =	sst s9;
	s0 =	simm.s32 @!p0 $0x0  }
0x12: {  	s1 =	sld [smem:$0x3F8F];
	s0 =	simm.s32 @p0 $0x1  }
0x13: {  	[smem:$0x3FAA] =	sst s0;
	s0 =	simm.s32 @!p1 $0x0  }
0x14: {  	s2 =	sld [smem:$0x3F8E];
	s0 =	simm.s32 @p1 $0x1  }
0x15: {  	[smem:$0x3FAB] =	sst s0;
	s0 =	simm.s32 @!p2 $0x0  }
0x16: {  	s3 =	sld [smem:$0x3FDB];
	s0 =	simm.s32 @p2 $0x1  }
0x17: {  	s4 =	simm.s32 $0x1BF5;
	[smem:$0x3FAD] =	sst s0  }
0x18: {  	s0 =	sld [smem:$0x3F90];
	_ =	swait.ge [sflag:s4], $0x0  }
0x19: {  	s7 =	sld [smem:$0x3F91]  }
0x1a: {  	s8 =	sadd.s32 $0xFFFFE003, lr  }
0x1b: {  	s9 =	sadd.s32 $0xFFFFFEF7, lr;
	s5 =	simm.s32 $0xFFFFFFFF;
	p2 =	slt.u32 s8, $0xFFFFF086  }
0x1c: {  	p1 =	slt.u32 s9, $0xF7A;
	s5 =	simm.s32 @!p2 $0x0  }
0x1d: {  	s5 =	simm.s32 @p1 $0x1;
	p0 =	seq.s32 s7, s2  }
0x1e: {  	s7 =	smul.u32 @!p0 $0xF7A, s2;
	p2 =	seq.s32 @!p0 s5, $0x0  }
0x1f: {  	s9 =	smul.u32 $0xF7A, s1;
	s8 =	simm.s32 @!p0 $0x1BF5;
	p2 =	por !p2, p0  }
0x20: {  	[sflag:s8] =	ssyncset.s32 @!p0 $0xFFFFF086;
	s6 =	sadd.s32 @!p0 s3, s7;
	s7 =	simm.s32 @!p0 $0x108  }
0x21: {  	s3 =	sadd.s32 s3, s9;
	s6 =	sadd.s32 @!p0 $0x88, s6;
	s7 =	simm.s32 @p2 $0x1082  }
0x22: {  	[simem:s7], [sflag:s8] =	dma.local @!p0 [hbm:s6], $0xF7A  }
0x23: {  	s9 =	sor.u32 $0xD0000000, s2;
	s6 =	simm.s32 $0x108;
	_ =	swait.ge @!p0 [sflag:s8], $0x0  }
0x24: {  	s3 =	sadd.s32 $0x88, s3;
	s6 =	simm.s32 @!p1 $0x1082;
	[sflag:s4] =	ssyncset.s32 $0xFFFFF086  }
0x25: {  	[simem:s6], [sflag:s4] =	dma.local [hbm:s3], $0xF7A  }
0x26: {  	[smem:$0x3F91] =	sst s1;
	(tag) =	ssettag s2;
	_ =	strace s9  }
0x27: {  	s1 =	sld [smem:$0x3FA1]  }
0x28: {  	s2 =	sld [smem:$0x3FA2]  }
0x29: {  	s4 =	sld [smem:$0x3FA4]  }
0x2a: {  	p0 =	seq.s32 s5, $0x0;
	s5 =	sld [smem:$0x3FA5]  }
0x2b: {  	s6 =	sld [smem:$0x3FA6]  }
0x2c: {  	s7 =	sld [smem:$0x3FA7]  }
0x2d: {  	s3 =	simm.s32 $0x108;
	s8 =	sld [smem:$0x3FA8]  }
0x2e: {  	s3 =	simm.s32 @!p0 $0x1082;
	s9 =	sld [smem:$0x3FA9]  }
0x2f: {  	lr =	sadd.s32 s0, s3;
	s0 =	sld [smem:$0x3FA0]  }
0x30: {  	s3 =	sld [smem:$0x3FA3]  }
0x31: {  	[smem:$0x3FAC] =	sst s10  }
0x32: {  	s10 =	sld [smem:$0x3FAA];
	_ =	sdelay $0x3  }
0x33: {  	p0 =	seq.s32 s10, $0x1;
	s10 =	sld [smem:$0x3FAC];
	_ =	sdelay $0x3  }
0x34: {  	[smem:$0x3FAC] =	sst s10  }
0x35: {  	s10 =	sld [smem:$0x3FAB];
	_ =	sdelay $0x3  }
0x36: {  	p1 =	seq.s32 s10, $0x1;
	s10 =	sld [smem:$0x3FAC];
	_ =	sdelay $0x3  }
0x37: {  	[smem:$0x3FAC] =	sst s10  }
0x38: {  	s10 =	sld [smem:$0x3FAD]  }
0x39: {  	_ = 	snop;
	(pc) =	sbr.ind lr, $3  }
0x3a: {  	_ = 	snop  }
0x3b: {  	_ = 	snop  }
0x3c: {  	p2 =	seq.s32 s10, $0x1;
	s10 =	sld [smem:$0x3FAC]  }
0x3d: {  	_ =	shalt  }
0x3e: {  	_ =	shalt  }
0x3f: {  	_ =	shalt  }
0x40: {  	_ =	shalt  }
0x41: {  	_ =	shalt  }
0x42: {  	_ =	shalt  }
0x43: {  	_ =	shalt  }
0x44: {  	_ =	shalt  }
0x45: {  	_ =	shalt  }
0x46: {  	_ =	shalt  }
0x47: {  	_ =	shalt  }
0x48: {  	_ =	shalt  }
0x49: {  	_ =	shalt  }
0x4a: {  	_ =	shalt  }
0x4b: {  	_ =	shalt  }
0x4c: {  	_ =	shalt  }
0x4d: {  	_ =	shalt  }
0x4e: {  	_ =	shalt  }
0x4f: {  	_ =	shalt  }
0x50: {  	_ =	shalt  }
0x51: {  	_ =	shalt  }
0x52: {  	_ =	shalt  }
0x53: {  	_ =	shalt  }
0x54: {  	_ =	shalt  }
0x55: {  	_ =	shalt  }
0x56: {  	_ =	shalt  }
0x57: {  	_ =	shalt  }
0x58: {  	_ =	shalt  }
0x59: {  	_ =	shalt  }
0x5a: {  	_ =	shalt  }
0x5b: {  	_ =	shalt  }
0x5c: {  	_ =	shalt  }
0x5d: {  	_ =	shalt  }
0x5e: {  	_ =	shalt  }
0x5f: {  	_ =	shalt  }
0x60: {  	_ =	shalt  }
0x61: {  	_ =	shalt  }
0x62: {  	_ =	shalt  }
0x63: {  	_ =	shalt  }
0x64: {  	_ =	shalt  }
0x65: {  	_ =	shalt  }
0x66: {  	_ =	shalt  }
0x67: {  	_ =	shalt  }
0x68: {  	_ =	shalt  }
0x69: {  	_ =	shalt  }
0x6a: {  	_ =	shalt  }
0x6b: {  	_ =	shalt  }
0x6c: {  	_ =	shalt  }
0x6d: {  	_ =	shalt  }
0x6e: {  	_ =	shalt  }
0x6f: {  	_ =	shalt  }
0x70: {  	_ =	shalt  }
0x71: {  	_ =	shalt  }
0x72: {  	_ =	shalt  }
0x73: {  	_ =	shalt  }
0x74: {  	_ =	shalt  }
0x75: {  	_ =	shalt  }
0x76: {  	_ =	shalt  }
0x77: {  	_ =	shalt  }
0x78: {  	_ =	shalt  }
0x79: {  	_ =	shalt  }
0x7a: {  	_ =	shalt  }
0x7b: {  	_ =	shalt  }
0x7c: {  	_ =	shalt  }
0x7d: {  	_ =	shalt  }
0x7e: {  	_ =	shalt  }
0x7f: {  	_ =	shalt  }
0x80: {  	_ =	shalt  }
0x81: {  	_ =	shalt  }
0x82: {  	_ =	shalt  }
0x83: {  	_ =	shalt  }
0x84: {  	_ =	shalt  }
0x85: {  	_ =	shalt  }
0x86: {  	_ =	shalt  }
0x87: {  	_ =	shalt  }
.Lfunc_end0:
.L_simem_size_0:
called_computation.5_lowered:
.L_overlay_start_0:
0x88: {  	s2 =	sld [smem:$0x3FD9]  }
0x89: {  	s3 =	sld [smem:$0x3FFE];
	_ =	sdelay $0x1  }
0x8a: {  	s1 =	srdreg.scid  }
0x8b: {  	s0 =	sand.u32 $0x1, s1  }
0x8c: {  	s16 =	sshll.u32 s0, $0xA;
	s2 =	sadd.s32 s3, s2  }
0x8d: {  	s2 =	sadd.s32 s2, s16  }
0x8e: {  	[smem:$0x3FB8] =	sst s2  }
0x8f: {  	_ = 	snop  }
0x90: {  	(tm) =	ssettm $0x1  }
0x91: {  	s17 =	sld [smem:$0x3FFB];
	_ =	sdelay $0x3  }
0x92: {  	_ =	strace s17  }
0x93: {  	s2 =	sld [smem:$0x3FFC];
	_ =	sdelay $0x3  }
0x94: {  	_ =	strace s2  }
0x95: {  	s2 =	sld [smem:$0x3FFD];
	_ =	sdelay $0x3  }
0x96: {  	_ =	strace s2  }
0x97: {  	_ =	strace $0x8FFFFFFF  }
0x98: {  	s18 =	sld [smem:$0x3FDB];
	_ =	sdelay $0x1  }
0x99: {  	s19 =	simm.s32 $_scs_section_size  }
0x9a: {  	s4 =	simm.s32 $_size__tile_overlayer_lowered;
	s5 =	simm.s32 $_tile_overlayer_lowered  }
0x9b: {  	s22 =	simm.s32 $0x1BFF;
	s21 =	sshll.u32 s5, $0x1;
	s2 =	sadd.s32 s19, s18  }
0x9c: {  	s6 =	simm.s32 $0x0;
	s20 =	sshll.u32 s4, $0x1;
	s4 =	sadd.s32 s21, s2  }
0x9d: {  	[timem:s6], [sflag:s22] =	dma.local [hbm:s4], s20  }
0x9e: {  	_ =	swait.ge [sflag:s22], s20  }
0x9f: {  	s3 =	ssub.s32 $0x0, s20;
	[sflag:s22] =	ssyncset.done $0x0  }
0xa0: {  	[sflag:s22] =	ssyncadd.s32 s3;
	_ =	sdelay $0x1  }
0xa1: {  	s23 =	simm.s32 $0x1B8B  }
0xa2: {  	_ =	swait.ge [sflag:s23], $0x1  }
0xa3: {  	[sflag:s23] =	ssyncset.done $0x0  }
0xa4: {  	s25 =	simm.s32 $0x1B8E;
	s24 =	sld [smem:$0x3FFE];
	[sflag:s23] =	ssyncadd.s32 $0xFFFFFFFF  }
0xa5: {  	s26 =	simm.s32 $execute0_lowered;
	[smem:$0x3FD2] =	sst s25  }
0xa6: {  	s4 =	sshll.u32 s26, $0x1;
	_ =	strace $0x80000055;
	[dreg:$0x1] =	wrdreg $0xFFFFFFFF  }
0xa7: {  	s28 =	simm.s32 $_size_execute0_lowered;
	s2 =	sadd.s32 s2, s4;
	[dreg:$0x0] =	wrdreg $0x0  }
0xa8: {  	s4 =	sshll.u32 s28, $0x1;
	[dreg:$0x2] =	wrdreg s2  }
0xa9: {  	[dreg:$0x3] =	wrdreg s4  }
0xaa: {  	[dreg:$0x4] =	wrdreg $0xC0  }
0xab: {  	_ =	task [dreg:s6], $0x5FFFF  }
0xac: {  	[dreg:$0x1] =	wrdreg $0xFFFFFFFF  }
0xad: {  	[dreg:$0x0] =	wrdreg $0x60  }
0xae: {  	[dreg:$0x2] =	wrdreg s24  }
0xaf: {  	[dreg:$0x3] =	wrdreg $0xA8000  }
0xb0: {  	[dreg:$0x4] =	wrdreg $0x9  }
0xb1: {  	_ =	task.clear_ibuf [dreg:s6], $0x5FFFF;
	_ =	strace $0x90000055  }
0xb2: {  	s29 =	simm.s32 $0x9;
	_ =	strace $0x80000057  }
0xb3: {  	_ =	swait.ge [sflag:s29], $0x1  }
0xb4: {  	[sflag:s29] =	ssyncadd.s32 $0xFFFFFFFF  }
0xb5: {  	_ =	strace $0x90000057  }
0xb6: {  	_ =	sfence  }
0xb7: {  	s30 =	sld [smem:$0x0];
	_ =	sdelay $0x2  }
0xb8: {  	s31 =	sshll.u32 s1, $0xD;
	s1 =	sshrl.u32 s1, $0x2  }
0xb9: {  	s3 =	sand.u32 $0x4000, s31;
	s1 =	sadd.s32 s1, s30  }
0xba: {  	s0 =	sor.u32 s3, s0;
	s1 =	sshll.u32 s1, $0x11  }
0xbb: {  	s0 =	sor.u32 s1, s0  }
0xbc: {  	s0 =	sadd.s32 $0x8F2B, s0  }
0xbd: {  	[sflag:s0] =	ssyncadd.remote.s32 $0x1  }
0xbe: {  	_ =	sfence.sel $0xFFFF  }
0xbf: {  	[dreg:$0x0] =	wrdreg $0xFFFFFFFF;
	(pc) =	sbr.abs _section_cstart, $3  }
0xc0: {  	[dreg:$0x1] =	wrdreg $0xFFFFFFFF  }
0xc1: {  	_ =	task.clear_ibuf [dreg:s6], $0x2FFFF;
	_ =	strace $0x9FFFFFFF  }
0xc2: {  	(tm) =	ssettm $0x7FFFFFFF  }
0xc3: {  	_ =	shalt  }
tec
execute0_lowered:
.L_overlay_start_1:
0x0: {  	(tag) =	ssettag $0x1  }
0x1: {  	s6 =	rddreg [dreg:$0x0]  }
0x2: {  	s1 =	rddreg [dreg:$0x1]  }
0x3: {  	s0 =	rddreg [dreg:$0x2]  }
0x4: {  	s3 =	simm.s32 $0x0;
	s2 =	srdreg.scid;
	s13 =	simm.s32 $0x4000  }
0x5: {  	s14 =	simm.s32 $0x50;
	s15 =	simm.s32 $0x8000;
	s16 =	simm.s32 $0x1  }
0x6: {  	s17 =	simm.s32 $0x0;
	[smem:$0x7FF] =	sst s3;
	s7 =	sand.u32 $0x1, s2  }
0x7: {  	s2 =	stileid.u32;
	s4 =	sadd.s32 $0x5A00, s6;
	s5 =	smul.u32 $0x140000, s7  }
0x8: {  	s8 =	sshll.u32 s7, $0xF;
	s9 =	sshll.u32 s2, $0xB;
	s10 =	smul.u32 $0x14000, s2  }
0x9: {  	_ =	strace $0x80000056;
	s29 =	smul.u32 $0x50000, s2;
	s7 =	ssub.s32 $0x2, s7  }
0xa: {  	s31 =	sshll.u32 s2, $0x6;
	s8 =	sor.u32 s9, s8;
	s30 =	sshrl.u32 s7, $0x1  }
0xb: {  	s8 =	sadd.s32 s8, s6;
	s28 =	sadd.s32 s10, s5;
	s5 =	sadd.s32 $0x4FC00, s6  }
0xc: {  	s10 =	sshrl.u32 s29, $0x2;
	s11 =	ssub.s32 s7, s30;
	s9 =	sshrl.u32 s28, $0x3  }
0xd: {  	s12 =	sadd.s32 s10, s1;
	s7 =	sadd.s32 $0xA2400, s8;
	s8 =	sadd.s32 $0x2FA00, s8  }
0xe: {  	s10 =	smax.u32 s11, $0x1;
	s9 =	sadd.s32 s9, s6;
	s6 =	sor.u32 $0x1C02, s31  }
0xf: {  	s11 =	sshrl.u32 s12, $0x3;
	s12 =	simm.s32 $0x2;
	s9 =	sadd.s32 $0xB2400, s9  }
.LBB2_1:
0x10: {  	[spmem:s11], [sflag:s6] =	dma.local [hbm:s5], $0x2800  }
0x11: {  	_ =	swait.ge [sflag:s12], $0x2800  }
0x12: {  	[sflag:s12] =	ssyncset.done $0x0  }
0x13: {  	[sflag:s12] =	ssyncadd.s32 $0xFFFFD800  }
0x14: {  	[tilespmem:s3], [sflag:$0x2] =	stream.linear.gather [hbm4b:s7+s3], $0x3E80, $0x38;
	[tilespmem:$0x1E800] =	vst v63  }
0x15: {  	_ =	swait.ge [sflag:s12], $0x3E80  }
0x16: {  	[sflag:s12] =	ssyncset.done $0x0  }
0x17: {  	[sflag:s12] =	ssyncadd.s32 $0xFFFFC180  }
0x18: {  	[tilespmem:s13], [sflag:$0x2] =	stream.linear.gather [hbm4b:s8+s3], $0x3E80, $0x38;
	[tilespmem:$0x1E800] =	vst v63  }
0x19: {  	_ =	swait.ge [sflag:s12], $0x3E80  }
0x1a: {  	[sflag:s12] =	ssyncset.done $0x0  }
0x1b: {  	[sflag:s12] =	ssyncadd.s32 $0xFFFFC180  }
0x1c: {  	s18 =	simm.s32 $0x0;
	[bflag:$0x0] =	sbarrier.arrive $0xFFFF  }
0x1d: {  	[tilespmem:s15], [sflag:$0x1] =	stream.indirect.gather [hbm4b:s4+s14], $0x80, s18, s14, $0xb8;
	[tilespmem:$0x1E800] =	vst v63  }
0x1e: {  	_ =	swait.ge [sflag:s16], $0x2800  }
0x1f: {  	[sflag:s16] =	ssyncset.done $0x0  }
0x20: {  	s31 =	simm.s32 $0x4000;
	[sflag:s16] =	ssyncadd.s32 $0xFFFFD800  }
0x21: {  	[spmem:s1] =	stream.indirect.scatter.add.f32 [tilespmem:s15], [sflag:$0x2], $0x80, s31, s14, $0xb8;
	[tilespmem:$0x1E800] =	vst v63  }
0x22: {  	_ =	swait.ge [sflag:s12], $0x2800  }
0x23: {  	s19 =	simm.s32 $0x400;
	s18 =	simm.s32 $0x200;
	[sflag:s12] =	ssyncset.done $0x0  }
.LBB2_2:
0x24: {  	s20 =	sshra.s32 s18, $0x2  }
0x25: {  	[sflag:s12] =	ssyncadd.s32 $0xFFFFD800;
	s18 =	smov.u32 s19;
	s21 =	sadd.s32 $0x200, s19  }
0x26: {  	[tilespmem:s15], [sflag:$0x1] =	stream.indirect.gather [hbm4b:s4+s14], $0x80, s20, s14, $0xb8;
	[tilespmem:$0x1E800] =	vst v63  }
0x27: {  	p0 =	sne.s32 s19, $0xF800;
	_ =	swait.ge [sflag:s16], $0x2800  }
.Ltmp0:
0x28: {  	[sflag:s16] =	ssyncset.done $0x0;
	(pc) =	sbr.rel @p0 .LBB2_2-.Ltmp0, $4  }
0x29: {  	s19 =	sadd.s32 $0x4000, s20;
	[sflag:s16] =	ssyncadd.s32 $0xFFFFD800  }
0x2a: {  	[spmem:s1] =	stream.indirect.scatter.add.f32 [tilespmem:s15], [sflag:$0x2], $0x80, s19, s14, $0xb8;
	[tilespmem:$0x1E800] =	vst v63  }
0x2b: {  	_ =	swait.ge [sflag:s12], $0x2800  }
0x2c: {  	s19 =	smov.u32 s21;
	[sflag:s12] =	ssyncset.done $0x0  }
0x2d: {  	s18 =	sshra.s32 s18, $0x2;
	[sflag:s12] =	ssyncadd.s32 $0xFFFFD800  }
0x2e: {  	[tilespmem:s15], [sflag:$0x1] =	stream.indirect.gather [hbm4b:s4+s14], $0x80, s18, s14, $0xb8;
	[tilespmem:$0x1E800] =	vst v63  }
0x2f: {  	_ =	swait.ge [sflag:s16], $0x2800  }
0x30: {  	[sflag:s16] =	ssyncset.done $0x0  }
0x31: {  	s18 =	sadd.s32 $0x4000, s18;
	[sflag:s16] =	ssyncadd.s32 $0xFFFFD800  }
0x32: {  	[spmem:s1] =	stream.indirect.scatter.add.f32 [tilespmem:s15], [sflag:$0x2], $0x80, s18, s14, $0xb8;
	[tilespmem:$0x1E800] =	vst v63  }
0x33: {  	_ =	swait.ge [sflag:s12], $0x2800  }
0x34: {  	s17 =	sadd.s32 $0x1, s17;
	[sflag:s12] =	ssyncset.done $0x0  }
0x35: {  	p0 =	sne.s32 s17, s10;
	[sflag:s12] =	ssyncadd.s32 $0xFFFFD800  }
.Ltmp1:
0x36: {  	[bflag:$0x0] =	sbarrier.arrive $0xFFFF;
	(pc) =	sbr.rel @p0 .LBB2_1-.Ltmp1, $4  }
0x37: {  	[hbm:s9], [sflag:s6] =	dma.local [spmem:s11], $0x2800  }
0x38: {  	_ =	swait.ge [sflag:s12], $0x2800  }
0x39: {  	[sflag:s12] =	ssyncset.done $0x0  }
0x3a: {  	[sflag:s12] =	ssyncadd.s32 $0xFFFFD800  }
0x3b: {  	_ =	sfence.sel $0x180000  }
0x3c: {  	[bflag:$0x0] =	sbarrier.arrive $0xFFFF  }
0x3d: {  	p0 =	sne.s32 s2, $0x0;
	_ =	strace $0x90000056  }
0x3e: {  	s0 =	sadd.s32 @!p0 $0x100000, s0;
	[bflag:$0x2] =	sbarrier.arrive $0xFFFF  }
0x3f: {  	[sflag:s0] =	ssyncadd.tile.s32 @!p0 $0x1;
	_ =	shalt  }
.Lfunc_end2:
_tile_overlayer_lowered:
.L_overlay_start_2:
0x40: {  	(tag) =	ssettag $0x2  }
0x41: {  	s0 =	rddreg [dreg:$0x0];
	s2 =	stileid.u32  }
0x42: {  	s1 =	rddreg [dreg:$0x1];
	p0 =	sne.s32 s2, $0x0  }
0x43: {  	s3 =	rddreg [dreg:$0x2];
	[bflag:$0x3] =	sbarrier.arrive $0xFFFF;
	s2 =	simm.s32 @!p0 $0x1C02  }
0x44: {  	[timem:s3], [sflag:s2] =	dma.local @!p0 [hbm:s0], s1  }
0x45: {  	s0 =	simm.s32 @!p0 $0x2  }
0x46: {  	_ =	swait.ge @!p0 [sflag:s0], s1  }
0x47: {  	s1 =	ssub.s32 @!p0 $0x0, s1;
	[sflag:s0] =	ssyncset.done @!p0 $0x0  }
0x48: {  	[sflag:s0] =	ssyncadd.s32 @!p0 s1  }
0x49: {  	[bflag:$0x3] =	sbarrier.arrive $0xFFFF  }
0x4a: {  	_ =	shalt  }

// kernel: kernel.43.cloned.1.call-start
scs
__scs_entry_jumppad:
0x0: {  	(pc) =	sbr.rel $0x88, $3  }
0x1: {  	(tag) =	ssettag $0x0;
	lr =	simm.s32 $0x1  }
0x2: {  	[smem:$0x3F91] =	sst lr;
	_ =	strace $0xD0000000  }
0x3: {  	_ = 	snop  }
0x4: {  	_ = 	snop  }
0x5: {  	_ = 	snop  }
0x6: {  	_ = 	snop  }
0x7: {  	_ = 	snop  }
__scs_overlays_trampoline_lowered:
0x8: {  	[smem:$0x3FA0] =	sst s0  }
0x9: {  	[smem:$0x3FA1] =	sst s1  }
0xa: {  	[smem:$0x3FA2] =	sst s2  }
0xb: {  	[smem:$0x3FA3] =	sst s3  }
0xc: {  	[smem:$0x3FA4] =	sst s4  }
0xd: {  	[smem:$0x3FA5] =	sst s5  }
0xe: {  	[smem:$0x3FA6] =	sst s6  }
0xf: {  	[smem:$0x3FA7] =	sst s7  }
0x10: {  	[smem:$0x3FA8] =	sst s8  }
0x11: {  	[smem:$0x3FA9] =	sst s9;
	s0 =	simm.s32 @!p0 $0x0  }
0x12: {  	s1 =	sld [smem:$0x3F8F];
	s0 =	simm.s32 @p0 $0x1  }
0x13: {  	[smem:$0x3FAA] =	sst s0;
	s0 =	simm.s32 @!p1 $0x0  }
0x14: {  	s2 =	sld [smem:$0x3F8E];
	s0 =	simm.s32 @p1 $0x1  }
0x15: {  	[smem:$0x3FAB] =	sst s0;
	s0 =	simm.s32 @!p2 $0x0  }
0x16: {  	s3 =	sld [smem:$0x3FDB];
	s0 =	simm.s32 @p2 $0x1  }
0x17: {  	s4 =	simm.s32 $0x1BF5;
	[smem:$0x3FAD] =	sst s0  }
0x18: {  	s0 =	sld [smem:$0x3F90];
	_ =	swait.ge [sflag:s4], $0x0  }
0x19: {  	s7 =	sld [smem:$0x3F91]  }
0x1a: {  	s8 =	sadd.s32 $0xFFFFE003, lr  }
0x1b: {  	s9 =	sadd.s32 $0xFFFFFEF7, lr;
	s5 =	simm.s32 $0xFFFFFFFF;
	p2 =	slt.u32 s8, $0xFFFFF086  }
0x1c: {  	p1 =	slt.u32 s9, $0xF7A;
	s5 =	simm.s32 @!p2 $0x0  }
0x1d: {  	s5 =	simm.s32 @p1 $0x1;
	p0 =	seq.s32 s7, s2  }
0x1e: {  	s7 =	smul.u32 @!p0 $0xF7A, s2;
	p2 =	seq.s32 @!p0 s5, $0x0  }
0x1f: {  	s9 =	smul.u32 $0xF7A, s1;
	s8 =	simm.s32 @!p0 $0x1BF5;
	p2 =	por !p2, p0  }
0x20: {  	[sflag:s8] =	ssyncset.s32 @!p0 $0xFFFFF086;
	s6 =	sadd.s32 @!p0 s3, s7;
	s7 =	simm.s32 @!p0 $0x108  }
0x21: {  	s3 =	sadd.s32 s3, s9;
	s6 =	sadd.s32 @!p0 $0x88, s6;
	s7 =	simm.s32 @p2 $0x1082  }
0x22: {  	[simem:s7], [sflag:s8] =	dma.local @!p0 [hbm:s6], $0xF7A  }
0x23: {  	s9 =	sor.u32 $0xD0000000, s2;
	s6 =	simm.s32 $0x108;
	_ =	swait.ge @!p0 [sflag:s8], $0x0  }
0x24: {  	s3 =	sadd.s32 $0x88, s3;
	s6 =	simm.s32 @!p1 $0x1082;
	[sflag:s4] =	ssyncset.s32 $0xFFFFF086  }
0x25: {  	[simem:s6], [sflag:s4] =	dma.local [hbm:s3], $0xF7A  }
0x26: {  	[smem:$0x3F91] =	sst s1;
	(tag) =	ssettag s2;
	_ =	strace s9  }
0x27: {  	s1 =	sld [smem:$0x3FA1]  }
0x28: {  	s2 =	sld [smem:$0x3FA2]  }
0x29: {  	s4 =	sld [smem:$0x3FA4]  }
0x2a: {  	p0 =	seq.s32 s5, $0x0;
	s5 =	sld [smem:$0x3FA5]  }
0x2b: {  	s6 =	sld [smem:$0x3FA6]  }
0x2c: {  	s7 =	sld [smem:$0x3FA7]  }
0x2d: {  	s3 =	simm.s32 $0x108;
	s8 =	sld [smem:$0x3FA8]  }
0x2e: {  	s3 =	simm.s32 @!p0 $0x1082;
	s9 =	sld [smem:$0x3FA9]  }
0x2f: {  	lr =	sadd.s32 s0, s3;
	s0 =	sld [smem:$0x3FA0]  }
0x30: {  	s3 =	sld [smem:$0x3FA3]  }
0x31: {  	[smem:$0x3FAC] =	sst s10  }
0x32: {  	s10 =	sld [smem:$0x3FAA];
	_ =	sdelay $0x3  }
0x33: {  	p0 =	seq.s32 s10, $0x1;
	s10 =	sld [smem:$0x3FAC];
	_ =	sdelay $0x3  }
0x34: {  	[smem:$0x3FAC] =	sst s10  }
0x35: {  	s10 =	sld [smem:$0x3FAB];
	_ =	sdelay $0x3  }
0x36: {  	p1 =	seq.s32 s10, $0x1;
	s10 =	sld [smem:$0x3FAC];
	_ =	sdelay $0x3  }
0x37: {  	[smem:$0x3FAC] =	sst s10  }
0x38: {  	s10 =	sld [smem:$0x3FAD]  }
0x39: {  	_ = 	snop;
	(pc) =	sbr.ind lr, $3  }
0x3a: {  	_ = 	snop  }
0x3b: {  	_ = 	snop  }
0x3c: {  	p2 =	seq.s32 s10, $0x1;
	s10 =	sld [smem:$0x3FAC]  }
0x3d: {  	_ =	shalt  }
0x3e: {  	_ =	shalt  }
0x3f: {  	_ =	shalt  }
0x40: {  	_ =	shalt  }
0x41: {  	_ =	shalt  }
0x42: {  	_ =	shalt  }
0x43: {  	_ =	shalt  }
0x44: {  	_ =	shalt  }
0x45: {  	_ =	shalt  }
0x46: {  	_ =	shalt  }
0x47: {  	_ =	shalt  }
0x48: {  	_ =	shalt  }
0x49: {  	_ =	shalt  }
0x4a: {  	_ =	shalt  }
0x4b: {  	_ =	shalt  }
0x4c: {  	_ =	shalt  }
0x4d: {  	_ =	shalt  }
0x4e: {  	_ =	shalt  }
0x4f: {  	_ =	shalt  }
0x50: {  	_ =	shalt  }
0x51: {  	_ =	shalt  }
0x52: {  	_ =	shalt  }
0x53: {  	_ =	shalt  }
0x54: {  	_ =	shalt  }
0x55: {  	_ =	shalt  }
0x56: {  	_ =	shalt  }
0x57: {  	_ =	shalt  }
0x58: {  	_ =	shalt  }
0x59: {  	_ =	shalt  }
0x5a: {  	_ =	shalt  }
0x5b: {  	_ =	shalt  }
0x5c: {  	_ =	shalt  }
0x5d: {  	_ =	shalt  }
0x5e: {  	_ =	shalt  }
0x5f: {  	_ =	shalt  }
0x60: {  	_ =	shalt  }
0x61: {  	_ =	shalt  }
0x62: {  	_ =	shalt  }
0x63: {  	_ =	shalt  }
0x64: {  	_ =	shalt  }
0x65: {  	_ =	shalt  }
0x66: {  	_ =	shalt  }
0x67: {  	_ =	shalt  }
0x68: {  	_ =	shalt  }
0x69: {  	_ =	shalt  }
0x6a: {  	_ =	shalt  }
0x6b: {  	_ =	shalt  }
0x6c: {  	_ =	shalt  }
0x6d: {  	_ =	shalt  }
0x6e: {  	_ =	shalt  }
0x6f: {  	_ =	shalt  }
0x70: {  	_ =	shalt  }
0x71: {  	_ =	shalt  }
0x72: {  	_ =	shalt  }
0x73: {  	_ =	shalt  }
0x74: {  	_ =	shalt  }
0x75: {  	_ =	shalt  }
0x76: {  	_ =	shalt  }
0x77: {  	_ =	shalt  }
0x78: {  	_ =	shalt  }
0x79: {  	_ =	shalt  }
0x7a: {  	_ =	shalt  }
0x7b: {  	_ =	shalt  }
0x7c: {  	_ =	shalt  }
0x7d: {  	_ =	shalt  }
0x7e: {  	_ =	shalt  }
0x7f: {  	_ =	shalt  }
0x80: {  	_ =	shalt  }
0x81: {  	_ =	shalt  }
0x82: {  	_ =	shalt  }
0x83: {  	_ =	shalt  }
0x84: {  	_ =	shalt  }
0x85: {  	_ =	shalt  }
0x86: {  	_ =	shalt  }
0x87: {  	_ =	shalt  }
.Lfunc_end0:
.L_simem_size_0:
called_computation.6_lowered:
.L_overlay_start_0:
0x88: {  	s2 =	sld [smem:$0x3FD9]  }
0x89: {  	s3 =	sld [smem:$0x3FFE];
	_ =	sdelay $0x1  }
0x8a: {  	s1 =	srdreg.scid  }
0x8b: {  	s0 =	sand.u32 $0x1, s1  }
0x8c: {  	s16 =	sshll.u32 s0, $0xA;
	s2 =	sadd.s32 s3, s2  }
0x8d: {  	s2 =	sadd.s32 s2, s16  }
0x8e: {  	[smem:$0x3FB8] =	sst s2  }
0x8f: {  	_ = 	snop  }
0x90: {  	(tm) =	ssettm $0x1  }
0x91: {  	s17 =	sld [smem:$0x3FFB];
	_ =	sdelay $0x3  }
0x92: {  	_ =	strace s17  }
0x93: {  	s2 =	sld [smem:$0x3FFC];
	_ =	sdelay $0x3  }
0x94: {  	_ =	strace s2  }
0x95: {  	s2 =	sld [smem:$0x3FFD];
	_ =	sdelay $0x3  }
0x96: {  	_ =	strace s2  }
0x97: {  	_ =	strace $0x8FFFFFFF  }
0x98: {  	s18 =	sld [smem:$0x3FDB];
	_ =	sdelay $0x1  }
0x99: {  	s19 =	simm.s32 $_scs_section_size  }
0x9a: {  	s4 =	simm.s32 $_size__tile_overlayer_lowered;
	s5 =	simm.s32 $_tile_overlayer_lowered  }
0x9b: {  	s22 =	simm.s32 $0x1BFF;
	s21 =	sshll.u32 s5, $0x1;
	s2 =	sadd.s32 s19, s18  }
0x9c: {  	s6 =	simm.s32 $0x0;
	s20 =	sshll.u32 s4, $0x1;
	s4 =	sadd.s32 s21, s2  }
0x9d: {  	[timem:s6], [sflag:s22] =	dma.local [hbm:s4], s20  }
0x9e: {  	_ =	swait.ge [sflag:s22], s20  }
0x9f: {  	s3 =	ssub.s32 $0x0, s20;
	[sflag:s22] =	ssyncset.done $0x0  }
0xa0: {  	[sflag:s22] =	ssyncadd.s32 s3;
	_ =	sdelay $0x1  }
0xa1: {  	s23 =	simm.s32 $0x1B8B  }
0xa2: {  	_ =	swait.ge [sflag:s23], $0x1  }
0xa3: {  	[sflag:s23] =	ssyncset.done $0x0  }
0xa4: {  	s25 =	simm.s32 $0x1B8E;
	s24 =	sld [smem:$0x3FFE];
	[sflag:s23] =	ssyncadd.s32 $0xFFFFFFFF  }
0xa5: {  	s26 =	simm.s32 $execute0_lowered;
	[smem:$0x3FD2] =	sst s25  }
0xa6: {  	s4 =	sshll.u32 s26, $0x1;
	_ =	strace $0x80000058;
	[dreg:$0x1] =	wrdreg $0xFFFFFFFF  }
0xa7: {  	s28 =	simm.s32 $_size_execute0_lowered;
	s2 =	sadd.s32 s2, s4;
	[dreg:$0x0] =	wrdreg $0x0  }
0xa8: {  	s4 =	sshll.u32 s28, $0x1;
	[dreg:$0x2] =	wrdreg s2  }
0xa9: {  	[dreg:$0x3] =	wrdreg s4  }
0xaa: {  	[dreg:$0x4] =	wrdreg $0xC0  }
0xab: {  	_ =	task [dreg:s6], $0x5FFFF  }
0xac: {  	[dreg:$0x1] =	wrdreg $0xFFFFFFFF  }
0xad: {  	[dreg:$0x0] =	wrdreg $0x60  }
0xae: {  	[dreg:$0x2] =	wrdreg s24  }
0xaf: {  	[dreg:$0x3] =	wrdreg $0xA8000  }
0xb0: {  	[dreg:$0x4] =	wrdreg $0x9  }
0xb1: {  	_ =	task.clear_ibuf [dreg:s6], $0x5FFFF;
	_ =	strace $0x90000058  }
0xb2: {  	s29 =	simm.s32 $0x9;
	_ =	strace $0x8000005A  }
0xb3: {  	_ =	swait.ge [sflag:s29], $0x1  }
0xb4: {  	[sflag:s29] =	ssyncadd.s32 $0xFFFFFFFF  }
0xb5: {  	_ =	strace $0x9000005A  }
0xb6: {  	_ =	sfence  }
0xb7: {  	s30 =	sld [smem:$0x0];
	_ =	sdelay $0x2  }
0xb8: {  	s31 =	sshll.u32 s1, $0xD;
	s1 =	sshrl.u32 s1, $0x2  }
0xb9: {  	s3 =	sand.u32 $0x4000, s31;
	s1 =	sadd.s32 s1, s30  }
0xba: {  	s0 =	sor.u32 s3, s0;
	s1 =	sshll.u32 s1, $0x11  }
0xbb: {  	s0 =	sor.u32 s1, s0  }
0xbc: {  	s0 =	sadd.s32 $0x8F2B, s0  }
0xbd: {  	[sflag:s0] =	ssyncadd.remote.s32 $0x1  }
0xbe: {  	_ =	sfence.sel $0xFFFF  }
0xbf: {  	[dreg:$0x0] =	wrdreg $0xFFFFFFFF;
	(pc) =	sbr.abs _section_cstart, $3  }
0xc0: {  	[dreg:$0x1] =	wrdreg $0xFFFFFFFF  }
0xc1: {  	_ =	task.clear_ibuf [dreg:s6], $0x2FFFF;
	_ =	strace $0x9FFFFFFF  }
0xc2: {  	(tm) =	ssettm $0x7FFFFFFF  }
0xc3: {  	_ =	shalt  }
tec
execute0_lowered:
.L_overlay_start_1:
0x0: {  	(tag) =	ssettag $0x1  }
0x1: {  	s6 =	rddreg [dreg:$0x0]  }
0x2: {  	s1 =	rddreg [dreg:$0x1]  }
0x3: {  	s0 =	rddreg [dreg:$0x2]  }
0x4: {  	s3 =	simm.s32 $0x0;
	s2 =	srdreg.scid;
	s13 =	simm.s32 $0x4000  }
0x5: {  	s14 =	simm.s32 $0x50;
	s15 =	simm.s32 $0x8000;
	s16 =	simm.s32 $0x1  }
0x6: {  	s17 =	simm.s32 $0x0;
	[smem:$0x7FF] =	sst s3;
	s7 =	sand.u32 $0x1, s2  }
0x7: {  	s2 =	stileid.u32;
	s4 =	sadd.s32 $0x5A00, s6;
	s5 =	smul.u32 $0x140000, s7  }
0x8: {  	s8 =	sshll.u32 s7, $0xF;
	s9 =	sshll.u32 s2, $0xB;
	s10 =	smul.u32 $0x14000, s2  }
0x9: {  	_ =	strace $0x80000059;
	s29 =	smul.u32 $0x50000, s2;
	s7 =	ssub.s32 $0x2, s7  }
0xa: {  	s31 =	sshll.u32 s2, $0x6;
	s8 =	sor.u32 s9, s8;
	s30 =	sshrl.u32 s7, $0x1  }
0xb: {  	s8 =	sadd.s32 s8, s6;
	s28 =	sadd.s32 s10, s5;
	s5 =	sadd.s32 $0x4FC00, s6  }
0xc: {  	s10 =	sshrl.u32 s29, $0x2;
	s11 =	ssub.s32 s7, s30;
	s9 =	sshrl.u32 s28, $0x3  }
0xd: {  	s12 =	sadd.s32 s10, s1;
	s7 =	sadd.s32 $0xA2400, s8;
	s8 =	sadd.s32 $0x2FA00, s8  }
0xe: {  	s10 =	smax.u32 s11, $0x1;
	s9 =	sadd.s32 s9, s6;
	s6 =	sor.u32 $0x1C02, s31  }
0xf: {  	s11 =	sshrl.u32 s12, $0x3;
	s12 =	simm.s32 $0x2;
	s9 =	sadd.s32 $0xB2400, s9  }
.LBB2_1:
0x10: {  	[spmem:s11], [sflag:s6] =	dma.local [hbm:s5], $0x2800  }
0x11: {  	_ =	swait.ge [sflag:s12], $0x2800  }
0x12: {  	[sflag:s12] =	ssyncset.done $0x0  }
0x13: {  	[sflag:s12] =	ssyncadd.s32 $0xFFFFD800  }
0x14: {  	[tilespmem:s3], [sflag:$0x2] =	stream.linear.gather [hbm4b:s7+s3], $0x3E80, $0x38;
	[tilespmem:$0x1E800] =	vst v63  }
0x15: {  	_ =	swait.ge [sflag:s12], $0x3E80  }
0x16: {  	[sflag:s12] =	ssyncset.done $0x0  }
0x17: {  	[sflag:s12] =	ssyncadd.s32 $0xFFFFC180  }
0x18: {  	[tilespmem:s13], [sflag:$0x2] =	stream.linear.gather [hbm4b:s8+s3], $0x3E80, $0x38;
	[tilespmem:$0x1E800] =	vst v63  }
0x19: {  	_ =	swait.ge [sflag:s12], $0x3E80  }
0x1a: {  	[sflag:s12] =	ssyncset.done $0x0  }
0x1b: {  	[sflag:s12] =	ssyncadd.s32 $0xFFFFC180  }
0x1c: {  	s18 =	simm.s32 $0x0;
	[bflag:$0x0] =	sbarrier.arrive $0xFFFF  }
0x1d: {  	[tilespmem:s15], [sflag:$0x1] =	stream.indirect.gather [hbm4b:s4+s14], $0x80, s18, s14, $0xb8;
	[tilespmem:$0x1E800] =	vst v63  }
0x1e: {  	_ =	swait.ge [sflag:s16], $0x2800  }
0x1f: {  	[sflag:s16] =	ssyncset.done $0x0  }
0x20: {  	s31 =	simm.s32 $0x4000;
	[sflag:s16] =	ssyncadd.s32 $0xFFFFD800  }
0x21: {  	[spmem:s1] =	stream.indirect.scatter.add.f32 [tilespmem:s15], [sflag:$0x2], $0x80, s31, s14, $0xb8;
	[tilespmem:$0x1E800] =	vst v63  }
0x22: {  	_ =	swait.ge [sflag:s12], $0x2800  }
0x23: {  	s19 =	simm.s32 $0x400;
	s18 =	simm.s32 $0x200;
	[sflag:s12] =	ssyncset.done $0x0  }
.LBB2_2:
0x24: {  	s20 =	sshra.s32 s18, $0x2  }
0x25: {  	[sflag:s12] =	ssyncadd.s32 $0xFFFFD800;
	s18 =	smov.u32 s19;
	s21 =	sadd.s32 $0x200, s19  }
0x26: {  	[tilespmem:s15], [sflag:$0x1] =	stream.indirect.gather [hbm4b:s4+s14], $0x80, s20, s14, $0xb8;
	[tilespmem:$0x1E800] =	vst v63  }
0x27: {  	p0 =	sne.s32 s19, $0xF800;
	_ =	swait.ge [sflag:s16], $0x2800  }
.Ltmp0:
0x28: {  	[sflag:s16] =	ssyncset.done $0x0;
	(pc) =	sbr.rel @p0 .LBB2_2-.Ltmp0, $4  }
0x29: {  	s19 =	sadd.s32 $0x4000, s20;
	[sflag:s16] =	ssyncadd.s32 $0xFFFFD800  }
0x2a: {  	[spmem:s1] =	stream.indirect.scatter.add.f32 [tilespmem:s15], [sflag:$0x2], $0x80, s19, s14, $0xb8;
	[tilespmem:$0x1E800] =	vst v63  }
0x2b: {  	_ =	swait.ge [sflag:s12], $0x2800  }
0x2c: {  	s19 =	smov.u32 s21;
	[sflag:s12] =	ssyncset.done $0x0  }
0x2d: {  	s18 =	sshra.s32 s18, $0x2;
	[sflag:s12] =	ssyncadd.s32 $0xFFFFD800  }
0x2e: {  	[tilespmem:s15], [sflag:$0x1] =	stream.indirect.gather [hbm4b:s4+s14], $0x80, s18, s14, $0xb8;
	[tilespmem:$0x1E800] =	vst v63  }
0x2f: {  	_ =	swait.ge [sflag:s16], $0x2800  }
0x30: {  	[sflag:s16] =	ssyncset.done $0x0  }
0x31: {  	s18 =	sadd.s32 $0x4000, s18;
	[sflag:s16] =	ssyncadd.s32 $0xFFFFD800  }
0x32: {  	[spmem:s1] =	stream.indirect.scatter.add.f32 [tilespmem:s15], [sflag:$0x2], $0x80, s18, s14, $0xb8;
	[tilespmem:$0x1E800] =	vst v63  }
0x33: {  	_ =	swait.ge [sflag:s12], $0x2800  }
0x34: {  	s17 =	sadd.s32 $0x1, s17;
	[sflag:s12] =	ssyncset.done $0x0  }
0x35: {  	p0 =	sne.s32 s17, s10;
	[sflag:s12] =	ssyncadd.s32 $0xFFFFD800  }
.Ltmp1:
0x36: {  	[bflag:$0x0] =	sbarrier.arrive $0xFFFF;
	(pc) =	sbr.rel @p0 .LBB2_1-.Ltmp1, $4  }
0x37: {  	[hbm:s9], [sflag:s6] =	dma.local [spmem:s11], $0x2800  }
0x38: {  	_ =	swait.ge [sflag:s12], $0x2800  }
0x39: {  	[sflag:s12] =	ssyncset.done $0x0  }
0x3a: {  	[sflag:s12] =	ssyncadd.s32 $0xFFFFD800  }
0x3b: {  	_ =	sfence.sel $0x180000  }
0x3c: {  	[bflag:$0x0] =	sbarrier.arrive $0xFFFF  }
0x3d: {  	p0 =	sne.s32 s2, $0x0;
	_ =	strace $0x90000059  }
0x3e: {  	s0 =	sadd.s32 @!p0 $0x100000, s0;
	[bflag:$0x2] =	sbarrier.arrive $0xFFFF  }
0x3f: {  	[sflag:s0] =	ssyncadd.tile.s32 @!p0 $0x1;
	_ =	shalt  }
.Lfunc_end2:
_tile_overlayer_lowered:
.L_overlay_start_2:
0x40: {  	(tag) =	ssettag $0x2  }
0x41: {  	s0 =	rddreg [dreg:$0x0];
	s2 =	stileid.u32  }
0x42: {  	s1 =	rddreg [dreg:$0x1];
	p0 =	sne.s32 s2, $0x0  }
0x43: {  	s3 =	rddreg [dreg:$0x2];
	[bflag:$0x3] =	sbarrier.arrive $0xFFFF;
	s2 =	simm.s32 @!p0 $0x1C02  }
0x44: {  	[timem:s3], [sflag:s2] =	dma.local @!p0 [hbm:s0], s1  }
0x45: {  	s0 =	simm.s32 @!p0 $0x2  }
0x46: {  	_ =	swait.ge @!p0 [sflag:s0], s1  }
0x47: {  	s1 =	ssub.s32 @!p0 $0x0, s1;
	[sflag:s0] =	ssyncset.done @!p0 $0x0  }
0x48: {  	[sflag:s0] =	ssyncadd.s32 @!p0 s1  }
0x49: {  	[bflag:$0x3] =	sbarrier.arrive $0xFFFF  }
0x4a: {  	_ =	shalt  }

</sc_bundles>
